<compile_context>
chip_gen: v7x
topology: tpu7x:2x2x1
jax: 0.10.2.dev20260603
libtpu: 0.0.44.dev20260713+nightly
codegen_flags: <defaults>
</compile_context>

<pallas_src>
import jax
import jax.numpy as jnp
import numpy as np
from jax import lax
from jax.experimental import pallas as pl
from jax.experimental.pallas import tpu as pltpu
from jax.experimental.pallas import tpu_sc as plsc

N_NODES = 10000
N_EDGES = 320000
D = 128

NC = 2
NS = 16
NW = NC * NS
CH = 80
NCHUNK = 128
NHALF = 4
HALF = NCHUNK // NHALF
NBUF = 4
EPW = NCHUNK * CH
E_PAD = NW * EPW
N_ACC = 10112
ROWS_SUB = N_ACC // NS


def _sc_body(feat_hbm, src_hbm, dst_hbm, src3_hbm, dst3_hbm, zero_hbm,
             out_hbm,
             src_v, dst_v, rows_v, acc, sem0, sem1, sem2, sem3, init_sem):
    sems = (sem0, sem1, sem2, sem3)
    c = lax.axis_index("c")
    s = lax.axis_index("s")
    w = c * NS + s

    init_cp = pltpu.async_copy(
        zero_hbm.at[pl.ds(s * ROWS_SUB, ROWS_SUB)],
        acc.at[pl.ds(s * ROWS_SUB, ROWS_SUB)], init_sem)
    pltpu.sync_copy(src_hbm.at[w].at[pl.ds(0, HALF)], src_v)
    pltpu.sync_copy(dst_hbm.at[w].at[pl.ds(0, HALF)], dst_v)
    for b in range(NBUF):
        pltpu.async_copy(feat_hbm.at[src_v.at[b]], rows_v.at[b], sems[b])
    init_cp.wait()
    plsc.subcore_barrier()

    for ph in range(NHALF):
        if ph > 0:
            if ph < NHALF - 1:
                pltpu.sync_copy(src_hbm.at[w].at[pl.ds(ph * HALF, HALF)],
                                src_v)
                pltpu.sync_copy(dst_hbm.at[w].at[pl.ds(ph * HALF, HALF)],
                                dst_v)
            else:
                pltpu.sync_copy(src3_hbm.at[w], src_v)
                pltpu.sync_copy(dst3_hbm.at[w], dst_v)
            for b in range(NBUF):
                pltpu.async_copy(
                    feat_hbm.at[src_v.at[b]], rows_v.at[b], sems[b])

        @pl.loop(0, (HALF - NBUF) // NBUF)
        def _grp(g):
            base = g * NBUF
            for b in range(NBUF):
                j = base + b
                pltpu.make_async_copy(
                    feat_hbm.at[src_v.at[j]], rows_v.at[b], sems[b]).wait()
                pltpu.sync_copy(rows_v.at[b], acc.at[dst_v.at[j]], add=True)
                pltpu.async_copy(
                    feat_hbm.at[src_v.at[j + NBUF]], rows_v.at[b], sems[b])

        for b in range(NBUF):
            j = HALF - NBUF + b
            pltpu.make_async_copy(
                feat_hbm.at[src_v.at[j]], rows_v.at[b], sems[b]).wait()
            pltpu.sync_copy(rows_v.at[b], acc.at[dst_v.at[j]], add=True)

    plsc.subcore_barrier()

    pltpu.sync_copy(acc.at[pl.ds(s * ROWS_SUB, ROWS_SUB)],
                    out_hbm.at[c].at[pl.ds(s * ROWS_SUB, ROWS_SUB)])


_sc_scatter = pl.kernel(
    _sc_body,
    out_type=jax.ShapeDtypeStruct((NC, N_ACC, D), jnp.float32),
    mesh=plsc.VectorSubcoreMesh(core_axis_name="c", subcore_axis_name="s"),
    scratch_types=[
        pltpu.VMEM((HALF, CH), jnp.int32),
        pltpu.VMEM((HALF, CH), jnp.int32),
        pltpu.VMEM((NBUF, CH, D), jnp.float32),
        pltpu.VMEM_SHARED((N_ACC, D), jnp.float32),
        pltpu.SemaphoreType.DMA,
        pltpu.SemaphoreType.DMA,
        pltpu.SemaphoreType.DMA,
        pltpu.SemaphoreType.DMA,
        pltpu.SemaphoreType.DMA,
    ],
)


def _tc_body(p_ref, w_ref, b_ref, o_ref):
    h = p_ref[0] + p_ref[1]
    o_ref[...] = lax.dot_general(
        h, w_ref[...], (((1,), (1,)), ((), ())),
        preferred_element_type=jnp.float32) + b_ref[...]


_ROWS_BLK = 2000
_tc_proj = pl.pallas_call(
    _tc_body,
    grid=(N_NODES // _ROWS_BLK,),
    in_specs=[
        pl.BlockSpec((NC, _ROWS_BLK, D), lambda i: (0, i, 0)),
        pl.BlockSpec((D, D), lambda i: (0, 0)),
        pl.BlockSpec((1, D), lambda i: (0, 0)),
    ],
    out_specs=pl.BlockSpec((_ROWS_BLK, D), lambda i: (i, 0)),
    out_shape=jax.ShapeDtypeStruct((N_NODES, D), jnp.float32),
)


_EPW_REAL = N_EDGES // NW
_NCH_REAL = _EPW_REAL // CH
_NCH_MAIN = (NHALF - 1) * HALF
_PAD = EPW - _EPW_REAL
_PAD_SRC = (np.arange(NW * _PAD, dtype=np.int32) % N_NODES).reshape(NW, _PAD)
_PAD_DST = np.broadcast_to(
    N_NODES + (np.arange(_PAD, dtype=np.int32) % (N_ACC - N_NODES)),
    (NW, _PAD)).copy()
_ZEROS = np.zeros((N_ACC, D), np.float32)


def kernel(feature, edge_index, W, b):
    src = edge_index[0].astype(jnp.int32).reshape(NW, _NCH_REAL, CH)
    dst = edge_index[1].astype(jnp.int32).reshape(NW, _NCH_REAL, CH)
    src3 = jnp.concatenate(
        [src[:, _NCH_MAIN:].reshape(NW, -1), _PAD_SRC],
        axis=1).reshape(NW, HALF, CH)
    dst3 = jnp.concatenate(
        [dst[:, _NCH_MAIN:].reshape(NW, -1), _PAD_DST],
        axis=1).reshape(NW, HALF, CH)
    partials = _sc_scatter(feature, src, dst, src3, dst3, _ZEROS)
    return _tc_proj(partials, W, b.reshape(1, D))

# --- scband reference (transcript-rebuilt; emitter-appended) ---
"""Pipeline reference for scband-gcnlayer-33062658245473 (READ-ONLY COPY).

The authoritative reference and input builder live on the scoring server;
editing this copy changes nothing except your own understanding.
"""

import jax, jax.numpy as jnp
import numpy as np

N_NODES = 10000
N_EDGES = 320000
D_IN = 128
D_OUT = 128

def setup_inputs(seed: int = 0) -> dict:
    key = jax.random.key(seed)
    k1, k2, k3, k4 = jax.random.split(key, 4)
    feature = jax.random.normal(k1, (N_NODES, D_IN), dtype=jnp.float32)
    edge_index = jax.random.randint(k2, (2, N_EDGES), 0, N_NODES, dtype=jnp.int64)
    # linear layer params (nn.Linear(in_feats, out_feats)): W [out, in], b [out]
    bound = 1.0 / np.sqrt(D_IN)
    W = jax.random.uniform(k3, (D_OUT, D_IN), minval=-bound, maxval=bound, dtype=jnp.float32)
    b = jax.random.uniform(k4, (D_OUT,), minval=-bound, maxval=bound, dtype=jnp.float32)
    return {"feature": feature, "edge_index": edge_index, "W": W, "b": b}

def reference(feature, edge_index, W, b):
    # gcn_msg = copy_src('h' -> 'm'): gather source node features along edges
    src = edge_index[0]
    dst = edge_index[1]
    msg = jnp.take(feature, src, axis=0)              # [E, D_IN] gather
    # gcn_reduce = sum('m' -> 'h'): scatter-add messages to destination nodes
    h = jax.ops.segment_sum(msg, dst, num_segments=feature.shape[0])  # [N, D_IN]
    # final linear projection
    return h @ W.T + b

if __name__ == "__main__":
    import jax
    _d = setup_inputs()
    print(jax.jit(kernel)(*tuple(_d.values())))

</pallas_src>

<mosaic_0001>
#map = affine_map<(d0, d1) -> (0, 0)>
#map1 = affine_map<(d0, d1) -> (0, 0, 0)>
module attributes {stable_mosaic.version = 14 : i64} {
  func.func @_sc_body(%arg0: i32, %arg1: i32, %arg2: memref<10000x128xf32, #tpu.memory_space<hbm>>, %arg3: memref<32x125x80xi32, #tpu.memory_space<hbm>>, %arg4: memref<32x125x80xi32, #tpu.memory_space<hbm>>, %arg5: memref<32x32x80xi32, #tpu.memory_space<hbm>>, %arg6: memref<32x32x80xi32, #tpu.memory_space<hbm>>, %arg7: memref<10112x128xf32, #tpu.memory_space<hbm>>, %arg8: memref<2x10112x128xf32, #tpu.memory_space<hbm>>, %arg9: memref<32x80xi32, #tpu.memory_space<vmem>>, %arg10: memref<32x80xi32, #tpu.memory_space<vmem>>, %arg11: memref<4x80x128xf32, #tpu.memory_space<vmem>>, %arg12: memref<10112x128xf32, #tpu.memory_space<vmem_shared>>, %arg13: memref<!tpu.dma_semaphore, #tpu.memory_space<semaphore_mem>>, %arg14: memref<!tpu.dma_semaphore, #tpu.memory_space<semaphore_mem>>, %arg15: memref<!tpu.dma_semaphore, #tpu.memory_space<semaphore_mem>>, %arg16: memref<!tpu.dma_semaphore, #tpu.memory_space<semaphore_mem>>, %arg17: memref<!tpu.dma_semaphore, #tpu.memory_space<semaphore_mem>>) attributes {dimension_semantics = [#tpu.dimension_semantics<core_parallel>, #tpu.dimension_semantics<subcore_parallel>], iteration_bounds = array<i64: 2, 16>, scalar_prefetch = 0 : i64, scratch_operands = 9 : i64, tpu.core_type = #tpu.core_type<sc_vector_subcore>, window_params = [{transform_indices = #map}, {transform_indices = #map1}, {transform_indices = #map1}, {transform_indices = #map1}, {transform_indices = #map1}, {transform_indices = #map}, {transform_indices = #map1}]} {
    %mul3A = arith.constant 16 : i32
    %mul3A_0 = arith.muli %arg0, %mul3A : i32
    %add3A = arith.addi %mul3A_0, %arg1 : i32
    %mul3A_1 = arith.constant 632 : i32
    %mul3A_2 = arith.muli %arg1, %mul3A_1 : i32
    %mul3A_3 = arith.constant 632 : i32
    %mul3A_4 = arith.muli %arg1, %mul3A_3 : i32
    %dma_start3A = arith.constant 0 : i32
    %dma_start3A_5 = tpu.memref_slice %arg12[%mul3A_4, %dma_start3A] : memref<10112x128xf32, #tpu.memory_space<vmem_shared>> -> memref<632x128xf32, #tpu.memory_space<vmem_shared>>
    %dma_start3A_6 = arith.constant 0 : i32
    %dma_start3A_7 = tpu.memref_slice %arg7[%mul3A_2, %dma_start3A_6] : memref<10112x128xf32, #tpu.memory_space<hbm>> -> memref<632x128xf32, #tpu.memory_space<hbm>>
    tpu.enqueue_dma source(%dma_start3A_7 : memref<632x128xf32, #tpu.memory_space<hbm>>) target(%dma_start3A_5 : memref<632x128xf32, #tpu.memory_space<vmem_shared>>) target_semaphore(%arg17 : memref<!tpu.dma_semaphore, #tpu.memory_space<semaphore_mem>>)
    "tpu.region"() ({
      %run_scoped3A_450 = tpu.sem_alloc : memref<!tpu.dma_semaphore, #tpu.memory_space<semaphore_mem>>
      %dma_start3A_451 = arith.constant 0 : i32
      %dma_start3A_452 = arith.constant 0 : i32
      %dma_start3A_453 = tpu.memref_slice %arg3[%add3A, %dma_start3A_451, %dma_start3A_452] : memref<32x125x80xi32, #tpu.memory_space<hbm>> -> memref<1x125x80xi32, #tpu.memory_space<hbm>>
      %dma_start3A_454 = tpu.memref_squeeze %dma_start3A_453 : memref<1x125x80xi32, #tpu.memory_space<hbm>> -> memref<125x80xi32, #tpu.memory_space<hbm>>
      %dma_start3A_455 = arith.constant 0 : i32
      %dma_start3A_456 = arith.constant 0 : i32
      %dma_start3A_457 = tpu.memref_slice %dma_start3A_454[%dma_start3A_455, %dma_start3A_456] : memref<125x80xi32, #tpu.memory_space<hbm>> -> memref<32x80xi32, #tpu.memory_space<hbm>>
      %dma_start3A_458 = arith.constant 0 : i32
      %dma_start3A_459 = arith.constant 0 : i32
      %dma_start3A_460 = tpu.memref_slice %arg3[%add3A, %dma_start3A_458, %dma_start3A_459] : memref<32x125x80xi32, #tpu.memory_space<hbm>> -> memref<1x125x80xi32, #tpu.memory_space<hbm>>
      %dma_start3A_461 = tpu.memref_squeeze %dma_start3A_460 : memref<1x125x80xi32, #tpu.memory_space<hbm>> -> memref<125x80xi32, #tpu.memory_space<hbm>>
      %dma_start3A_462 = arith.constant 0 : i32
      %dma_start3A_463 = arith.constant 0 : i32
      %dma_start3A_464 = tpu.memref_slice %dma_start3A_461[%dma_start3A_462, %dma_start3A_463] : memref<125x80xi32, #tpu.memory_space<hbm>> -> memref<32x80xi32, #tpu.memory_space<hbm>>
      tpu.enqueue_dma source(%dma_start3A_464 : memref<32x80xi32, #tpu.memory_space<hbm>>) target(%arg9 : memref<32x80xi32, #tpu.memory_space<vmem>>) target_semaphore(%run_scoped3A_450 : memref<!tpu.dma_semaphore, #tpu.memory_space<semaphore_mem>>)
      %dma_wait3A_465 = arith.constant 0 : i32
      %dma_wait3A_466 = arith.constant 0 : i32
      %dma_wait3A_467 = tpu.memref_slice %arg3[%add3A, %dma_wait3A_465, %dma_wait3A_466] : memref<32x125x80xi32, #tpu.memory_space<hbm>> -> memref<1x125x80xi32, #tpu.memory_space<hbm>>
      %dma_wait3A_468 = tpu.memref_squeeze %dma_wait3A_467 : memref<1x125x80xi32, #tpu.memory_space<hbm>> -> memref<125x80xi32, #tpu.memory_space<hbm>>
      %dma_wait3A_469 = arith.constant 0 : i32
      %dma_wait3A_470 = arith.constant 0 : i32
      %dma_wait3A_471 = tpu.memref_slice %dma_wait3A_468[%dma_wait3A_469, %dma_wait3A_470] : memref<125x80xi32, #tpu.memory_space<hbm>> -> memref<32x80xi32, #tpu.memory_space<hbm>>
      %dma_wait3A_472 = arith.constant 0 : i32
      %dma_wait3A_473 = arith.constant 0 : i32
      %dma_wait3A_474 = tpu.memref_slice %arg3[%add3A, %dma_wait3A_472, %dma_wait3A_473] : memref<32x125x80xi32, #tpu.memory_space<hbm>> -> memref<1x125x80xi32, #tpu.memory_space<hbm>>
      %dma_wait3A_475 = tpu.memref_squeeze %dma_wait3A_474 : memref<1x125x80xi32, #tpu.memory_space<hbm>> -> memref<125x80xi32, #tpu.memory_space<hbm>>
      %dma_wait3A_476 = arith.constant 0 : i32
      %dma_wait3A_477 = arith.constant 0 : i32
      %dma_wait3A_478 = tpu.memref_slice %dma_wait3A_475[%dma_wait3A_476, %dma_wait3A_477] : memref<125x80xi32, #tpu.memory_space<hbm>> -> memref<32x80xi32, #tpu.memory_space<hbm>>
      tpu.wait_dma2 semaphore(%run_scoped3A_450 : memref<!tpu.dma_semaphore, #tpu.memory_space<semaphore_mem>>) src(%dma_wait3A_478 : memref<32x80xi32, #tpu.memory_space<hbm>>) dst(%arg9 : memref<32x80xi32, #tpu.memory_space<vmem>>)
      tpu.yield
    }) : () -> ()
    "tpu.region"() ({
      %run_scoped3A_450 = tpu.sem_alloc : memref<!tpu.dma_semaphore, #tpu.memory_space<semaphore_mem>>
      %dma_start3A_451 = arith.constant 0 : i32
      %dma_start3A_452 = arith.constant 0 : i32
      %dma_start3A_453 = tpu.memref_slice %arg4[%add3A, %dma_start3A_451, %dma_start3A_452] : memref<32x125x80xi32, #tpu.memory_space<hbm>> -> memref<1x125x80xi32, #tpu.memory_space<hbm>>
      %dma_start3A_454 = tpu.memref_squeeze %dma_start3A_453 : memref<1x125x80xi32, #tpu.memory_space<hbm>> -> memref<125x80xi32, #tpu.memory_space<hbm>>
      %dma_start3A_455 = arith.constant 0 : i32
      %dma_start3A_456 = arith.constant 0 : i32
      %dma_start3A_457 = tpu.memref_slice %dma_start3A_454[%dma_start3A_455, %dma_start3A_456] : memref<125x80xi32, #tpu.memory_space<hbm>> -> memref<32x80xi32, #tpu.memory_space<hbm>>
      %dma_start3A_458 = arith.constant 0 : i32
      %dma_start3A_459 = arith.constant 0 : i32
      %dma_start3A_460 = tpu.memref_slice %arg4[%add3A, %dma_start3A_458, %dma_start3A_459] : memref<32x125x80xi32, #tpu.memory_space<hbm>> -> memref<1x125x80xi32, #tpu.memory_space<hbm>>
      %dma_start3A_461 = tpu.memref_squeeze %dma_start3A_460 : memref<1x125x80xi32, #tpu.memory_space<hbm>> -> memref<125x80xi32, #tpu.memory_space<hbm>>
      %dma_start3A_462 = arith.constant 0 : i32
      %dma_start3A_463 = arith.constant 0 : i32
      %dma_start3A_464 = tpu.memref_slice %dma_start3A_461[%dma_start3A_462, %dma_start3A_463] : memref<125x80xi32, #tpu.memory_space<hbm>> -> memref<32x80xi32, #tpu.memory_space<hbm>>
      tpu.enqueue_dma source(%dma_start3A_464 : memref<32x80xi32, #tpu.memory_space<hbm>>) target(%arg10 : memref<32x80xi32, #tpu.memory_space<vmem>>) target_semaphore(%run_scoped3A_450 : memref<!tpu.dma_semaphore, #tpu.memory_space<semaphore_mem>>)
      %dma_wait3A_465 = arith.constant 0 : i32
      %dma_wait3A_466 = arith.constant 0 : i32
      %dma_wait3A_467 = tpu.memref_slice %arg4[%add3A, %dma_wait3A_465, %dma_wait3A_466] : memref<32x125x80xi32, #tpu.memory_space<hbm>> -> memref<1x125x80xi32, #tpu.memory_space<hbm>>
      %dma_wait3A_468 = tpu.memref_squeeze %dma_wait3A_467 : memref<1x125x80xi32, #tpu.memory_space<hbm>> -> memref<125x80xi32, #tpu.memory_space<hbm>>
      %dma_wait3A_469 = arith.constant 0 : i32
      %dma_wait3A_470 = arith.constant 0 : i32
      %dma_wait3A_471 = tpu.memref_slice %dma_wait3A_468[%dma_wait3A_469, %dma_wait3A_470] : memref<125x80xi32, #tpu.memory_space<hbm>> -> memref<32x80xi32, #tpu.memory_space<hbm>>
      %dma_wait3A_472 = arith.constant 0 : i32
      %dma_wait3A_473 = arith.constant 0 : i32
      %dma_wait3A_474 = tpu.memref_slice %arg4[%add3A, %dma_wait3A_472, %dma_wait3A_473] : memref<32x125x80xi32, #tpu.memory_space<hbm>> -> memref<1x125x80xi32, #tpu.memory_space<hbm>>
      %dma_wait3A_475 = tpu.memref_squeeze %dma_wait3A_474 : memref<1x125x80xi32, #tpu.memory_space<hbm>> -> memref<125x80xi32, #tpu.memory_space<hbm>>
      %dma_wait3A_476 = arith.constant 0 : i32
      %dma_wait3A_477 = arith.constant 0 : i32
      %dma_wait3A_478 = tpu.memref_slice %dma_wait3A_475[%dma_wait3A_476, %dma_wait3A_477] : memref<125x80xi32, #tpu.memory_space<hbm>> -> memref<32x80xi32, #tpu.memory_space<hbm>>
      tpu.wait_dma2 semaphore(%run_scoped3A_450 : memref<!tpu.dma_semaphore, #tpu.memory_space<semaphore_mem>>) src(%dma_wait3A_478 : memref<32x80xi32, #tpu.memory_space<hbm>>) dst(%arg10 : memref<32x80xi32, #tpu.memory_space<vmem>>)
      tpu.yield
    }) : () -> ()
    %dma_start3A_8 = arith.constant 0 : i32
    %dma_start3A_9 = arith.constant 0 : i32
    %dma_start3A_10 = arith.constant 0 : i32
    %dma_start3A_11 = arith.constant 0 : i32
    %dma_start3A_12 = tpu.memref_slice %arg11[%dma_start3A_9, %dma_start3A_10, %dma_start3A_11] : memref<4x80x128xf32, #tpu.memory_space<vmem>> -> memref<1x80x128xf32, #tpu.memory_space<vmem>>
    %dma_start3A_13 = tpu.memref_squeeze %dma_start3A_12 : memref<1x80x128xf32, #tpu.memory_space<vmem>> -> memref<80x128xf32, #tpu.memory_space<vmem>>
    %dma_start3A_14 = arith.constant 0 : i32
    %dma_start3A_15 = tpu.memref_slice %arg9[%dma_start3A_8, %dma_start3A_14] : memref<32x80xi32, #tpu.memory_space<vmem>> -> memref<1x80xi32, #tpu.memory_space<vmem>>
    %dma_start3A_16 = tpu.memref_squeeze %dma_start3A_15 : memref<1x80xi32, #tpu.memory_space<vmem>> -> memref<80xi32, #tpu.memory_space<vmem>>
    %dma_start3A_17 = arith.constant 0 : i32
    %dma_start3A_18 = arith.constant 0 : i32
    %dma_start3A_19 = tpu.memref_slice %arg2[%dma_start3A_17, %dma_start3A_18] : memref<10000x128xf32, #tpu.memory_space<hbm>> -> memref<10000x128xf32, #tpu.memory_space<hbm>>
    tpu.enqueue_indirect_dma source(%dma_start3A_19 : memref<10000x128xf32, #tpu.memory_space<hbm>>) target(%dma_start3A_13 : memref<80x128xf32, #tpu.memory_space<vmem>>) offsets(%dma_start3A_16 : memref<80xi32, #tpu.memory_space<vmem>>) semaphore(%arg13 : memref<!tpu.dma_semaphore, #tpu.memory_space<semaphore_mem>>)
    %dma_start3A_20 = arith.constant 1 : i32
    %dma_start3A_21 = arith.constant 1 : i32
    %dma_start3A_22 = arith.constant 0 : i32
    %dma_start3A_23 = arith.constant 0 : i32
    %dma_start3A_24 = tpu.memref_slice %arg11[%dma_start3A_21, %dma_start3A_22, %dma_start3A_23] : memref<4x80x128xf32, #tpu.memory_space<vmem>> -> memref<1x80x128xf32, #tpu.memory_space<vmem>>
    %dma_start3A_25 = tpu.memref_squeeze %dma_start3A_24 : memref<1x80x128xf32, #tpu.memory_space<vmem>> -> memref<80x128xf32, #tpu.memory_space<vmem>>
    %dma_start3A_26 = arith.constant 0 : i32
    %dma_start3A_27 = tpu.memref_slice %arg9[%dma_start3A_20, %dma_start3A_26] : memref<32x80xi32, #tpu.memory_space<vmem>> -> memref<1x80xi32, #tpu.memory_space<vmem>>
    %dma_start3A_28 = tpu.memref_squeeze %dma_start3A_27 : memref<1x80xi32, #tpu.memory_space<vmem>> -> memref<80xi32, #tpu.memory_space<vmem>>
    %dma_start3A_29 = arith.constant 0 : i32
    %dma_start3A_30 = arith.constant 0 : i32
    %dma_start3A_31 = tpu.memref_slice %arg2[%dma_start3A_29, %dma_start3A_30] : memref<10000x128xf32, #tpu.memory_space<hbm>> -> memref<10000x128xf32, #tpu.memory_space<hbm>>
    tpu.enqueue_indirect_dma source(%dma_start3A_31 : memref<10000x128xf32, #tpu.memory_space<hbm>>) target(%dma_start3A_25 : memref<80x128xf32, #tpu.memory_space<vmem>>) offsets(%dma_start3A_28 : memref<80xi32, #tpu.memory_space<vmem>>) semaphore(%arg14 : memref<!tpu.dma_semaphore, #tpu.memory_space<semaphore_mem>>)
    %dma_start3A_32 = arith.constant 2 : i32
    %dma_start3A_33 = arith.constant 2 : i32
    %dma_start3A_34 = arith.constant 0 : i32
    %dma_start3A_35 = arith.constant 0 : i32
    %dma_start3A_36 = tpu.memref_slice %arg11[%dma_start3A_33, %dma_start3A_34, %dma_start3A_35] : memref<4x80x128xf32, #tpu.memory_space<vmem>> -> memref<1x80x128xf32, #tpu.memory_space<vmem>>
    %dma_start3A_37 = tpu.memref_squeeze %dma_start3A_36 : memref<1x80x128xf32, #tpu.memory_space<vmem>> -> memref<80x128xf32, #tpu.memory_space<vmem>>
    %dma_start3A_38 = arith.constant 0 : i32
    %dma_start3A_39 = tpu.memref_slice %arg9[%dma_start3A_32, %dma_start3A_38] : memref<32x80xi32, #tpu.memory_space<vmem>> -> memref<1x80xi32, #tpu.memory_space<vmem>>
    %dma_start3A_40 = tpu.memref_squeeze %dma_start3A_39 : memref<1x80xi32, #tpu.memory_space<vmem>> -> memref<80xi32, #tpu.memory_space<vmem>>
    %dma_start3A_41 = arith.constant 0 : i32
    %dma_start3A_42 = arith.constant 0 : i32
    %dma_start3A_43 = tpu.memref_slice %arg2[%dma_start3A_41, %dma_start3A_42] : memref<10000x128xf32, #tpu.memory_space<hbm>> -> memref<10000x128xf32, #tpu.memory_space<hbm>>
    tpu.enqueue_indirect_dma source(%dma_start3A_43 : memref<10000x128xf32, #tpu.memory_space<hbm>>) target(%dma_start3A_37 : memref<80x128xf32, #tpu.memory_space<vmem>>) offsets(%dma_start3A_40 : memref<80xi32, #tpu.memory_space<vmem>>) semaphore(%arg15 : memref<!tpu.dma_semaphore, #tpu.memory_space<semaphore_mem>>)
    %dma_start3A_44 = arith.constant 3 : i32
    %dma_start3A_45 = arith.constant 3 : i32
    %dma_start3A_46 = arith.constant 0 : i32
    %dma_start3A_47 = arith.constant 0 : i32
    %dma_start3A_48 = tpu.memref_slice %arg11[%dma_start3A_45, %dma_start3A_46, %dma_start3A_47] : memref<4x80x128xf32, #tpu.memory_space<vmem>> -> memref<1x80x128xf32, #tpu.memory_space<vmem>>
    %dma_start3A_49 = tpu.memref_squeeze %dma_start3A_48 : memref<1x80x128xf32, #tpu.memory_space<vmem>> -> memref<80x128xf32, #tpu.memory_space<vmem>>
    %dma_start3A_50 = arith.constant 0 : i32
    %dma_start3A_51 = tpu.memref_slice %arg9[%dma_start3A_44, %dma_start3A_50] : memref<32x80xi32, #tpu.memory_space<vmem>> -> memref<1x80xi32, #tpu.memory_space<vmem>>
    %dma_start3A_52 = tpu.memref_squeeze %dma_start3A_51 : memref<1x80xi32, #tpu.memory_space<vmem>> -> memref<80xi32, #tpu.memory_space<vmem>>
    %dma_start3A_53 = arith.constant 0 : i32
    %dma_start3A_54 = arith.constant 0 : i32
    %dma_start3A_55 = tpu.memref_slice %arg2[%dma_start3A_53, %dma_start3A_54] : memref<10000x128xf32, #tpu.memory_space<hbm>> -> memref<10000x128xf32, #tpu.memory_space<hbm>>
    tpu.enqueue_indirect_dma source(%dma_start3A_55 : memref<10000x128xf32, #tpu.memory_space<hbm>>) target(%dma_start3A_49 : memref<80x128xf32, #tpu.memory_space<vmem>>) offsets(%dma_start3A_52 : memref<80xi32, #tpu.memory_space<vmem>>) semaphore(%arg16 : memref<!tpu.dma_semaphore, #tpu.memory_space<semaphore_mem>>)
    %dma_wait3A = arith.constant 0 : i32
    %dma_wait3A_56 = tpu.memref_slice %arg12[%mul3A_4, %dma_wait3A] : memref<10112x128xf32, #tpu.memory_space<vmem_shared>> -> memref<632x128xf32, #tpu.memory_space<vmem_shared>>
    %dma_wait3A_57 = arith.constant 0 : i32
    %dma_wait3A_58 = tpu.memref_slice %arg7[%mul3A_2, %dma_wait3A_57] : memref<10112x128xf32, #tpu.memory_space<hbm>> -> memref<632x128xf32, #tpu.memory_space<hbm>>
    tpu.wait_dma2 semaphore(%arg17 : memref<!tpu.dma_semaphore, #tpu.memory_space<semaphore_mem>>) src(%dma_wait3A_58 : memref<632x128xf32, #tpu.memory_space<hbm>>) dst(%dma_wait3A_56 : memref<632x128xf32, #tpu.memory_space<vmem_shared>>)
    %barrier3A = arith.constant 0 : index
    tpu.barrier barrier_id(%barrier3A)
    %scan3A = arith.constant 0 : i32
    %scan3A_59 = arith.constant 7 : i32
    %scan3A_60 = arith.addi %scan3A, %scan3A_59 : i32
    %scan3A_61 = arith.constant 1 : i32
    scf.for %scan3A_450 = %scan3A to %scan3A_60 step %scan3A_61  : i32 {
      %mul3A_451 = arith.constant 1 : i32
      %mul3A_452 = arith.muli %scan3A_450, %mul3A_451 : i32
      %add3A_453 = arith.constant 0 : i32
      %add3A_454 = arith.addi %add3A_453, %mul3A_452 : i32
      %mul3A_455 = arith.constant 4 : i32
      %mul3A_456 = arith.muli %add3A_454, %mul3A_455 : i32
      %add3A_457 = arith.constant 0 : i32
      %add3A_458 = arith.addi %mul3A_456, %add3A_457 : i32
      %dma_wait3A_459 = arith.constant 0 : i32
      %dma_wait3A_460 = arith.constant 0 : i32
      %dma_wait3A_461 = arith.constant 0 : i32
      %dma_wait3A_462 = tpu.memref_slice %arg11[%dma_wait3A_459, %dma_wait3A_460, %dma_wait3A_461] : memref<4x80x128xf32, #tpu.memory_space<vmem>> -> memref<1x80x128xf32, #tpu.memory_space<vmem>>
      %dma_wait3A_463 = tpu.memref_squeeze %dma_wait3A_462 : memref<1x80x128xf32, #tpu.memory_space<vmem>> -> memref<80x128xf32, #tpu.memory_space<vmem>>
      %dma_wait3A_464 = arith.constant 0 : i32
      %dma_wait3A_465 = tpu.memref_slice %arg9[%add3A_458, %dma_wait3A_464] : memref<32x80xi32, #tpu.memory_space<vmem>> -> memref<1x80xi32, #tpu.memory_space<vmem>>
      %dma_wait3A_466 = tpu.memref_squeeze %dma_wait3A_465 : memref<1x80xi32, #tpu.memory_space<vmem>> -> memref<80xi32, #tpu.memory_space<vmem>>
      %dma_wait3A_467 = arith.constant 0 : i32
      %dma_wait3A_468 = arith.constant 0 : i32
      %dma_wait3A_469 = tpu.memref_slice %arg2[%dma_wait3A_467, %dma_wait3A_468] : memref<10000x128xf32, #tpu.memory_space<hbm>> -> memref<10000x128xf32, #tpu.memory_space<hbm>>
      tpu.wait_indirect_dma semaphore(%arg13 : memref<!tpu.dma_semaphore, #tpu.memory_space<semaphore_mem>>) src(%dma_wait3A_469 : memref<10000x128xf32, #tpu.memory_space<hbm>>) dst(%dma_wait3A_463 : memref<80x128xf32, #tpu.memory_space<vmem>>)
      %run_scoped3A_470 = arith.constant 0 : i32
      "tpu.region"() ({
        %run_scoped3A_565 = tpu.sem_alloc : memref<!tpu.dma_semaphore, #tpu.memory_space<semaphore_mem>>
        %dma_start3A_566 = arith.constant 0 : i32
        %dma_start3A_567 = arith.constant 0 : i32
        %dma_start3A_568 = tpu.memref_slice %arg11[%run_scoped3A_470, %dma_start3A_566, %dma_start3A_567] : memref<4x80x128xf32, #tpu.memory_space<vmem>> -> memref<1x80x128xf32, #tpu.memory_space<vmem>>
        %dma_start3A_569 = tpu.memref_squeeze %dma_start3A_568 : memref<1x80x128xf32, #tpu.memory_space<vmem>> -> memref<80x128xf32, #tpu.memory_space<vmem>>
        %dma_start3A_570 = arith.constant 0 : i32
        %dma_start3A_571 = tpu.memref_slice %arg10[%add3A_458, %dma_start3A_570] : memref<32x80xi32, #tpu.memory_space<vmem>> -> memref<1x80xi32, #tpu.memory_space<vmem>>
        %dma_start3A_572 = tpu.memref_squeeze %dma_start3A_571 : memref<1x80xi32, #tpu.memory_space<vmem>> -> memref<80xi32, #tpu.memory_space<vmem>>
        %dma_start3A_573 = arith.constant 0 : i32
        %dma_start3A_574 = arith.constant 0 : i32
        %dma_start3A_575 = tpu.memref_slice %arg12[%dma_start3A_573, %dma_start3A_574] : memref<10112x128xf32, #tpu.memory_space<vmem_shared>> -> memref<10112x128xf32, #tpu.memory_space<vmem_shared>>
        tpu.enqueue_indirect_dma source(%dma_start3A_569 : memref<80x128xf32, #tpu.memory_space<vmem>>) target(%dma_start3A_575 : memref<10112x128xf32, #tpu.memory_space<vmem_shared>>) offsets(%dma_start3A_572 : memref<80xi32, #tpu.memory_space<vmem>>) semaphore(%run_scoped3A_565 : memref<!tpu.dma_semaphore, #tpu.memory_space<semaphore_mem>>) {add = true}
        %dma_wait3A_576 = arith.constant 0 : i32
        %dma_wait3A_577 = arith.constant 0 : i32
        %dma_wait3A_578 = tpu.memref_slice %arg11[%run_scoped3A_470, %dma_wait3A_576, %dma_wait3A_577] : memref<4x80x128xf32, #tpu.memory_space<vmem>> -> memref<1x80x128xf32, #tpu.memory_space<vmem>>
        %dma_wait3A_579 = tpu.memref_squeeze %dma_wait3A_578 : memref<1x80x128xf32, #tpu.memory_space<vmem>> -> memref<80x128xf32, #tpu.memory_space<vmem>>
        %dma_wait3A_580 = arith.constant 0 : i32
        %dma_wait3A_581 = tpu.memref_slice %arg10[%add3A_458, %dma_wait3A_580] : memref<32x80xi32, #tpu.memory_space<vmem>> -> memref<1x80xi32, #tpu.memory_space<vmem>>
        %dma_wait3A_582 = tpu.memref_squeeze %dma_wait3A_581 : memref<1x80xi32, #tpu.memory_space<vmem>> -> memref<80xi32, #tpu.memory_space<vmem>>
        %dma_wait3A_583 = arith.constant 0 : i32
        %dma_wait3A_584 = arith.constant 0 : i32
        %dma_wait3A_585 = tpu.memref_slice %arg12[%dma_wait3A_583, %dma_wait3A_584] : memref<10112x128xf32, #tpu.memory_space<vmem_shared>> -> memref<10112x128xf32, #tpu.memory_space<vmem_shared>>
        tpu.wait_indirect_dma semaphore(%run_scoped3A_565 : memref<!tpu.dma_semaphore, #tpu.memory_space<semaphore_mem>>) src(%dma_wait3A_579 : memref<80x128xf32, #tpu.memory_space<vmem>>) dst(%dma_wait3A_585 : memref<10112x128xf32, #tpu.memory_space<vmem_shared>>)
        tpu.yield
      }) : () -> ()
      %add3A_471 = arith.constant 4 : i32
      %add3A_472 = arith.addi %add3A_458, %add3A_471 : i32
      %dma_start3A_473 = arith.constant 0 : i32
      %dma_start3A_474 = arith.constant 0 : i32
      %dma_start3A_475 = arith.constant 0 : i32
      %dma_start3A_476 = tpu.memref_slice %arg11[%dma_start3A_473, %dma_start3A_474, %dma_start3A_475] : memref<4x80x128xf32, #tpu.memory_space<vmem>> -> memref<1x80x128xf32, #tpu.memory_space<vmem>>
      %dma_start3A_477 = tpu.memref_squeeze %dma_start3A_476 : memref<1x80x128xf32, #tpu.memory_space<vmem>> -> memref<80x128xf32, #tpu.memory_space<vmem>>
      %dma_start3A_478 = arith.constant 0 : i32
      %dma_start3A_479 = tpu.memref_slice %arg9[%add3A_472, %dma_start3A_478] : memref<32x80xi32, #tpu.memory_space<vmem>> -> memref<1x80xi32, #tpu.memory_space<vmem>>
      %dma_start3A_480 = tpu.memref_squeeze %dma_start3A_479 : memref<1x80xi32, #tpu.memory_space<vmem>> -> memref<80xi32, #tpu.memory_space<vmem>>
      %dma_start3A_481 = arith.constant 0 : i32
      %dma_start3A_482 = arith.constant 0 : i32
      %dma_start3A_483 = tpu.memref_slice %arg2[%dma_start3A_481, %dma_start3A_482] : memref<10000x128xf32, #tpu.memory_space<hbm>> -> memref<10000x128xf32, #tpu.memory_space<hbm>>
      tpu.enqueue_indirect_dma source(%dma_start3A_483 : memref<10000x128xf32, #tpu.memory_space<hbm>>) target(%dma_start3A_477 : memref<80x128xf32, #tpu.memory_space<vmem>>) offsets(%dma_start3A_480 : memref<80xi32, #tpu.memory_space<vmem>>) semaphore(%arg13 : memref<!tpu.dma_semaphore, #tpu.memory_space<semaphore_mem>>)
      %add3A_484 = arith.constant 1 : i32
      %add3A_485 = arith.addi %mul3A_456, %add3A_484 : i32
      %dma_wait3A_486 = arith.constant 1 : i32
      %dma_wait3A_487 = arith.constant 0 : i32
      %dma_wait3A_488 = arith.constant 0 : i32
      %dma_wait3A_489 = tpu.memref_slice %arg11[%dma_wait3A_486, %dma_wait3A_487, %dma_wait3A_488] : memref<4x80x128xf32, #tpu.memory_space<vmem>> -> memref<1x80x128xf32, #tpu.memory_space<vmem>>
      %dma_wait3A_490 = tpu.memref_squeeze %dma_wait3A_489 : memref<1x80x128xf32, #tpu.memory_space<vmem>> -> memref<80x128xf32, #tpu.memory_space<vmem>>
      %dma_wait3A_491 = arith.constant 0 : i32
      %dma_wait3A_492 = tpu.memref_slice %arg9[%add3A_485, %dma_wait3A_491] : memref<32x80xi32, #tpu.memory_space<vmem>> -> memref<1x80xi32, #tpu.memory_space<vmem>>
      %dma_wait3A_493 = tpu.memref_squeeze %dma_wait3A_492 : memref<1x80xi32, #tpu.memory_space<vmem>> -> memref<80xi32, #tpu.memory_space<vmem>>
      %dma_wait3A_494 = arith.constant 0 : i32
      %dma_wait3A_495 = arith.constant 0 : i32
      %dma_wait3A_496 = tpu.memref_slice %arg2[%dma_wait3A_494, %dma_wait3A_495] : memref<10000x128xf32, #tpu.memory_space<hbm>> -> memref<10000x128xf32, #tpu.memory_space<hbm>>
      tpu.wait_indirect_dma semaphore(%arg14 : memref<!tpu.dma_semaphore, #tpu.memory_space<semaphore_mem>>) src(%dma_wait3A_496 : memref<10000x128xf32, #tpu.memory_space<hbm>>) dst(%dma_wait3A_490 : memref<80x128xf32, #tpu.memory_space<vmem>>)
      %run_scoped3A_497 = arith.constant 1 : i32
      "tpu.region"() ({
        %run_scoped3A_565 = tpu.sem_alloc : memref<!tpu.dma_semaphore, #tpu.memory_space<semaphore_mem>>
        %dma_start3A_566 = arith.constant 0 : i32
        %dma_start3A_567 = arith.constant 0 : i32
        %dma_start3A_568 = tpu.memref_slice %arg11[%run_scoped3A_497, %dma_start3A_566, %dma_start3A_567] : memref<4x80x128xf32, #tpu.memory_space<vmem>> -> memref<1x80x128xf32, #tpu.memory_space<vmem>>
        %dma_start3A_569 = tpu.memref_squeeze %dma_start3A_568 : memref<1x80x128xf32, #tpu.memory_space<vmem>> -> memref<80x128xf32, #tpu.memory_space<vmem>>
        %dma_start3A_570 = arith.constant 0 : i32
        %dma_start3A_571 = tpu.memref_slice %arg10[%add3A_485, %dma_start3A_570] : memref<32x80xi32, #tpu.memory_space<vmem>> -> memref<1x80xi32, #tpu.memory_space<vmem>>
        %dma_start3A_572 = tpu.memref_squeeze %dma_start3A_571 : memref<1x80xi32, #tpu.memory_space<vmem>> -> memref<80xi32, #tpu.memory_space<vmem>>
        %dma_start3A_573 = arith.constant 0 : i32
        %dma_start3A_574 = arith.constant 0 : i32
        %dma_start3A_575 = tpu.memref_slice %arg12[%dma_start3A_573, %dma_start3A_574] : memref<10112x128xf32, #tpu.memory_space<vmem_shared>> -> memref<10112x128xf32, #tpu.memory_space<vmem_shared>>
        tpu.enqueue_indirect_dma source(%dma_start3A_569 : memref<80x128xf32, #tpu.memory_space<vmem>>) target(%dma_start3A_575 : memref<10112x128xf32, #tpu.memory_space<vmem_shared>>) offsets(%dma_start3A_572 : memref<80xi32, #tpu.memory_space<vmem>>) semaphore(%run_scoped3A_565 : memref<!tpu.dma_semaphore, #tpu.memory_space<semaphore_mem>>) {add = true}
        %dma_wait3A_576 = arith.constant 0 : i32
        %dma_wait3A_577 = arith.constant 0 : i32
        %dma_wait3A_578 = tpu.memref_slice %arg11[%run_scoped3A_497, %dma_wait3A_576, %dma_wait3A_577] : memref<4x80x128xf32, #tpu.memory_space<vmem>> -> memref<1x80x128xf32, #tpu.memory_space<vmem>>
        %dma_wait3A_579 = tpu.memref_squeeze %dma_wait3A_578 : memref<1x80x128xf32, #tpu.memory_space<vmem>> -> memref<80x128xf32, #tpu.memory_space<vmem>>
        %dma_wait3A_580 = arith.constant 0 : i32
        %dma_wait3A_581 = tpu.memref_slice %arg10[%add3A_485, %dma_wait3A_580] : memref<32x80xi32, #tpu.memory_space<vmem>> -> memref<1x80xi32, #tpu.memory_space<vmem>>
        %dma_wait3A_582 = tpu.memref_squeeze %dma_wait3A_581 : memref<1x80xi32, #tpu.memory_space<vmem>> -> memref<80xi32, #tpu.memory_space<vmem>>
        %dma_wait3A_583 = arith.constant 0 : i32
        %dma_wait3A_584 = arith.constant 0 : i32
        %dma_wait3A_585 = tpu.memref_slice %arg12[%dma_wait3A_583, %dma_wait3A_584] : memref<10112x128xf32, #tpu.memory_space<vmem_shared>> -> memref<10112x128xf32, #tpu.memory_space<vmem_shared>>
        tpu.wait_indirect_dma semaphore(%run_scoped3A_565 : memref<!tpu.dma_semaphore, #tpu.memory_space<semaphore_mem>>) src(%dma_wait3A_579 : memref<80x128xf32, #tpu.memory_space<vmem>>) dst(%dma_wait3A_585 : memref<10112x128xf32, #tpu.memory_space<vmem_shared>>)
        tpu.yield
      }) : () -> ()
      %add3A_498 = arith.constant 4 : i32
      %add3A_499 = arith.addi %add3A_485, %add3A_498 : i32
      %dma_start3A_500 = arith.constant 1 : i32
      %dma_start3A_501 = arith.constant 0 : i32
      %dma_start3A_502 = arith.constant 0 : i32
      %dma_start3A_503 = tpu.memref_slice %arg11[%dma_start3A_500, %dma_start3A_501, %dma_start3A_502] : memref<4x80x128xf32, #tpu.memory_space<vmem>> -> memref<1x80x128xf32, #tpu.memory_space<vmem>>
      %dma_start3A_504 = tpu.memref_squeeze %dma_start3A_503 : memref<1x80x128xf32, #tpu.memory_space<vmem>> -> memref<80x128xf32, #tpu.memory_space<vmem>>
      %dma_start3A_505 = arith.constant 0 : i32
      %dma_start3A_506 = tpu.memref_slice %arg9[%add3A_499, %dma_start3A_505] : memref<32x80xi32, #tpu.memory_space<vmem>> -> memref<1x80xi32, #tpu.memory_space<vmem>>
      %dma_start3A_507 = tpu.memref_squeeze %dma_start3A_506 : memref<1x80xi32, #tpu.memory_space<vmem>> -> memref<80xi32, #tpu.memory_space<vmem>>
      %dma_start3A_508 = arith.constant 0 : i32
      %dma_start3A_509 = arith.constant 0 : i32
      %dma_start3A_510 = tpu.memref_slice %arg2[%dma_start3A_508, %dma_start3A_509] : memref<10000x128xf32, #tpu.memory_space<hbm>> -> memref<10000x128xf32, #tpu.memory_space<hbm>>
      tpu.enqueue_indirect_dma source(%dma_start3A_510 : memref<10000x128xf32, #tpu.memory_space<hbm>>) target(%dma_start3A_504 : memref<80x128xf32, #tpu.memory_space<vmem>>) offsets(%dma_start3A_507 : memref<80xi32, #tpu.memory_space<vmem>>) semaphore(%arg14 : memref<!tpu.dma_semaphore, #tpu.memory_space<semaphore_mem>>)
      %add3A_511 = arith.constant 2 : i32
      %add3A_512 = arith.addi %mul3A_456, %add3A_511 : i32
      %dma_wait3A_513 = arith.constant 2 : i32
      %dma_wait3A_514 = arith.constant 0 : i32
      %dma_wait3A_515 = arith.constant 0 : i32
      %dma_wait3A_516 = tpu.memref_slice %arg11[%dma_wait3A_513, %dma_wait3A_514, %dma_wait3A_515] : memref<4x80x128xf32, #tpu.memory_space<vmem>> -> memref<1x80x128xf32, #tpu.memory_space<vmem>>
      %dma_wait3A_517 = tpu.memref_squeeze %dma_wait3A_516 : memref<1x80x128xf32, #tpu.memory_space<vmem>> -> memref<80x128xf32, #tpu.memory_space<vmem>>
      %dma_wait3A_518 = arith.constant 0 : i32
      %dma_wait3A_519 = tpu.memref_slice %arg9[%add3A_512, %dma_wait3A_518] : memref<32x80xi32, #tpu.memory_space<vmem>> -> memref<1x80xi32, #tpu.memory_space<vmem>>
      %dma_wait3A_520 = tpu.memref_squeeze %dma_wait3A_519 : memref<1x80xi32, #tpu.memory_space<vmem>> -> memref<80xi32, #tpu.memory_space<vmem>>
      %dma_wait3A_521 = arith.constant 0 : i32
      %dma_wait3A_522 = arith.constant 0 : i32
      %dma_wait3A_523 = tpu.memref_slice %arg2[%dma_wait3A_521, %dma_wait3A_522] : memref<10000x128xf32, #tpu.memory_space<hbm>> -> memref<10000x128xf32, #tpu.memory_space<hbm>>
      tpu.wait_indirect_dma semaphore(%arg15 : memref<!tpu.dma_semaphore, #tpu.memory_space<semaphore_mem>>) src(%dma_wait3A_523 : memref<10000x128xf32, #tpu.memory_space<hbm>>) dst(%dma_wait3A_517 : memref<80x128xf32, #tpu.memory_space<vmem>>)
      %run_scoped3A_524 = arith.constant 2 : i32
      "tpu.region"() ({
        %run_scoped3A_565 = tpu.sem_alloc : memref<!tpu.dma_semaphore, #tpu.memory_space<semaphore_mem>>
        %dma_start3A_566 = arith.constant 0 : i32
        %dma_start3A_567 = arith.constant 0 : i32
        %dma_start3A_568 = tpu.memref_slice %arg11[%run_scoped3A_524, %dma_start3A_566, %dma_start3A_567] : memref<4x80x128xf32, #tpu.memory_space<vmem>> -> memref<1x80x128xf32, #tpu.memory_space<vmem>>
        %dma_start3A_569 = tpu.memref_squeeze %dma_start3A_568 : memref<1x80x128xf32, #tpu.memory_space<vmem>> -> memref<80x128xf32, #tpu.memory_space<vmem>>
        %dma_start3A_570 = arith.constant 0 : i32
        %dma_start3A_571 = tpu.memref_slice %arg10[%add3A_512, %dma_start3A_570] : memref<32x80xi32, #tpu.memory_space<vmem>> -> memref<1x80xi32, #tpu.memory_space<vmem>>
        %dma_start3A_572 = tpu.memref_squeeze %dma_start3A_571 : memref<1x80xi32, #tpu.memory_space<vmem>> -> memref<80xi32, #tpu.memory_space<vmem>>
        %dma_start3A_573 = arith.constant 0 : i32
        %dma_start3A_574 = arith.constant 0 : i32
        %dma_start3A_575 = tpu.memref_slice %arg12[%dma_start3A_573, %dma_start3A_574] : memref<10112x128xf32, #tpu.memory_space<vmem_shared>> -> memref<10112x128xf32, #tpu.memory_space<vmem_shared>>
        tpu.enqueue_indirect_dma source(%dma_start3A_569 : memref<80x128xf32, #tpu.memory_space<vmem>>) target(%dma_start3A_575 : memref<10112x128xf32, #tpu.memory_space<vmem_shared>>) offsets(%dma_start3A_572 : memref<80xi32, #tpu.memory_space<vmem>>) semaphore(%run_scoped3A_565 : memref<!tpu.dma_semaphore, #tpu.memory_space<semaphore_mem>>) {add = true}
        %dma_wait3A_576 = arith.constant 0 : i32
        %dma_wait3A_577 = arith.constant 0 : i32
        %dma_wait3A_578 = tpu.memref_slice %arg11[%run_scoped3A_524, %dma_wait3A_576, %dma_wait3A_577] : memref<4x80x128xf32, #tpu.memory_space<vmem>> -> memref<1x80x128xf32, #tpu.memory_space<vmem>>
        %dma_wait3A_579 = tpu.memref_squeeze %dma_wait3A_578 : memref<1x80x128xf32, #tpu.memory_space<vmem>> -> memref<80x128xf32, #tpu.memory_space<vmem>>
        %dma_wait3A_580 = arith.constant 0 : i32
        %dma_wait3A_581 = tpu.memref_slice %arg10[%add3A_512, %dma_wait3A_580] : memref<32x80xi32, #tpu.memory_space<vmem>> -> memref<1x80xi32, #tpu.memory_space<vmem>>
        %dma_wait3A_582 = tpu.memref_squeeze %dma_wait3A_581 : memref<1x80xi32, #tpu.memory_space<vmem>> -> memref<80xi32, #tpu.memory_space<vmem>>
        %dma_wait3A_583 = arith.constant 0 : i32
        %dma_wait3A_584 = arith.constant 0 : i32
        %dma_wait3A_585 = tpu.memref_slice %arg12[%dma_wait3A_583, %dma_wait3A_584] : memref<10112x128xf32, #tpu.memory_space<vmem_shared>> -> memref<10112x128xf32, #tpu.memory_space<vmem_shared>>
        tpu.wait_indirect_dma semaphore(%run_scoped3A_565 : memref<!tpu.dma_semaphore, #tpu.memory_space<semaphore_mem>>) src(%dma_wait3A_579 : memref<80x128xf32, #tpu.memory_space<vmem>>) dst(%dma_wait3A_585 : memref<10112x128xf32, #tpu.memory_space<vmem_shared>>)
        tpu.yield
      }) : () -> ()
      %add3A_525 = arith.constant 4 : i32
      %add3A_526 = arith.addi %add3A_512, %add3A_525 : i32
      %dma_start3A_527 = arith.constant 2 : i32
      %dma_start3A_528 = arith.constant 0 : i32
      %dma_start3A_529 = arith.constant 0 : i32
      %dma_start3A_530 = tpu.memref_slice %arg11[%dma_start3A_527, %dma_start3A_528, %dma_start3A_529] : memref<4x80x128xf32, #tpu.memory_space<vmem>> -> memref<1x80x128xf32, #tpu.memory_space<vmem>>
      %dma_start3A_531 = tpu.memref_squeeze %dma_start3A_530 : memref<1x80x128xf32, #tpu.memory_space<vmem>> -> memref<80x128xf32, #tpu.memory_space<vmem>>
      %dma_start3A_532 = arith.constant 0 : i32
      %dma_start3A_533 = tpu.memref_slice %arg9[%add3A_526, %dma_start3A_532] : memref<32x80xi32, #tpu.memory_space<vmem>> -> memref<1x80xi32, #tpu.memory_space<vmem>>
      %dma_start3A_534 = tpu.memref_squeeze %dma_start3A_533 : memref<1x80xi32, #tpu.memory_space<vmem>> -> memref<80xi32, #tpu.memory_space<vmem>>
      %dma_start3A_535 = arith.constant 0 : i32
      %dma_start3A_536 = arith.constant 0 : i32
      %dma_start3A_537 = tpu.memref_slice %arg2[%dma_start3A_535, %dma_start3A_536] : memref<10000x128xf32, #tpu.memory_space<hbm>> -> memref<10000x128xf32, #tpu.memory_space<hbm>>
      tpu.enqueue_indirect_dma source(%dma_start3A_537 : memref<10000x128xf32, #tpu.memory_space<hbm>>) target(%dma_start3A_531 : memref<80x128xf32, #tpu.memory_space<vmem>>) offsets(%dma_start3A_534 : memref<80xi32, #tpu.memory_space<vmem>>) semaphore(%arg15 : memref<!tpu.dma_semaphore, #tpu.memory_space<semaphore_mem>>)
      %add3A_538 = arith.constant 3 : i32
      %add3A_539 = arith.addi %mul3A_456, %add3A_538 : i32
      %dma_wait3A_540 = arith.constant 3 : i32
      %dma_wait3A_541 = arith.constant 0 : i32
      %dma_wait3A_542 = arith.constant 0 : i32
      %dma_wait3A_543 = tpu.memref_slice %arg11[%dma_wait3A_540, %dma_wait3A_541, %dma_wait3A_542] : memref<4x80x128xf32, #tpu.memory_space<vmem>> -> memref<1x80x128xf32, #tpu.memory_space<vmem>>
      %dma_wait3A_544 = tpu.memref_squeeze %dma_wait3A_543 : memref<1x80x128xf32, #tpu.memory_space<vmem>> -> memref<80x128xf32, #tpu.memory_space<vmem>>
      %dma_wait3A_545 = arith.constant 0 : i32
      %dma_wait3A_546 = tpu.memref_slice %arg9[%add3A_539, %dma_wait3A_545] : memref<32x80xi32, #tpu.memory_space<vmem>> -> memref<1x80xi32, #tpu.memory_space<vmem>>
      %dma_wait3A_547 = tpu.memref_squeeze %dma_wait3A_546 : memref<1x80xi32, #tpu.memory_space<vmem>> -> memref<80xi32, #tpu.memory_space<vmem>>
      %dma_wait3A_548 = arith.constant 0 : i32
      %dma_wait3A_549 = arith.constant 0 : i32
      %dma_wait3A_550 = tpu.memref_slice %arg2[%dma_wait3A_548, %dma_wait3A_549] : memref<10000x128xf32, #tpu.memory_space<hbm>> -> memref<10000x128xf32, #tpu.memory_space<hbm>>
      tpu.wait_indirect_dma semaphore(%arg16 : memref<!tpu.dma_semaphore, #tpu.memory_space<semaphore_mem>>) src(%dma_wait3A_550 : memref<10000x128xf32, #tpu.memory_space<hbm>>) dst(%dma_wait3A_544 : memref<80x128xf32, #tpu.memory_space<vmem>>)
      %run_scoped3A_551 = arith.constant 3 : i32
      "tpu.region"() ({
        %run_scoped3A_565 = tpu.sem_alloc : memref<!tpu.dma_semaphore, #tpu.memory_space<semaphore_mem>>
        %dma_start3A_566 = arith.constant 0 : i32
        %dma_start3A_567 = arith.constant 0 : i32
        %dma_start3A_568 = tpu.memref_slice %arg11[%run_scoped3A_551, %dma_start3A_566, %dma_start3A_567] : memref<4x80x128xf32, #tpu.memory_space<vmem>> -> memref<1x80x128xf32, #tpu.memory_space<vmem>>
        %dma_start3A_569 = tpu.memref_squeeze %dma_start3A_568 : memref<1x80x128xf32, #tpu.memory_space<vmem>> -> memref<80x128xf32, #tpu.memory_space<vmem>>
        %dma_start3A_570 = arith.constant 0 : i32
        %dma_start3A_571 = tpu.memref_slice %arg10[%add3A_539, %dma_start3A_570] : memref<32x80xi32, #tpu.memory_space<vmem>> -> memref<1x80xi32, #tpu.memory_space<vmem>>
        %dma_start3A_572 = tpu.memref_squeeze %dma_start3A_571 : memref<1x80xi32, #tpu.memory_space<vmem>> -> memref<80xi32, #tpu.memory_space<vmem>>
        %dma_start3A_573 = arith.constant 0 : i32
        %dma_start3A_574 = arith.constant 0 : i32
        %dma_start3A_575 = tpu.memref_slice %arg12[%dma_start3A_573, %dma_start3A_574] : memref<10112x128xf32, #tpu.memory_space<vmem_shared>> -> memref<10112x128xf32, #tpu.memory_space<vmem_shared>>
        tpu.enqueue_indirect_dma source(%dma_start3A_569 : memref<80x128xf32, #tpu.memory_space<vmem>>) target(%dma_start3A_575 : memref<10112x128xf32, #tpu.memory_space<vmem_shared>>) offsets(%dma_start3A_572 : memref<80xi32, #tpu.memory_space<vmem>>) semaphore(%run_scoped3A_565 : memref<!tpu.dma_semaphore, #tpu.memory_space<semaphore_mem>>) {add = true}
        %dma_wait3A_576 = arith.constant 0 : i32
        %dma_wait3A_577 = arith.constant 0 : i32
        %dma_wait3A_578 = tpu.memref_slice %arg11[%run_scoped3A_551, %dma_wait3A_576, %dma_wait3A_577] : memref<4x80x128xf32, #tpu.memory_space<vmem>> -> memref<1x80x128xf32, #tpu.memory_space<vmem>>
        %dma_wait3A_579 = tpu.memref_squeeze %dma_wait3A_578 : memref<1x80x128xf32, #tpu.memory_space<vmem>> -> memref<80x128xf32, #tpu.memory_space<vmem>>
        %dma_wait3A_580 = arith.constant 0 : i32
        %dma_wait3A_581 = tpu.memref_slice %arg10[%add3A_539, %dma_wait3A_580] : memref<32x80xi32, #tpu.memory_space<vmem>> -> memref<1x80xi32, #tpu.memory_space<vmem>>
        %dma_wait3A_582 = tpu.memref_squeeze %dma_wait3A_581 : memref<1x80xi32, #tpu.memory_space<vmem>> -> memref<80xi32, #tpu.memory_space<vmem>>
        %dma_wait3A_583 = arith.constant 0 : i32
        %dma_wait3A_584 = arith.constant 0 : i32
        %dma_wait3A_585 = tpu.memref_slice %arg12[%dma_wait3A_583, %dma_wait3A_584] : memref<10112x128xf32, #tpu.memory_space<vmem_shared>> -> memref<10112x128xf32, #tpu.memory_space<vmem_shared>>
        tpu.wait_indirect_dma semaphore(%run_scoped3A_565 : memref<!tpu.dma_semaphore, #tpu.memory_space<semaphore_mem>>) src(%dma_wait3A_579 : memref<80x128xf32, #tpu.memory_space<vmem>>) dst(%dma_wait3A_585 : memref<10112x128xf32, #tpu.memory_space<vmem_shared>>)
        tpu.yield
      }) : () -> ()
      %add3A_552 = arith.constant 4 : i32
      %add3A_553 = arith.addi %add3A_539, %add3A_552 : i32
      %dma_start3A_554 = arith.constant 3 : i32
      %dma_start3A_555 = arith.constant 0 : i32
      %dma_start3A_556 = arith.constant 0 : i32
      %dma_start3A_557 = tpu.memref_slice %arg11[%dma_start3A_554, %dma_start3A_555, %dma_start3A_556] : memref<4x80x128xf32, #tpu.memory_space<vmem>> -> memref<1x80x128xf32, #tpu.memory_space<vmem>>
      %dma_start3A_558 = tpu.memref_squeeze %dma_start3A_557 : memref<1x80x128xf32, #tpu.memory_space<vmem>> -> memref<80x128xf32, #tpu.memory_space<vmem>>
      %dma_start3A_559 = arith.constant 0 : i32
      %dma_start3A_560 = tpu.memref_slice %arg9[%add3A_553, %dma_start3A_559] : memref<32x80xi32, #tpu.memory_space<vmem>> -> memref<1x80xi32, #tpu.memory_space<vmem>>
      %dma_start3A_561 = tpu.memref_squeeze %dma_start3A_560 : memref<1x80xi32, #tpu.memory_space<vmem>> -> memref<80xi32, #tpu.memory_space<vmem>>
      %dma_start3A_562 = arith.constant 0 : i32
      %dma_start3A_563 = arith.constant 0 : i32
      %dma_start3A_564 = tpu.memref_slice %arg2[%dma_start3A_562, %dma_start3A_563] : memref<10000x128xf32, #tpu.memory_space<hbm>> -> memref<10000x128xf32, #tpu.memory_space<hbm>>
      tpu.enqueue_indirect_dma source(%dma_start3A_564 : memref<10000x128xf32, #tpu.memory_space<hbm>>) target(%dma_start3A_558 : memref<80x128xf32, #tpu.memory_space<vmem>>) offsets(%dma_start3A_561 : memref<80xi32, #tpu.memory_space<vmem>>) semaphore(%arg16 : memref<!tpu.dma_semaphore, #tpu.memory_space<semaphore_mem>>)
    }
    %scan3A_62 = arith.constant 7 : i32
    %dma_wait3A_63 = arith.constant 28 : i32
    %dma_wait3A_64 = arith.constant 0 : i32
    %dma_wait3A_65 = arith.constant 0 : i32
    %dma_wait3A_66 = arith.constant 0 : i32
    %dma_wait3A_67 = tpu.memref_slice %arg11[%dma_wait3A_64, %dma_wait3A_65, %dma_wait3A_66] : memref<4x80x128xf32, #tpu.memory_space<vmem>> -> memref<1x80x128xf32, #tpu.memory_space<vmem>>
    %dma_wait3A_68 = tpu.memref_squeeze %dma_wait3A_67 : memref<1x80x128xf32, #tpu.memory_space<vmem>> -> memref<80x128xf32, #tpu.memory_space<vmem>>
    %dma_wait3A_69 = arith.constant 0 : i32
    %dma_wait3A_70 = tpu.memref_slice %arg9[%dma_wait3A_63, %dma_wait3A_69] : memref<32x80xi32, #tpu.memory_space<vmem>> -> memref<1x80xi32, #tpu.memory_space<vmem>>
    %dma_wait3A_71 = tpu.memref_squeeze %dma_wait3A_70 : memref<1x80xi32, #tpu.memory_space<vmem>> -> memref<80xi32, #tpu.memory_space<vmem>>
    %dma_wait3A_72 = arith.constant 0 : i32
    %dma_wait3A_73 = arith.constant 0 : i32
    %dma_wait3A_74 = tpu.memref_slice %arg2[%dma_wait3A_72, %dma_wait3A_73] : memref<10000x128xf32, #tpu.memory_space<hbm>> -> memref<10000x128xf32, #tpu.memory_space<hbm>>
    tpu.wait_indirect_dma semaphore(%arg13 : memref<!tpu.dma_semaphore, #tpu.memory_space<semaphore_mem>>) src(%dma_wait3A_74 : memref<10000x128xf32, #tpu.memory_space<hbm>>) dst(%dma_wait3A_68 : memref<80x128xf32, #tpu.memory_space<vmem>>)
    %run_scoped3A = arith.constant 0 : i32
    %run_scoped3A_75 = arith.constant 28 : i32
    "tpu.region"() ({
      %run_scoped3A_450 = tpu.sem_alloc : memref<!tpu.dma_semaphore, #tpu.memory_space<semaphore_mem>>
      %dma_start3A_451 = arith.constant 0 : i32
      %dma_start3A_452 = arith.constant 0 : i32
      %dma_start3A_453 = tpu.memref_slice %arg11[%run_scoped3A, %dma_start3A_451, %dma_start3A_452] : memref<4x80x128xf32, #tpu.memory_space<vmem>> -> memref<1x80x128xf32, #tpu.memory_space<vmem>>
      %dma_start3A_454 = tpu.memref_squeeze %dma_start3A_453 : memref<1x80x128xf32, #tpu.memory_space<vmem>> -> memref<80x128xf32, #tpu.memory_space<vmem>>
      %dma_start3A_455 = arith.constant 0 : i32
      %dma_start3A_456 = tpu.memref_slice %arg10[%run_scoped3A_75, %dma_start3A_455] : memref<32x80xi32, #tpu.memory_space<vmem>> -> memref<1x80xi32, #tpu.memory_space<vmem>>
      %dma_start3A_457 = tpu.memref_squeeze %dma_start3A_456 : memref<1x80xi32, #tpu.memory_space<vmem>> -> memref<80xi32, #tpu.memory_space<vmem>>
      %dma_start3A_458 = arith.constant 0 : i32
      %dma_start3A_459 = arith.constant 0 : i32
      %dma_start3A_460 = tpu.memref_slice %arg12[%dma_start3A_458, %dma_start3A_459] : memref<10112x128xf32, #tpu.memory_space<vmem_shared>> -> memref<10112x128xf32, #tpu.memory_space<vmem_shared>>
      tpu.enqueue_indirect_dma source(%dma_start3A_454 : memref<80x128xf32, #tpu.memory_space<vmem>>) target(%dma_start3A_460 : memref<10112x128xf32, #tpu.memory_space<vmem_shared>>) offsets(%dma_start3A_457 : memref<80xi32, #tpu.memory_space<vmem>>) semaphore(%run_scoped3A_450 : memref<!tpu.dma_semaphore, #tpu.memory_space<semaphore_mem>>) {add = true}
      %dma_wait3A_461 = arith.constant 0 : i32
      %dma_wait3A_462 = arith.constant 0 : i32
      %dma_wait3A_463 = tpu.memref_slice %arg11[%run_scoped3A, %dma_wait3A_461, %dma_wait3A_462] : memref<4x80x128xf32, #tpu.memory_space<vmem>> -> memref<1x80x128xf32, #tpu.memory_space<vmem>>
      %dma_wait3A_464 = tpu.memref_squeeze %dma_wait3A_463 : memref<1x80x128xf32, #tpu.memory_space<vmem>> -> memref<80x128xf32, #tpu.memory_space<vmem>>
      %dma_wait3A_465 = arith.constant 0 : i32
      %dma_wait3A_466 = tpu.memref_slice %arg10[%run_scoped3A_75, %dma_wait3A_465] : memref<32x80xi32, #tpu.memory_space<vmem>> -> memref<1x80xi32, #tpu.memory_space<vmem>>
      %dma_wait3A_467 = tpu.memref_squeeze %dma_wait3A_466 : memref<1x80xi32, #tpu.memory_space<vmem>> -> memref<80xi32, #tpu.memory_space<vmem>>
      %dma_wait3A_468 = arith.constant 0 : i32
      %dma_wait3A_469 = arith.constant 0 : i32
      %dma_wait3A_470 = tpu.memref_slice %arg12[%dma_wait3A_468, %dma_wait3A_469] : memref<10112x128xf32, #tpu.memory_space<vmem_shared>> -> memref<10112x128xf32, #tpu.memory_space<vmem_shared>>
      tpu.wait_indirect_dma semaphore(%run_scoped3A_450 : memref<!tpu.dma_semaphore, #tpu.memory_space<semaphore_mem>>) src(%dma_wait3A_464 : memref<80x128xf32, #tpu.memory_space<vmem>>) dst(%dma_wait3A_470 : memref<10112x128xf32, #tpu.memory_space<vmem_shared>>)
      tpu.yield
    }) : () -> ()
    %dma_wait3A_76 = arith.constant 29 : i32
    %dma_wait3A_77 = arith.constant 1 : i32
    %dma_wait3A_78 = arith.constant 0 : i32
    %dma_wait3A_79 = arith.constant 0 : i32
    %dma_wait3A_80 = tpu.memref_slice %arg11[%dma_wait3A_77, %dma_wait3A_78, %dma_wait3A_79] : memref<4x80x128xf32, #tpu.memory_space<vmem>> -> memref<1x80x128xf32, #tpu.memory_space<vmem>>
    %dma_wait3A_81 = tpu.memref_squeeze %dma_wait3A_80 : memref<1x80x128xf32, #tpu.memory_space<vmem>> -> memref<80x128xf32, #tpu.memory_space<vmem>>
    %dma_wait3A_82 = arith.constant 0 : i32
    %dma_wait3A_83 = tpu.memref_slice %arg9[%dma_wait3A_76, %dma_wait3A_82] : memref<32x80xi32, #tpu.memory_space<vmem>> -> memref<1x80xi32, #tpu.memory_space<vmem>>
    %dma_wait3A_84 = tpu.memref_squeeze %dma_wait3A_83 : memref<1x80xi32, #tpu.memory_space<vmem>> -> memref<80xi32, #tpu.memory_space<vmem>>
    %dma_wait3A_85 = arith.constant 0 : i32
    %dma_wait3A_86 = arith.constant 0 : i32
    %dma_wait3A_87 = tpu.memref_slice %arg2[%dma_wait3A_85, %dma_wait3A_86] : memref<10000x128xf32, #tpu.memory_space<hbm>> -> memref<10000x128xf32, #tpu.memory_space<hbm>>
    tpu.wait_indirect_dma semaphore(%arg14 : memref<!tpu.dma_semaphore, #tpu.memory_space<semaphore_mem>>) src(%dma_wait3A_87 : memref<10000x128xf32, #tpu.memory_space<hbm>>) dst(%dma_wait3A_81 : memref<80x128xf32, #tpu.memory_space<vmem>>)
    %run_scoped3A_88 = arith.constant 1 : i32
    %run_scoped3A_89 = arith.constant 29 : i32
    "tpu.region"() ({
      %run_scoped3A_450 = tpu.sem_alloc : memref<!tpu.dma_semaphore, #tpu.memory_space<semaphore_mem>>
      %dma_start3A_451 = arith.constant 0 : i32
      %dma_start3A_452 = arith.constant 0 : i32
      %dma_start3A_453 = tpu.memref_slice %arg11[%run_scoped3A_88, %dma_start3A_451, %dma_start3A_452] : memref<4x80x128xf32, #tpu.memory_space<vmem>> -> memref<1x80x128xf32, #tpu.memory_space<vmem>>
      %dma_start3A_454 = tpu.memref_squeeze %dma_start3A_453 : memref<1x80x128xf32, #tpu.memory_space<vmem>> -> memref<80x128xf32, #tpu.memory_space<vmem>>
      %dma_start3A_455 = arith.constant 0 : i32
      %dma_start3A_456 = tpu.memref_slice %arg10[%run_scoped3A_89, %dma_start3A_455] : memref<32x80xi32, #tpu.memory_space<vmem>> -> memref<1x80xi32, #tpu.memory_space<vmem>>
      %dma_start3A_457 = tpu.memref_squeeze %dma_start3A_456 : memref<1x80xi32, #tpu.memory_space<vmem>> -> memref<80xi32, #tpu.memory_space<vmem>>
      %dma_start3A_458 = arith.constant 0 : i32
      %dma_start3A_459 = arith.constant 0 : i32
      %dma_start3A_460 = tpu.memref_slice %arg12[%dma_start3A_458, %dma_start3A_459] : memref<10112x128xf32, #tpu.memory_space<vmem_shared>> -> memref<10112x128xf32, #tpu.memory_space<vmem_shared>>
      tpu.enqueue_indirect_dma source(%dma_start3A_454 : memref<80x128xf32, #tpu.memory_space<vmem>>) target(%dma_start3A_460 : memref<10112x128xf32, #tpu.memory_space<vmem_shared>>) offsets(%dma_start3A_457 : memref<80xi32, #tpu.memory_space<vmem>>) semaphore(%run_scoped3A_450 : memref<!tpu.dma_semaphore, #tpu.memory_space<semaphore_mem>>) {add = true}
      %dma_wait3A_461 = arith.constant 0 : i32
      %dma_wait3A_462 = arith.constant 0 : i32
      %dma_wait3A_463 = tpu.memref_slice %arg11[%run_scoped3A_88, %dma_wait3A_461, %dma_wait3A_462] : memref<4x80x128xf32, #tpu.memory_space<vmem>> -> memref<1x80x128xf32, #tpu.memory_space<vmem>>
      %dma_wait3A_464 = tpu.memref_squeeze %dma_wait3A_463 : memref<1x80x128xf32, #tpu.memory_space<vmem>> -> memref<80x128xf32, #tpu.memory_space<vmem>>
      %dma_wait3A_465 = arith.constant 0 : i32
      %dma_wait3A_466 = tpu.memref_slice %arg10[%run_scoped3A_89, %dma_wait3A_465] : memref<32x80xi32, #tpu.memory_space<vmem>> -> memref<1x80xi32, #tpu.memory_space<vmem>>
      %dma_wait3A_467 = tpu.memref_squeeze %dma_wait3A_466 : memref<1x80xi32, #tpu.memory_space<vmem>> -> memref<80xi32, #tpu.memory_space<vmem>>
      %dma_wait3A_468 = arith.constant 0 : i32
      %dma_wait3A_469 = arith.constant 0 : i32
      %dma_wait3A_470 = tpu.memref_slice %arg12[%dma_wait3A_468, %dma_wait3A_469] : memref<10112x128xf32, #tpu.memory_space<vmem_shared>> -> memref<10112x128xf32, #tpu.memory_space<vmem_shared>>
      tpu.wait_indirect_dma semaphore(%run_scoped3A_450 : memref<!tpu.dma_semaphore, #tpu.memory_space<semaphore_mem>>) src(%dma_wait3A_464 : memref<80x128xf32, #tpu.memory_space<vmem>>) dst(%dma_wait3A_470 : memref<10112x128xf32, #tpu.memory_space<vmem_shared>>)
      tpu.yield
    }) : () -> ()
    %dma_wait3A_90 = arith.constant 30 : i32
    %dma_wait3A_91 = arith.constant 2 : i32
    %dma_wait3A_92 = arith.constant 0 : i32
    %dma_wait3A_93 = arith.constant 0 : i32
    %dma_wait3A_94 = tpu.memref_slice %arg11[%dma_wait3A_91, %dma_wait3A_92, %dma_wait3A_93] : memref<4x80x128xf32, #tpu.memory_space<vmem>> -> memref<1x80x128xf32, #tpu.memory_space<vmem>>
    %dma_wait3A_95 = tpu.memref_squeeze %dma_wait3A_94 : memref<1x80x128xf32, #tpu.memory_space<vmem>> -> memref<80x128xf32, #tpu.memory_space<vmem>>
    %dma_wait3A_96 = arith.constant 0 : i32
    %dma_wait3A_97 = tpu.memref_slice %arg9[%dma_wait3A_90, %dma_wait3A_96] : memref<32x80xi32, #tpu.memory_space<vmem>> -> memref<1x80xi32, #tpu.memory_space<vmem>>
    %dma_wait3A_98 = tpu.memref_squeeze %dma_wait3A_97 : memref<1x80xi32, #tpu.memory_space<vmem>> -> memref<80xi32, #tpu.memory_space<vmem>>
    %dma_wait3A_99 = arith.constant 0 : i32
    %dma_wait3A_100 = arith.constant 0 : i32
    %dma_wait3A_101 = tpu.memref_slice %arg2[%dma_wait3A_99, %dma_wait3A_100] : memref<10000x128xf32, #tpu.memory_space<hbm>> -> memref<10000x128xf32, #tpu.memory_space<hbm>>
    tpu.wait_indirect_dma semaphore(%arg15 : memref<!tpu.dma_semaphore, #tpu.memory_space<semaphore_mem>>) src(%dma_wait3A_101 : memref<10000x128xf32, #tpu.memory_space<hbm>>) dst(%dma_wait3A_95 : memref<80x128xf32, #tpu.memory_space<vmem>>)
    %run_scoped3A_102 = arith.constant 2 : i32
    %run_scoped3A_103 = arith.constant 30 : i32
    "tpu.region"() ({
      %run_scoped3A_450 = tpu.sem_alloc : memref<!tpu.dma_semaphore, #tpu.memory_space<semaphore_mem>>
      %dma_start3A_451 = arith.constant 0 : i32
      %dma_start3A_452 = arith.constant 0 : i32
      %dma_start3A_453 = tpu.memref_slice %arg11[%run_scoped3A_102, %dma_start3A_451, %dma_start3A_452] : memref<4x80x128xf32, #tpu.memory_space<vmem>> -> memref<1x80x128xf32, #tpu.memory_space<vmem>>
      %dma_start3A_454 = tpu.memref_squeeze %dma_start3A_453 : memref<1x80x128xf32, #tpu.memory_space<vmem>> -> memref<80x128xf32, #tpu.memory_space<vmem>>
      %dma_start3A_455 = arith.constant 0 : i32
      %dma_start3A_456 = tpu.memref_slice %arg10[%run_scoped3A_103, %dma_start3A_455] : memref<32x80xi32, #tpu.memory_space<vmem>> -> memref<1x80xi32, #tpu.memory_space<vmem>>
      %dma_start3A_457 = tpu.memref_squeeze %dma_start3A_456 : memref<1x80xi32, #tpu.memory_space<vmem>> -> memref<80xi32, #tpu.memory_space<vmem>>
      %dma_start3A_458 = arith.constant 0 : i32
      %dma_start3A_459 = arith.constant 0 : i32
      %dma_start3A_460 = tpu.memref_slice %arg12[%dma_start3A_458, %dma_start3A_459] : memref<10112x128xf32, #tpu.memory_space<vmem_shared>> -> memref<10112x128xf32, #tpu.memory_space<vmem_shared>>
      tpu.enqueue_indirect_dma source(%dma_start3A_454 : memref<80x128xf32, #tpu.memory_space<vmem>>) target(%dma_start3A_460 : memref<10112x128xf32, #tpu.memory_space<vmem_shared>>) offsets(%dma_start3A_457 : memref<80xi32, #tpu.memory_space<vmem>>) semaphore(%run_scoped3A_450 : memref<!tpu.dma_semaphore, #tpu.memory_space<semaphore_mem>>) {add = true}
      %dma_wait3A_461 = arith.constant 0 : i32
      %dma_wait3A_462 = arith.constant 0 : i32
      %dma_wait3A_463 = tpu.memref_slice %arg11[%run_scoped3A_102, %dma_wait3A_461, %dma_wait3A_462] : memref<4x80x128xf32, #tpu.memory_space<vmem>> -> memref<1x80x128xf32, #tpu.memory_space<vmem>>
      %dma_wait3A_464 = tpu.memref_squeeze %dma_wait3A_463 : memref<1x80x128xf32, #tpu.memory_space<vmem>> -> memref<80x128xf32, #tpu.memory_space<vmem>>
      %dma_wait3A_465 = arith.constant 0 : i32
      %dma_wait3A_466 = tpu.memref_slice %arg10[%run_scoped3A_103, %dma_wait3A_465] : memref<32x80xi32, #tpu.memory_space<vmem>> -> memref<1x80xi32, #tpu.memory_space<vmem>>
      %dma_wait3A_467 = tpu.memref_squeeze %dma_wait3A_466 : memref<1x80xi32, #tpu.memory_space<vmem>> -> memref<80xi32, #tpu.memory_space<vmem>>
      %dma_wait3A_468 = arith.constant 0 : i32
      %dma_wait3A_469 = arith.constant 0 : i32
      %dma_wait3A_470 = tpu.memref_slice %arg12[%dma_wait3A_468, %dma_wait3A_469] : memref<10112x128xf32, #tpu.memory_space<vmem_shared>> -> memref<10112x128xf32, #tpu.memory_space<vmem_shared>>
      tpu.wait_indirect_dma semaphore(%run_scoped3A_450 : memref<!tpu.dma_semaphore, #tpu.memory_space<semaphore_mem>>) src(%dma_wait3A_464 : memref<80x128xf32, #tpu.memory_space<vmem>>) dst(%dma_wait3A_470 : memref<10112x128xf32, #tpu.memory_space<vmem_shared>>)
      tpu.yield
    }) : () -> ()
    %dma_wait3A_104 = arith.constant 31 : i32
    %dma_wait3A_105 = arith.constant 3 : i32
    %dma_wait3A_106 = arith.constant 0 : i32
    %dma_wait3A_107 = arith.constant 0 : i32
    %dma_wait3A_108 = tpu.memref_slice %arg11[%dma_wait3A_105, %dma_wait3A_106, %dma_wait3A_107] : memref<4x80x128xf32, #tpu.memory_space<vmem>> -> memref<1x80x128xf32, #tpu.memory_space<vmem>>
    %dma_wait3A_109 = tpu.memref_squeeze %dma_wait3A_108 : memref<1x80x128xf32, #tpu.memory_space<vmem>> -> memref<80x128xf32, #tpu.memory_space<vmem>>
    %dma_wait3A_110 = arith.constant 0 : i32
    %dma_wait3A_111 = tpu.memref_slice %arg9[%dma_wait3A_104, %dma_wait3A_110] : memref<32x80xi32, #tpu.memory_space<vmem>> -> memref<1x80xi32, #tpu.memory_space<vmem>>
    %dma_wait3A_112 = tpu.memref_squeeze %dma_wait3A_111 : memref<1x80xi32, #tpu.memory_space<vmem>> -> memref<80xi32, #tpu.memory_space<vmem>>
    %dma_wait3A_113 = arith.constant 0 : i32
    %dma_wait3A_114 = arith.constant 0 : i32
    %dma_wait3A_115 = tpu.memref_slice %arg2[%dma_wait3A_113, %dma_wait3A_114] : memref<10000x128xf32, #tpu.memory_space<hbm>> -> memref<10000x128xf32, #tpu.memory_space<hbm>>
    tpu.wait_indirect_dma semaphore(%arg16 : memref<!tpu.dma_semaphore, #tpu.memory_space<semaphore_mem>>) src(%dma_wait3A_115 : memref<10000x128xf32, #tpu.memory_space<hbm>>) dst(%dma_wait3A_109 : memref<80x128xf32, #tpu.memory_space<vmem>>)
    %run_scoped3A_116 = arith.constant 3 : i32
    %run_scoped3A_117 = arith.constant 31 : i32
    "tpu.region"() ({
      %run_scoped3A_450 = tpu.sem_alloc : memref<!tpu.dma_semaphore, #tpu.memory_space<semaphore_mem>>
      %dma_start3A_451 = arith.constant 0 : i32
      %dma_start3A_452 = arith.constant 0 : i32
      %dma_start3A_453 = tpu.memref_slice %arg11[%run_scoped3A_116, %dma_start3A_451, %dma_start3A_452] : memref<4x80x128xf32, #tpu.memory_space<vmem>> -> memref<1x80x128xf32, #tpu.memory_space<vmem>>
      %dma_start3A_454 = tpu.memref_squeeze %dma_start3A_453 : memref<1x80x128xf32, #tpu.memory_space<vmem>> -> memref<80x128xf32, #tpu.memory_space<vmem>>
      %dma_start3A_455 = arith.constant 0 : i32
      %dma_start3A_456 = tpu.memref_slice %arg10[%run_scoped3A_117, %dma_start3A_455] : memref<32x80xi32, #tpu.memory_space<vmem>> -> memref<1x80xi32, #tpu.memory_space<vmem>>
      %dma_start3A_457 = tpu.memref_squeeze %dma_start3A_456 : memref<1x80xi32, #tpu.memory_space<vmem>> -> memref<80xi32, #tpu.memory_space<vmem>>
      %dma_start3A_458 = arith.constant 0 : i32
      %dma_start3A_459 = arith.constant 0 : i32
      %dma_start3A_460 = tpu.memref_slice %arg12[%dma_start3A_458, %dma_start3A_459] : memref<10112x128xf32, #tpu.memory_space<vmem_shared>> -> memref<10112x128xf32, #tpu.memory_space<vmem_shared>>
      tpu.enqueue_indirect_dma source(%dma_start3A_454 : memref<80x128xf32, #tpu.memory_space<vmem>>) target(%dma_start3A_460 : memref<10112x128xf32, #tpu.memory_space<vmem_shared>>) offsets(%dma_start3A_457 : memref<80xi32, #tpu.memory_space<vmem>>) semaphore(%run_scoped3A_450 : memref<!tpu.dma_semaphore, #tpu.memory_space<semaphore_mem>>) {add = true}
      %dma_wait3A_461 = arith.constant 0 : i32
      %dma_wait3A_462 = arith.constant 0 : i32
      %dma_wait3A_463 = tpu.memref_slice %arg11[%run_scoped3A_116, %dma_wait3A_461, %dma_wait3A_462] : memref<4x80x128xf32, #tpu.memory_space<vmem>> -> memref<1x80x128xf32, #tpu.memory_space<vmem>>
      %dma_wait3A_464 = tpu.memref_squeeze %dma_wait3A_463 : memref<1x80x128xf32, #tpu.memory_space<vmem>> -> memref<80x128xf32, #tpu.memory_space<vmem>>
      %dma_wait3A_465 = arith.constant 0 : i32
      %dma_wait3A_466 = tpu.memref_slice %arg10[%run_scoped3A_117, %dma_wait3A_465] : memref<32x80xi32, #tpu.memory_space<vmem>> -> memref<1x80xi32, #tpu.memory_space<vmem>>
      %dma_wait3A_467 = tpu.memref_squeeze %dma_wait3A_466 : memref<1x80xi32, #tpu.memory_space<vmem>> -> memref<80xi32, #tpu.memory_space<vmem>>
      %dma_wait3A_468 = arith.constant 0 : i32
      %dma_wait3A_469 = arith.constant 0 : i32
      %dma_wait3A_470 = tpu.memref_slice %arg12[%dma_wait3A_468, %dma_wait3A_469] : memref<10112x128xf32, #tpu.memory_space<vmem_shared>> -> memref<10112x128xf32, #tpu.memory_space<vmem_shared>>
      tpu.wait_indirect_dma semaphore(%run_scoped3A_450 : memref<!tpu.dma_semaphore, #tpu.memory_space<semaphore_mem>>) src(%dma_wait3A_464 : memref<80x128xf32, #tpu.memory_space<vmem>>) dst(%dma_wait3A_470 : memref<10112x128xf32, #tpu.memory_space<vmem_shared>>)
      tpu.yield
    }) : () -> ()
    "tpu.region"() ({
      %run_scoped3A_450 = tpu.sem_alloc : memref<!tpu.dma_semaphore, #tpu.memory_space<semaphore_mem>>
      %dma_start3A_451 = arith.constant 0 : i32
      %dma_start3A_452 = arith.constant 0 : i32
      %dma_start3A_453 = tpu.memref_slice %arg3[%add3A, %dma_start3A_451, %dma_start3A_452] : memref<32x125x80xi32, #tpu.memory_space<hbm>> -> memref<1x125x80xi32, #tpu.memory_space<hbm>>
      %dma_start3A_454 = tpu.memref_squeeze %dma_start3A_453 : memref<1x125x80xi32, #tpu.memory_space<hbm>> -> memref<125x80xi32, #tpu.memory_space<hbm>>
      %dma_start3A_455 = arith.constant 32 : i32
      %dma_start3A_456 = arith.constant 0 : i32
      %dma_start3A_457 = tpu.memref_slice %dma_start3A_454[%dma_start3A_455, %dma_start3A_456] : memref<125x80xi32, #tpu.memory_space<hbm>> -> memref<32x80xi32, #tpu.memory_space<hbm>>
      %dma_start3A_458 = arith.constant 0 : i32
      %dma_start3A_459 = arith.constant 0 : i32
      %dma_start3A_460 = tpu.memref_slice %arg3[%add3A, %dma_start3A_458, %dma_start3A_459] : memref<32x125x80xi32, #tpu.memory_space<hbm>> -> memref<1x125x80xi32, #tpu.memory_space<hbm>>
      %dma_start3A_461 = tpu.memref_squeeze %dma_start3A_460 : memref<1x125x80xi32, #tpu.memory_space<hbm>> -> memref<125x80xi32, #tpu.memory_space<hbm>>
      %dma_start3A_462 = arith.constant 32 : i32
      %dma_start3A_463 = arith.constant 0 : i32
      %dma_start3A_464 = tpu.memref_slice %dma_start3A_461[%dma_start3A_462, %dma_start3A_463] : memref<125x80xi32, #tpu.memory_space<hbm>> -> memref<32x80xi32, #tpu.memory_space<hbm>>
      tpu.enqueue_dma source(%dma_start3A_464 : memref<32x80xi32, #tpu.memory_space<hbm>>) target(%arg9 : memref<32x80xi32, #tpu.memory_space<vmem>>) target_semaphore(%run_scoped3A_450 : memref<!tpu.dma_semaphore, #tpu.memory_space<semaphore_mem>>)
      %dma_wait3A_465 = arith.constant 0 : i32
      %dma_wait3A_466 = arith.constant 0 : i32
      %dma_wait3A_467 = tpu.memref_slice %arg3[%add3A, %dma_wait3A_465, %dma_wait3A_466] : memref<32x125x80xi32, #tpu.memory_space<hbm>> -> memref<1x125x80xi32, #tpu.memory_space<hbm>>
      %dma_wait3A_468 = tpu.memref_squeeze %dma_wait3A_467 : memref<1x125x80xi32, #tpu.memory_space<hbm>> -> memref<125x80xi32, #tpu.memory_space<hbm>>
      %dma_wait3A_469 = arith.constant 32 : i32
      %dma_wait3A_470 = arith.constant 0 : i32
      %dma_wait3A_471 = tpu.memref_slice %dma_wait3A_468[%dma_wait3A_469, %dma_wait3A_470] : memref<125x80xi32, #tpu.memory_space<hbm>> -> memref<32x80xi32, #tpu.memory_space<hbm>>
      %dma_wait3A_472 = arith.constant 0 : i32
      %dma_wait3A_473 = arith.constant 0 : i32
      %dma_wait3A_474 = tpu.memref_slice %arg3[%add3A, %dma_wait3A_472, %dma_wait3A_473] : memref<32x125x80xi32, #tpu.memory_space<hbm>> -> memref<1x125x80xi32, #tpu.memory_space<hbm>>
      %dma_wait3A_475 = tpu.memref_squeeze %dma_wait3A_474 : memref<1x125x80xi32, #tpu.memory_space<hbm>> -> memref<125x80xi32, #tpu.memory_space<hbm>>
      %dma_wait3A_476 = arith.constant 32 : i32
      %dma_wait3A_477 = arith.constant 0 : i32
      %dma_wait3A_478 = tpu.memref_slice %dma_wait3A_475[%dma_wait3A_476, %dma_wait3A_477] : memref<125x80xi32, #tpu.memory_space<hbm>> -> memref<32x80xi32, #tpu.memory_space<hbm>>
      tpu.wait_dma2 semaphore(%run_scoped3A_450 : memref<!tpu.dma_semaphore, #tpu.memory_space<semaphore_mem>>) src(%dma_wait3A_478 : memref<32x80xi32, #tpu.memory_space<hbm>>) dst(%arg9 : memref<32x80xi32, #tpu.memory_space<vmem>>)
      tpu.yield
    }) : () -> ()
    "tpu.region"() ({
      %run_scoped3A_450 = tpu.sem_alloc : memref<!tpu.dma_semaphore, #tpu.memory_space<semaphore_mem>>
      %dma_start3A_451 = arith.constant 0 : i32
      %dma_start3A_452 = arith.constant 0 : i32
      %dma_start3A_453 = tpu.memref_slice %arg4[%add3A, %dma_start3A_451, %dma_start3A_452] : memref<32x125x80xi32, #tpu.memory_space<hbm>> -> memref<1x125x80xi32, #tpu.memory_space<hbm>>
      %dma_start3A_454 = tpu.memref_squeeze %dma_start3A_453 : memref<1x125x80xi32, #tpu.memory_space<hbm>> -> memref<125x80xi32, #tpu.memory_space<hbm>>
      %dma_start3A_455 = arith.constant 32 : i32
      %dma_start3A_456 = arith.constant 0 : i32
      %dma_start3A_457 = tpu.memref_slice %dma_start3A_454[%dma_start3A_455, %dma_start3A_456] : memref<125x80xi32, #tpu.memory_space<hbm>> -> memref<32x80xi32, #tpu.memory_space<hbm>>
      %dma_start3A_458 = arith.constant 0 : i32
      %dma_start3A_459 = arith.constant 0 : i32
      %dma_start3A_460 = tpu.memref_slice %arg4[%add3A, %dma_start3A_458, %dma_start3A_459] : memref<32x125x80xi32, #tpu.memory_space<hbm>> -> memref<1x125x80xi32, #tpu.memory_space<hbm>>
      %dma_start3A_461 = tpu.memref_squeeze %dma_start3A_460 : memref<1x125x80xi32, #tpu.memory_space<hbm>> -> memref<125x80xi32, #tpu.memory_space<hbm>>
      %dma_start3A_462 = arith.constant 32 : i32
      %dma_start3A_463 = arith.constant 0 : i32
      %dma_start3A_464 = tpu.memref_slice %dma_start3A_461[%dma_start3A_462, %dma_start3A_463] : memref<125x80xi32, #tpu.memory_space<hbm>> -> memref<32x80xi32, #tpu.memory_space<hbm>>
      tpu.enqueue_dma source(%dma_start3A_464 : memref<32x80xi32, #tpu.memory_space<hbm>>) target(%arg10 : memref<32x80xi32, #tpu.memory_space<vmem>>) target_semaphore(%run_scoped3A_450 : memref<!tpu.dma_semaphore, #tpu.memory_space<semaphore_mem>>)
      %dma_wait3A_465 = arith.constant 0 : i32
      %dma_wait3A_466 = arith.constant 0 : i32
      %dma_wait3A_467 = tpu.memref_slice %arg4[%add3A, %dma_wait3A_465, %dma_wait3A_466] : memref<32x125x80xi32, #tpu.memory_space<hbm>> -> memref<1x125x80xi32, #tpu.memory_space<hbm>>
      %dma_wait3A_468 = tpu.memref_squeeze %dma_wait3A_467 : memref<1x125x80xi32, #tpu.memory_space<hbm>> -> memref<125x80xi32, #tpu.memory_space<hbm>>
      %dma_wait3A_469 = arith.constant 32 : i32
      %dma_wait3A_470 = arith.constant 0 : i32
      %dma_wait3A_471 = tpu.memref_slice %dma_wait3A_468[%dma_wait3A_469, %dma_wait3A_470] : memref<125x80xi32, #tpu.memory_space<hbm>> -> memref<32x80xi32, #tpu.memory_space<hbm>>
      %dma_wait3A_472 = arith.constant 0 : i32
      %dma_wait3A_473 = arith.constant 0 : i32
      %dma_wait3A_474 = tpu.memref_slice %arg4[%add3A, %dma_wait3A_472, %dma_wait3A_473] : memref<32x125x80xi32, #tpu.memory_space<hbm>> -> memref<1x125x80xi32, #tpu.memory_space<hbm>>
      %dma_wait3A_475 = tpu.memref_squeeze %dma_wait3A_474 : memref<1x125x80xi32, #tpu.memory_space<hbm>> -> memref<125x80xi32, #tpu.memory_space<hbm>>
      %dma_wait3A_476 = arith.constant 32 : i32
      %dma_wait3A_477 = arith.constant 0 : i32
      %dma_wait3A_478 = tpu.memref_slice %dma_wait3A_475[%dma_wait3A_476, %dma_wait3A_477] : memref<125x80xi32, #tpu.memory_space<hbm>> -> memref<32x80xi32, #tpu.memory_space<hbm>>
      tpu.wait_dma2 semaphore(%run_scoped3A_450 : memref<!tpu.dma_semaphore, #tpu.memory_space<semaphore_mem>>) src(%dma_wait3A_478 : memref<32x80xi32, #tpu.memory_space<hbm>>) dst(%arg10 : memref<32x80xi32, #tpu.memory_space<vmem>>)
      tpu.yield
    }) : () -> ()
    %dma_start3A_118 = arith.constant 0 : i32
    %dma_start3A_119 = arith.constant 0 : i32
    %dma_start3A_120 = arith.constant 0 : i32
    %dma_start3A_121 = arith.constant 0 : i32
    %dma_start3A_122 = tpu.memref_slice %arg11[%dma_start3A_119, %dma_start3A_120, %dma_start3A_121] : memref<4x80x128xf32, #tpu.memory_space<vmem>> -> memref<1x80x128xf32, #tpu.memory_space<vmem>>
    %dma_start3A_123 = tpu.memref_squeeze %dma_start3A_122 : memref<1x80x128xf32, #tpu.memory_space<vmem>> -> memref<80x128xf32, #tpu.memory_space<vmem>>
    %dma_start3A_124 = arith.constant 0 : i32
    %dma_start3A_125 = tpu.memref_slice %arg9[%dma_start3A_118, %dma_start3A_124] : memref<32x80xi32, #tpu.memory_space<vmem>> -> memref<1x80xi32, #tpu.memory_space<vmem>>
    %dma_start3A_126 = tpu.memref_squeeze %dma_start3A_125 : memref<1x80xi32, #tpu.memory_space<vmem>> -> memref<80xi32, #tpu.memory_space<vmem>>
    %dma_start3A_127 = arith.constant 0 : i32
    %dma_start3A_128 = arith.constant 0 : i32
    %dma_start3A_129 = tpu.memref_slice %arg2[%dma_start3A_127, %dma_start3A_128] : memref<10000x128xf32, #tpu.memory_space<hbm>> -> memref<10000x128xf32, #tpu.memory_space<hbm>>
    tpu.enqueue_indirect_dma source(%dma_start3A_129 : memref<10000x128xf32, #tpu.memory_space<hbm>>) target(%dma_start3A_123 : memref<80x128xf32, #tpu.memory_space<vmem>>) offsets(%dma_start3A_126 : memref<80xi32, #tpu.memory_space<vmem>>) semaphore(%arg13 : memref<!tpu.dma_semaphore, #tpu.memory_space<semaphore_mem>>)
    %dma_start3A_130 = arith.constant 1 : i32
    %dma_start3A_131 = arith.constant 1 : i32
    %dma_start3A_132 = arith.constant 0 : i32
    %dma_start3A_133 = arith.constant 0 : i32
    %dma_start3A_134 = tpu.memref_slice %arg11[%dma_start3A_131, %dma_start3A_132, %dma_start3A_133] : memref<4x80x128xf32, #tpu.memory_space<vmem>> -> memref<1x80x128xf32, #tpu.memory_space<vmem>>
    %dma_start3A_135 = tpu.memref_squeeze %dma_start3A_134 : memref<1x80x128xf32, #tpu.memory_space<vmem>> -> memref<80x128xf32, #tpu.memory_space<vmem>>
    %dma_start3A_136 = arith.constant 0 : i32
    %dma_start3A_137 = tpu.memref_slice %arg9[%dma_start3A_130, %dma_start3A_136] : memref<32x80xi32, #tpu.memory_space<vmem>> -> memref<1x80xi32, #tpu.memory_space<vmem>>
    %dma_start3A_138 = tpu.memref_squeeze %dma_start3A_137 : memref<1x80xi32, #tpu.memory_space<vmem>> -> memref<80xi32, #tpu.memory_space<vmem>>
    %dma_start3A_139 = arith.constant 0 : i32
    %dma_start3A_140 = arith.constant 0 : i32
    %dma_start3A_141 = tpu.memref_slice %arg2[%dma_start3A_139, %dma_start3A_140] : memref<10000x128xf32, #tpu.memory_space<hbm>> -> memref<10000x128xf32, #tpu.memory_space<hbm>>
    tpu.enqueue_indirect_dma source(%dma_start3A_141 : memref<10000x128xf32, #tpu.memory_space<hbm>>) target(%dma_start3A_135 : memref<80x128xf32, #tpu.memory_space<vmem>>) offsets(%dma_start3A_138 : memref<80xi32, #tpu.memory_space<vmem>>) semaphore(%arg14 : memref<!tpu.dma_semaphore, #tpu.memory_space<semaphore_mem>>)
    %dma_start3A_142 = arith.constant 2 : i32
    %dma_start3A_143 = arith.constant 2 : i32
    %dma_start3A_144 = arith.constant 0 : i32
    %dma_start3A_145 = arith.constant 0 : i32
    %dma_start3A_146 = tpu.memref_slice %arg11[%dma_start3A_143, %dma_start3A_144, %dma_start3A_145] : memref<4x80x128xf32, #tpu.memory_space<vmem>> -> memref<1x80x128xf32, #tpu.memory_space<vmem>>
    %dma_start3A_147 = tpu.memref_squeeze %dma_start3A_146 : memref<1x80x128xf32, #tpu.memory_space<vmem>> -> memref<80x128xf32, #tpu.memory_space<vmem>>
    %dma_start3A_148 = arith.constant 0 : i32
    %dma_start3A_149 = tpu.memref_slice %arg9[%dma_start3A_142, %dma_start3A_148] : memref<32x80xi32, #tpu.memory_space<vmem>> -> memref<1x80xi32, #tpu.memory_space<vmem>>
    %dma_start3A_150 = tpu.memref_squeeze %dma_start3A_149 : memref<1x80xi32, #tpu.memory_space<vmem>> -> memref<80xi32, #tpu.memory_space<vmem>>
    %dma_start3A_151 = arith.constant 0 : i32
    %dma_start3A_152 = arith.constant 0 : i32
    %dma_start3A_153 = tpu.memref_slice %arg2[%dma_start3A_151, %dma_start3A_152] : memref<10000x128xf32, #tpu.memory_space<hbm>> -> memref<10000x128xf32, #tpu.memory_space<hbm>>
    tpu.enqueue_indirect_dma source(%dma_start3A_153 : memref<10000x128xf32, #tpu.memory_space<hbm>>) target(%dma_start3A_147 : memref<80x128xf32, #tpu.memory_space<vmem>>) offsets(%dma_start3A_150 : memref<80xi32, #tpu.memory_space<vmem>>) semaphore(%arg15 : memref<!tpu.dma_semaphore, #tpu.memory_space<semaphore_mem>>)
    %dma_start3A_154 = arith.constant 3 : i32
    %dma_start3A_155 = arith.constant 3 : i32
    %dma_start3A_156 = arith.constant 0 : i32
    %dma_start3A_157 = arith.constant 0 : i32
    %dma_start3A_158 = tpu.memref_slice %arg11[%dma_start3A_155, %dma_start3A_156, %dma_start3A_157] : memref<4x80x128xf32, #tpu.memory_space<vmem>> -> memref<1x80x128xf32, #tpu.memory_space<vmem>>
    %dma_start3A_159 = tpu.memref_squeeze %dma_start3A_158 : memref<1x80x128xf32, #tpu.memory_space<vmem>> -> memref<80x128xf32, #tpu.memory_space<vmem>>
    %dma_start3A_160 = arith.constant 0 : i32
    %dma_start3A_161 = tpu.memref_slice %arg9[%dma_start3A_154, %dma_start3A_160] : memref<32x80xi32, #tpu.memory_space<vmem>> -> memref<1x80xi32, #tpu.memory_space<vmem>>
    %dma_start3A_162 = tpu.memref_squeeze %dma_start3A_161 : memref<1x80xi32, #tpu.memory_space<vmem>> -> memref<80xi32, #tpu.memory_space<vmem>>
    %dma_start3A_163 = arith.constant 0 : i32
    %dma_start3A_164 = arith.constant 0 : i32
    %dma_start3A_165 = tpu.memref_slice %arg2[%dma_start3A_163, %dma_start3A_164] : memref<10000x128xf32, #tpu.memory_space<hbm>> -> memref<10000x128xf32, #tpu.memory_space<hbm>>
    tpu.enqueue_indirect_dma source(%dma_start3A_165 : memref<10000x128xf32, #tpu.memory_space<hbm>>) target(%dma_start3A_159 : memref<80x128xf32, #tpu.memory_space<vmem>>) offsets(%dma_start3A_162 : memref<80xi32, #tpu.memory_space<vmem>>) semaphore(%arg16 : memref<!tpu.dma_semaphore, #tpu.memory_space<semaphore_mem>>)
    %scan3A_166 = arith.constant 0 : i32
    %scan3A_167 = arith.constant 7 : i32
    %scan3A_168 = arith.addi %scan3A_166, %scan3A_167 : i32
    %scan3A_169 = arith.constant 1 : i32
    scf.for %scan3A_450 = %scan3A_166 to %scan3A_168 step %scan3A_169  : i32 {
      %mul3A_451 = arith.constant 1 : i32
      %mul3A_452 = arith.muli %scan3A_450, %mul3A_451 : i32
      %add3A_453 = arith.constant 0 : i32
      %add3A_454 = arith.addi %add3A_453, %mul3A_452 : i32
      %mul3A_455 = arith.constant 4 : i32
      %mul3A_456 = arith.muli %add3A_454, %mul3A_455 : i32
      %add3A_457 = arith.constant 0 : i32
      %add3A_458 = arith.addi %mul3A_456, %add3A_457 : i32
      %dma_wait3A_459 = arith.constant 0 : i32
      %dma_wait3A_460 = arith.constant 0 : i32
      %dma_wait3A_461 = arith.constant 0 : i32
      %dma_wait3A_462 = tpu.memref_slice %arg11[%dma_wait3A_459, %dma_wait3A_460, %dma_wait3A_461] : memref<4x80x128xf32, #tpu.memory_space<vmem>> -> memref<1x80x128xf32, #tpu.memory_space<vmem>>
      %dma_wait3A_463 = tpu.memref_squeeze %dma_wait3A_462 : memref<1x80x128xf32, #tpu.memory_space<vmem>> -> memref<80x128xf32, #tpu.memory_space<vmem>>
      %dma_wait3A_464 = arith.constant 0 : i32
      %dma_wait3A_465 = tpu.memref_slice %arg9[%add3A_458, %dma_wait3A_464] : memref<32x80xi32, #tpu.memory_space<vmem>> -> memref<1x80xi32, #tpu.memory_space<vmem>>
      %dma_wait3A_466 = tpu.memref_squeeze %dma_wait3A_465 : memref<1x80xi32, #tpu.memory_space<vmem>> -> memref<80xi32, #tpu.memory_space<vmem>>
      %dma_wait3A_467 = arith.constant 0 : i32
      %dma_wait3A_468 = arith.constant 0 : i32
      %dma_wait3A_469 = tpu.memref_slice %arg2[%dma_wait3A_467, %dma_wait3A_468] : memref<10000x128xf32, #tpu.memory_space<hbm>> -> memref<10000x128xf32, #tpu.memory_space<hbm>>
      tpu.wait_indirect_dma semaphore(%arg13 : memref<!tpu.dma_semaphore, #tpu.memory_space<semaphore_mem>>) src(%dma_wait3A_469 : memref<10000x128xf32, #tpu.memory_space<hbm>>) dst(%dma_wait3A_463 : memref<80x128xf32, #tpu.memory_space<vmem>>)
      %run_scoped3A_470 = arith.constant 0 : i32
      "tpu.region"() ({
        %run_scoped3A_565 = tpu.sem_alloc : memref<!tpu.dma_semaphore, #tpu.memory_space<semaphore_mem>>
        %dma_start3A_566 = arith.constant 0 : i32
        %dma_start3A_567 = arith.constant 0 : i32
        %dma_start3A_568 = tpu.memref_slice %arg11[%run_scoped3A_470, %dma_start3A_566, %dma_start3A_567] : memref<4x80x128xf32, #tpu.memory_space<vmem>> -> memref<1x80x128xf32, #tpu.memory_space<vmem>>
        %dma_start3A_569 = tpu.memref_squeeze %dma_start3A_568 : memref<1x80x128xf32, #tpu.memory_space<vmem>> -> memref<80x128xf32, #tpu.memory_space<vmem>>
        %dma_start3A_570 = arith.constant 0 : i32
        %dma_start3A_571 = tpu.memref_slice %arg10[%add3A_458, %dma_start3A_570] : memref<32x80xi32, #tpu.memory_space<vmem>> -> memref<1x80xi32, #tpu.memory_space<vmem>>
        %dma_start3A_572 = tpu.memref_squeeze %dma_start3A_571 : memref<1x80xi32, #tpu.memory_space<vmem>> -> memref<80xi32, #tpu.memory_space<vmem>>
        %dma_start3A_573 = arith.constant 0 : i32
        %dma_start3A_574 = arith.constant 0 : i32
        %dma_start3A_575 = tpu.memref_slice %arg12[%dma_start3A_573, %dma_start3A_574] : memref<10112x128xf32, #tpu.memory_space<vmem_shared>> -> memref<10112x128xf32, #tpu.memory_space<vmem_shared>>
        tpu.enqueue_indirect_dma source(%dma_start3A_569 : memref<80x128xf32, #tpu.memory_space<vmem>>) target(%dma_start3A_575 : memref<10112x128xf32, #tpu.memory_space<vmem_shared>>) offsets(%dma_start3A_572 : memref<80xi32, #tpu.memory_space<vmem>>) semaphore(%run_scoped3A_565 : memref<!tpu.dma_semaphore, #tpu.memory_space<semaphore_mem>>) {add = true}
        %dma_wait3A_576 = arith.constant 0 : i32
        %dma_wait3A_577 = arith.constant 0 : i32
        %dma_wait3A_578 = tpu.memref_slice %arg11[%run_scoped3A_470, %dma_wait3A_576, %dma_wait3A_577] : memref<4x80x128xf32, #tpu.memory_space<vmem>> -> memref<1x80x128xf32, #tpu.memory_space<vmem>>
        %dma_wait3A_579 = tpu.memref_squeeze %dma_wait3A_578 : memref<1x80x128xf32, #tpu.memory_space<vmem>> -> memref<80x128xf32, #tpu.memory_space<vmem>>
        %dma_wait3A_580 = arith.constant 0 : i32
        %dma_wait3A_581 = tpu.memref_slice %arg10[%add3A_458, %dma_wait3A_580] : memref<32x80xi32, #tpu.memory_space<vmem>> -> memref<1x80xi32, #tpu.memory_space<vmem>>
        %dma_wait3A_582 = tpu.memref_squeeze %dma_wait3A_581 : memref<1x80xi32, #tpu.memory_space<vmem>> -> memref<80xi32, #tpu.memory_space<vmem>>
        %dma_wait3A_583 = arith.constant 0 : i32
        %dma_wait3A_584 = arith.constant 0 : i32
        %dma_wait3A_585 = tpu.memref_slice %arg12[%dma_wait3A_583, %dma_wait3A_584] : memref<10112x128xf32, #tpu.memory_space<vmem_shared>> -> memref<10112x128xf32, #tpu.memory_space<vmem_shared>>
        tpu.wait_indirect_dma semaphore(%run_scoped3A_565 : memref<!tpu.dma_semaphore, #tpu.memory_space<semaphore_mem>>) src(%dma_wait3A_579 : memref<80x128xf32, #tpu.memory_space<vmem>>) dst(%dma_wait3A_585 : memref<10112x128xf32, #tpu.memory_space<vmem_shared>>)
        tpu.yield
      }) : () -> ()
      %add3A_471 = arith.constant 4 : i32
      %add3A_472 = arith.addi %add3A_458, %add3A_471 : i32
      %dma_start3A_473 = arith.constant 0 : i32
      %dma_start3A_474 = arith.constant 0 : i32
      %dma_start3A_475 = arith.constant 0 : i32
      %dma_start3A_476 = tpu.memref_slice %arg11[%dma_start3A_473, %dma_start3A_474, %dma_start3A_475] : memref<4x80x128xf32, #tpu.memory_space<vmem>> -> memref<1x80x128xf32, #tpu.memory_space<vmem>>
      %dma_start3A_477 = tpu.memref_squeeze %dma_start3A_476 : memref<1x80x128xf32, #tpu.memory_space<vmem>> -> memref<80x128xf32, #tpu.memory_space<vmem>>
      %dma_start3A_478 = arith.constant 0 : i32
      %dma_start3A_479 = tpu.memref_slice %arg9[%add3A_472, %dma_start3A_478] : memref<32x80xi32, #tpu.memory_space<vmem>> -> memref<1x80xi32, #tpu.memory_space<vmem>>
      %dma_start3A_480 = tpu.memref_squeeze %dma_start3A_479 : memref<1x80xi32, #tpu.memory_space<vmem>> -> memref<80xi32, #tpu.memory_space<vmem>>
      %dma_start3A_481 = arith.constant 0 : i32
      %dma_start3A_482 = arith.constant 0 : i32
      %dma_start3A_483 = tpu.memref_slice %arg2[%dma_start3A_481, %dma_start3A_482] : memref<10000x128xf32, #tpu.memory_space<hbm>> -> memref<10000x128xf32, #tpu.memory_space<hbm>>
      tpu.enqueue_indirect_dma source(%dma_start3A_483 : memref<10000x128xf32, #tpu.memory_space<hbm>>) target(%dma_start3A_477 : memref<80x128xf32, #tpu.memory_space<vmem>>) offsets(%dma_start3A_480 : memref<80xi32, #tpu.memory_space<vmem>>) semaphore(%arg13 : memref<!tpu.dma_semaphore, #tpu.memory_space<semaphore_mem>>)
      %add3A_484 = arith.constant 1 : i32
      %add3A_485 = arith.addi %mul3A_456, %add3A_484 : i32
      %dma_wait3A_486 = arith.constant 1 : i32
      %dma_wait3A_487 = arith.constant 0 : i32
      %dma_wait3A_488 = arith.constant 0 : i32
      %dma_wait3A_489 = tpu.memref_slice %arg11[%dma_wait3A_486, %dma_wait3A_487, %dma_wait3A_488] : memref<4x80x128xf32, #tpu.memory_space<vmem>> -> memref<1x80x128xf32, #tpu.memory_space<vmem>>
      %dma_wait3A_490 = tpu.memref_squeeze %dma_wait3A_489 : memref<1x80x128xf32, #tpu.memory_space<vmem>> -> memref<80x128xf32, #tpu.memory_space<vmem>>
      %dma_wait3A_491 = arith.constant 0 : i32
      %dma_wait3A_492 = tpu.memref_slice %arg9[%add3A_485, %dma_wait3A_491] : memref<32x80xi32, #tpu.memory_space<vmem>> -> memref<1x80xi32, #tpu.memory_space<vmem>>
      %dma_wait3A_493 = tpu.memref_squeeze %dma_wait3A_492 : memref<1x80xi32, #tpu.memory_space<vmem>> -> memref<80xi32, #tpu.memory_space<vmem>>
      %dma_wait3A_494 = arith.constant 0 : i32
      %dma_wait3A_495 = arith.constant 0 : i32
      %dma_wait3A_496 = tpu.memref_slice %arg2[%dma_wait3A_494, %dma_wait3A_495] : memref<10000x128xf32, #tpu.memory_space<hbm>> -> memref<10000x128xf32, #tpu.memory_space<hbm>>
      tpu.wait_indirect_dma semaphore(%arg14 : memref<!tpu.dma_semaphore, #tpu.memory_space<semaphore_mem>>) src(%dma_wait3A_496 : memref<10000x128xf32, #tpu.memory_space<hbm>>) dst(%dma_wait3A_490 : memref<80x128xf32, #tpu.memory_space<vmem>>)
      %run_scoped3A_497 = arith.constant 1 : i32
      "tpu.region"() ({
        %run_scoped3A_565 = tpu.sem_alloc : memref<!tpu.dma_semaphore, #tpu.memory_space<semaphore_mem>>
        %dma_start3A_566 = arith.constant 0 : i32
        %dma_start3A_567 = arith.constant 0 : i32
        %dma_start3A_568 = tpu.memref_slice %arg11[%run_scoped3A_497, %dma_start3A_566, %dma_start3A_567] : memref<4x80x128xf32, #tpu.memory_space<vmem>> -> memref<1x80x128xf32, #tpu.memory_space<vmem>>
        %dma_start3A_569 = tpu.memref_squeeze %dma_start3A_568 : memref<1x80x128xf32, #tpu.memory_space<vmem>> -> memref<80x128xf32, #tpu.memory_space<vmem>>
        %dma_start3A_570 = arith.constant 0 : i32
        %dma_start3A_571 = tpu.memref_slice %arg10[%add3A_485, %dma_start3A_570] : memref<32x80xi32, #tpu.memory_space<vmem>> -> memref<1x80xi32, #tpu.memory_space<vmem>>
        %dma_start3A_572 = tpu.memref_squeeze %dma_start3A_571 : memref<1x80xi32, #tpu.memory_space<vmem>> -> memref<80xi32, #tpu.memory_space<vmem>>
        %dma_start3A_573 = arith.constant 0 : i32
        %dma_start3A_574 = arith.constant 0 : i32
        %dma_start3A_575 = tpu.memref_slice %arg12[%dma_start3A_573, %dma_start3A_574] : memref<10112x128xf32, #tpu.memory_space<vmem_shared>> -> memref<10112x128xf32, #tpu.memory_space<vmem_shared>>
        tpu.enqueue_indirect_dma source(%dma_start3A_569 : memref<80x128xf32, #tpu.memory_space<vmem>>) target(%dma_start3A_575 : memref<10112x128xf32, #tpu.memory_space<vmem_shared>>) offsets(%dma_start3A_572 : memref<80xi32, #tpu.memory_space<vmem>>) semaphore(%run_scoped3A_565 : memref<!tpu.dma_semaphore, #tpu.memory_space<semaphore_mem>>) {add = true}
        %dma_wait3A_576 = arith.constant 0 : i32
        %dma_wait3A_577 = arith.constant 0 : i32
        %dma_wait3A_578 = tpu.memref_slice %arg11[%run_scoped3A_497, %dma_wait3A_576, %dma_wait3A_577] : memref<4x80x128xf32, #tpu.memory_space<vmem>> -> memref<1x80x128xf32, #tpu.memory_space<vmem>>
        %dma_wait3A_579 = tpu.memref_squeeze %dma_wait3A_578 : memref<1x80x128xf32, #tpu.memory_space<vmem>> -> memref<80x128xf32, #tpu.memory_space<vmem>>
        %dma_wait3A_580 = arith.constant 0 : i32
        %dma_wait3A_581 = tpu.memref_slice %arg10[%add3A_485, %dma_wait3A_580] : memref<32x80xi32, #tpu.memory_space<vmem>> -> memref<1x80xi32, #tpu.memory_space<vmem>>
        %dma_wait3A_582 = tpu.memref_squeeze %dma_wait3A_581 : memref<1x80xi32, #tpu.memory_space<vmem>> -> memref<80xi32, #tpu.memory_space<vmem>>
        %dma_wait3A_583 = arith.constant 0 : i32
        %dma_wait3A_584 = arith.constant 0 : i32
        %dma_wait3A_585 = tpu.memref_slice %arg12[%dma_wait3A_583, %dma_wait3A_584] : memref<10112x128xf32, #tpu.memory_space<vmem_shared>> -> memref<10112x128xf32, #tpu.memory_space<vmem_shared>>
        tpu.wait_indirect_dma semaphore(%run_scoped3A_565 : memref<!tpu.dma_semaphore, #tpu.memory_space<semaphore_mem>>) src(%dma_wait3A_579 : memref<80x128xf32, #tpu.memory_space<vmem>>) dst(%dma_wait3A_585 : memref<10112x128xf32, #tpu.memory_space<vmem_shared>>)
        tpu.yield
      }) : () -> ()
      %add3A_498 = arith.constant 4 : i32
      %add3A_499 = arith.addi %add3A_485, %add3A_498 : i32
      %dma_start3A_500 = arith.constant 1 : i32
      %dma_start3A_501 = arith.constant 0 : i32
      %dma_start3A_502 = arith.constant 0 : i32
      %dma_start3A_503 = tpu.memref_slice %arg11[%dma_start3A_500, %dma_start3A_501, %dma_start3A_502] : memref<4x80x128xf32, #tpu.memory_space<vmem>> -> memref<1x80x128xf32, #tpu.memory_space<vmem>>
      %dma_start3A_504 = tpu.memref_squeeze %dma_start3A_503 : memref<1x80x128xf32, #tpu.memory_space<vmem>> -> memref<80x128xf32, #tpu.memory_space<vmem>>
      %dma_start3A_505 = arith.constant 0 : i32
      %dma_start3A_506 = tpu.memref_slice %arg9[%add3A_499, %dma_start3A_505] : memref<32x80xi32, #tpu.memory_space<vmem>> -> memref<1x80xi32, #tpu.memory_space<vmem>>
      %dma_start3A_507 = tpu.memref_squeeze %dma_start3A_506 : memref<1x80xi32, #tpu.memory_space<vmem>> -> memref<80xi32, #tpu.memory_space<vmem>>
      %dma_start3A_508 = arith.constant 0 : i32
      %dma_start3A_509 = arith.constant 0 : i32
      %dma_start3A_510 = tpu.memref_slice %arg2[%dma_start3A_508, %dma_start3A_509] : memref<10000x128xf32, #tpu.memory_space<hbm>> -> memref<10000x128xf32, #tpu.memory_space<hbm>>
      tpu.enqueue_indirect_dma source(%dma_start3A_510 : memref<10000x128xf32, #tpu.memory_space<hbm>>) target(%dma_start3A_504 : memref<80x128xf32, #tpu.memory_space<vmem>>) offsets(%dma_start3A_507 : memref<80xi32, #tpu.memory_space<vmem>>) semaphore(%arg14 : memref<!tpu.dma_semaphore, #tpu.memory_space<semaphore_mem>>)
      %add3A_511 = arith.constant 2 : i32
      %add3A_512 = arith.addi %mul3A_456, %add3A_511 : i32
      %dma_wait3A_513 = arith.constant 2 : i32
      %dma_wait3A_514 = arith.constant 0 : i32
      %dma_wait3A_515 = arith.constant 0 : i32
      %dma_wait3A_516 = tpu.memref_slice %arg11[%dma_wait3A_513, %dma_wait3A_514, %dma_wait3A_515] : memref<4x80x128xf32, #tpu.memory_space<vmem>> -> memref<1x80x128xf32, #tpu.memory_space<vmem>>
      %dma_wait3A_517 = tpu.memref_squeeze %dma_wait3A_516 : memref<1x80x128xf32, #tpu.memory_space<vmem>> -> memref<80x128xf32, #tpu.memory_space<vmem>>
      %dma_wait3A_518 = arith.constant 0 : i32
      %dma_wait3A_519 = tpu.memref_slice %arg9[%add3A_512, %dma_wait3A_518] : memref<32x80xi32, #tpu.memory_space<vmem>> -> memref<1x80xi32, #tpu.memory_space<vmem>>
      %dma_wait3A_520 = tpu.memref_squeeze %dma_wait3A_519 : memref<1x80xi32, #tpu.memory_space<vmem>> -> memref<80xi32, #tpu.memory_space<vmem>>
      %dma_wait3A_521 = arith.constant 0 : i32
      %dma_wait3A_522 = arith.constant 0 : i32
      %dma_wait3A_523 = tpu.memref_slice %arg2[%dma_wait3A_521, %dma_wait3A_522] : memref<10000x128xf32, #tpu.memory_space<hbm>> -> memref<10000x128xf32, #tpu.memory_space<hbm>>
      tpu.wait_indirect_dma semaphore(%arg15 : memref<!tpu.dma_semaphore, #tpu.memory_space<semaphore_mem>>) src(%dma_wait3A_523 : memref<10000x128xf32, #tpu.memory_space<hbm>>) dst(%dma_wait3A_517 : memref<80x128xf32, #tpu.memory_space<vmem>>)
      %run_scoped3A_524 = arith.constant 2 : i32
      "tpu.region"() ({
        %run_scoped3A_565 = tpu.sem_alloc : memref<!tpu.dma_semaphore, #tpu.memory_space<semaphore_mem>>
        %dma_start3A_566 = arith.constant 0 : i32
        %dma_start3A_567 = arith.constant 0 : i32
        %dma_start3A_568 = tpu.memref_slice %arg11[%run_scoped3A_524, %dma_start3A_566, %dma_start3A_567] : memref<4x80x128xf32, #tpu.memory_space<vmem>> -> memref<1x80x128xf32, #tpu.memory_space<vmem>>
        %dma_start3A_569 = tpu.memref_squeeze %dma_start3A_568 : memref<1x80x128xf32, #tpu.memory_space<vmem>> -> memref<80x128xf32, #tpu.memory_space<vmem>>
        %dma_start3A_570 = arith.constant 0 : i32
        %dma_start3A_571 = tpu.memref_slice %arg10[%add3A_512, %dma_start3A_570] : memref<32x80xi32, #tpu.memory_space<vmem>> -> memref<1x80xi32, #tpu.memory_space<vmem>>
        %dma_start3A_572 = tpu.memref_squeeze %dma_start3A_571 : memref<1x80xi32, #tpu.memory_space<vmem>> -> memref<80xi32, #tpu.memory_space<vmem>>
        %dma_start3A_573 = arith.constant 0 : i32
        %dma_start3A_574 = arith.constant 0 : i32
        %dma_start3A_575 = tpu.memref_slice %arg12[%dma_start3A_573, %dma_start3A_574] : memref<10112x128xf32, #tpu.memory_space<vmem_shared>> -> memref<10112x128xf32, #tpu.memory_space<vmem_shared>>
        tpu.enqueue_indirect_dma source(%dma_start3A_569 : memref<80x128xf32, #tpu.memory_space<vmem>>) target(%dma_start3A_575 : memref<10112x128xf32, #tpu.memory_space<vmem_shared>>) offsets(%dma_start3A_572 : memref<80xi32, #tpu.memory_space<vmem>>) semaphore(%run_scoped3A_565 : memref<!tpu.dma_semaphore, #tpu.memory_space<semaphore_mem>>) {add = true}
        %dma_wait3A_576 = arith.constant 0 : i32
        %dma_wait3A_577 = arith.constant 0 : i32
        %dma_wait3A_578 = tpu.memref_slice %arg11[%run_scoped3A_524, %dma_wait3A_576, %dma_wait3A_577] : memref<4x80x128xf32, #tpu.memory_space<vmem>> -> memref<1x80x128xf32, #tpu.memory_space<vmem>>
        %dma_wait3A_579 = tpu.memref_squeeze %dma_wait3A_578 : memref<1x80x128xf32, #tpu.memory_space<vmem>> -> memref<80x128xf32, #tpu.memory_space<vmem>>
        %dma_wait3A_580 = arith.constant 0 : i32
        %dma_wait3A_581 = tpu.memref_slice %arg10[%add3A_512, %dma_wait3A_580] : memref<32x80xi32, #tpu.memory_space<vmem>> -> memref<1x80xi32, #tpu.memory_space<vmem>>
        %dma_wait3A_582 = tpu.memref_squeeze %dma_wait3A_581 : memref<1x80xi32, #tpu.memory_space<vmem>> -> memref<80xi32, #tpu.memory_space<vmem>>
        %dma_wait3A_583 = arith.constant 0 : i32
        %dma_wait3A_584 = arith.constant 0 : i32
        %dma_wait3A_585 = tpu.memref_slice %arg12[%dma_wait3A_583, %dma_wait3A_584] : memref<10112x128xf32, #tpu.memory_space<vmem_shared>> -> memref<10112x128xf32, #tpu.memory_space<vmem_shared>>
        tpu.wait_indirect_dma semaphore(%run_scoped3A_565 : memref<!tpu.dma_semaphore, #tpu.memory_space<semaphore_mem>>) src(%dma_wait3A_579 : memref<80x128xf32, #tpu.memory_space<vmem>>) dst(%dma_wait3A_585 : memref<10112x128xf32, #tpu.memory_space<vmem_shared>>)
        tpu.yield
      }) : () -> ()
      %add3A_525 = arith.constant 4 : i32
      %add3A_526 = arith.addi %add3A_512, %add3A_525 : i32
      %dma_start3A_527 = arith.constant 2 : i32
      %dma_start3A_528 = arith.constant 0 : i32
      %dma_start3A_529 = arith.constant 0 : i32
      %dma_start3A_530 = tpu.memref_slice %arg11[%dma_start3A_527, %dma_start3A_528, %dma_start3A_529] : memref<4x80x128xf32, #tpu.memory_space<vmem>> -> memref<1x80x128xf32, #tpu.memory_space<vmem>>
      %dma_start3A_531 = tpu.memref_squeeze %dma_start3A_530 : memref<1x80x128xf32, #tpu.memory_space<vmem>> -> memref<80x128xf32, #tpu.memory_space<vmem>>
      %dma_start3A_532 = arith.constant 0 : i32
      %dma_start3A_533 = tpu.memref_slice %arg9[%add3A_526, %dma_start3A_532] : memref<32x80xi32, #tpu.memory_space<vmem>> -> memref<1x80xi32, #tpu.memory_space<vmem>>
      %dma_start3A_534 = tpu.memref_squeeze %dma_start3A_533 : memref<1x80xi32, #tpu.memory_space<vmem>> -> memref<80xi32, #tpu.memory_space<vmem>>
      %dma_start3A_535 = arith.constant 0 : i32
      %dma_start3A_536 = arith.constant 0 : i32
      %dma_start3A_537 = tpu.memref_slice %arg2[%dma_start3A_535, %dma_start3A_536] : memref<10000x128xf32, #tpu.memory_space<hbm>> -> memref<10000x128xf32, #tpu.memory_space<hbm>>
      tpu.enqueue_indirect_dma source(%dma_start3A_537 : memref<10000x128xf32, #tpu.memory_space<hbm>>) target(%dma_start3A_531 : memref<80x128xf32, #tpu.memory_space<vmem>>) offsets(%dma_start3A_534 : memref<80xi32, #tpu.memory_space<vmem>>) semaphore(%arg15 : memref<!tpu.dma_semaphore, #tpu.memory_space<semaphore_mem>>)
      %add3A_538 = arith.constant 3 : i32
      %add3A_539 = arith.addi %mul3A_456, %add3A_538 : i32
      %dma_wait3A_540 = arith.constant 3 : i32
      %dma_wait3A_541 = arith.constant 0 : i32
      %dma_wait3A_542 = arith.constant 0 : i32
      %dma_wait3A_543 = tpu.memref_slice %arg11[%dma_wait3A_540, %dma_wait3A_541, %dma_wait3A_542] : memref<4x80x128xf32, #tpu.memory_space<vmem>> -> memref<1x80x128xf32, #tpu.memory_space<vmem>>
      %dma_wait3A_544 = tpu.memref_squeeze %dma_wait3A_543 : memref<1x80x128xf32, #tpu.memory_space<vmem>> -> memref<80x128xf32, #tpu.memory_space<vmem>>
      %dma_wait3A_545 = arith.constant 0 : i32
      %dma_wait3A_546 = tpu.memref_slice %arg9[%add3A_539, %dma_wait3A_545] : memref<32x80xi32, #tpu.memory_space<vmem>> -> memref<1x80xi32, #tpu.memory_space<vmem>>
      %dma_wait3A_547 = tpu.memref_squeeze %dma_wait3A_546 : memref<1x80xi32, #tpu.memory_space<vmem>> -> memref<80xi32, #tpu.memory_space<vmem>>
      %dma_wait3A_548 = arith.constant 0 : i32
      %dma_wait3A_549 = arith.constant 0 : i32
      %dma_wait3A_550 = tpu.memref_slice %arg2[%dma_wait3A_548, %dma_wait3A_549] : memref<10000x128xf32, #tpu.memory_space<hbm>> -> memref<10000x128xf32, #tpu.memory_space<hbm>>
      tpu.wait_indirect_dma semaphore(%arg16 : memref<!tpu.dma_semaphore, #tpu.memory_space<semaphore_mem>>) src(%dma_wait3A_550 : memref<10000x128xf32, #tpu.memory_space<hbm>>) dst(%dma_wait3A_544 : memref<80x128xf32, #tpu.memory_space<vmem>>)
      %run_scoped3A_551 = arith.constant 3 : i32
      "tpu.region"() ({
        %run_scoped3A_565 = tpu.sem_alloc : memref<!tpu.dma_semaphore, #tpu.memory_space<semaphore_mem>>
        %dma_start3A_566 = arith.constant 0 : i32
        %dma_start3A_567 = arith.constant 0 : i32
        %dma_start3A_568 = tpu.memref_slice %arg11[%run_scoped3A_551, %dma_start3A_566, %dma_start3A_567] : memref<4x80x128xf32, #tpu.memory_space<vmem>> -> memref<1x80x128xf32, #tpu.memory_space<vmem>>
        %dma_start3A_569 = tpu.memref_squeeze %dma_start3A_568 : memref<1x80x128xf32, #tpu.memory_space<vmem>> -> memref<80x128xf32, #tpu.memory_space<vmem>>
        %dma_start3A_570 = arith.constant 0 : i32
        %dma_start3A_571 = tpu.memref_slice %arg10[%add3A_539, %dma_start3A_570] : memref<32x80xi32, #tpu.memory_space<vmem>> -> memref<1x80xi32, #tpu.memory_space<vmem>>
        %dma_start3A_572 = tpu.memref_squeeze %dma_start3A_571 : memref<1x80xi32, #tpu.memory_space<vmem>> -> memref<80xi32, #tpu.memory_space<vmem>>
        %dma_start3A_573 = arith.constant 0 : i32
        %dma_start3A_574 = arith.constant 0 : i32
        %dma_start3A_575 = tpu.memref_slice %arg12[%dma_start3A_573, %dma_start3A_574] : memref<10112x128xf32, #tpu.memory_space<vmem_shared>> -> memref<10112x128xf32, #tpu.memory_space<vmem_shared>>
        tpu.enqueue_indirect_dma source(%dma_start3A_569 : memref<80x128xf32, #tpu.memory_space<vmem>>) target(%dma_start3A_575 : memref<10112x128xf32, #tpu.memory_space<vmem_shared>>) offsets(%dma_start3A_572 : memref<80xi32, #tpu.memory_space<vmem>>) semaphore(%run_scoped3A_565 : memref<!tpu.dma_semaphore, #tpu.memory_space<semaphore_mem>>) {add = true}
        %dma_wait3A_576 = arith.constant 0 : i32
        %dma_wait3A_577 = arith.constant 0 : i32
        %dma_wait3A_578 = tpu.memref_slice %arg11[%run_scoped3A_551, %dma_wait3A_576, %dma_wait3A_577] : memref<4x80x128xf32, #tpu.memory_space<vmem>> -> memref<1x80x128xf32, #tpu.memory_space<vmem>>
        %dma_wait3A_579 = tpu.memref_squeeze %dma_wait3A_578 : memref<1x80x128xf32, #tpu.memory_space<vmem>> -> memref<80x128xf32, #tpu.memory_space<vmem>>
        %dma_wait3A_580 = arith.constant 0 : i32
        %dma_wait3A_581 = tpu.memref_slice %arg10[%add3A_539, %dma_wait3A_580] : memref<32x80xi32, #tpu.memory_space<vmem>> -> memref<1x80xi32, #tpu.memory_space<vmem>>
        %dma_wait3A_582 = tpu.memref_squeeze %dma_wait3A_581 : memref<1x80xi32, #tpu.memory_space<vmem>> -> memref<80xi32, #tpu.memory_space<vmem>>
        %dma_wait3A_583 = arith.constant 0 : i32
        %dma_wait3A_584 = arith.constant 0 : i32
        %dma_wait3A_585 = tpu.memref_slice %arg12[%dma_wait3A_583, %dma_wait3A_584] : memref<10112x128xf32, #tpu.memory_space<vmem_shared>> -> memref<10112x128xf32, #tpu.memory_space<vmem_shared>>
        tpu.wait_indirect_dma semaphore(%run_scoped3A_565 : memref<!tpu.dma_semaphore, #tpu.memory_space<semaphore_mem>>) src(%dma_wait3A_579 : memref<80x128xf32, #tpu.memory_space<vmem>>) dst(%dma_wait3A_585 : memref<10112x128xf32, #tpu.memory_space<vmem_shared>>)
        tpu.yield
      }) : () -> ()
      %add3A_552 = arith.constant 4 : i32
      %add3A_553 = arith.addi %add3A_539, %add3A_552 : i32
      %dma_start3A_554 = arith.constant 3 : i32
      %dma_start3A_555 = arith.constant 0 : i32
      %dma_start3A_556 = arith.constant 0 : i32
      %dma_start3A_557 = tpu.memref_slice %arg11[%dma_start3A_554, %dma_start3A_555, %dma_start3A_556] : memref<4x80x128xf32, #tpu.memory_space<vmem>> -> memref<1x80x128xf32, #tpu.memory_space<vmem>>
      %dma_start3A_558 = tpu.memref_squeeze %dma_start3A_557 : memref<1x80x128xf32, #tpu.memory_space<vmem>> -> memref<80x128xf32, #tpu.memory_space<vmem>>
      %dma_start3A_559 = arith.constant 0 : i32
      %dma_start3A_560 = tpu.memref_slice %arg9[%add3A_553, %dma_start3A_559] : memref<32x80xi32, #tpu.memory_space<vmem>> -> memref<1x80xi32, #tpu.memory_space<vmem>>
      %dma_start3A_561 = tpu.memref_squeeze %dma_start3A_560 : memref<1x80xi32, #tpu.memory_space<vmem>> -> memref<80xi32, #tpu.memory_space<vmem>>
      %dma_start3A_562 = arith.constant 0 : i32
      %dma_start3A_563 = arith.constant 0 : i32
      %dma_start3A_564 = tpu.memref_slice %arg2[%dma_start3A_562, %dma_start3A_563] : memref<10000x128xf32, #tpu.memory_space<hbm>> -> memref<10000x128xf32, #tpu.memory_space<hbm>>
      tpu.enqueue_indirect_dma source(%dma_start3A_564 : memref<10000x128xf32, #tpu.memory_space<hbm>>) target(%dma_start3A_558 : memref<80x128xf32, #tpu.memory_space<vmem>>) offsets(%dma_start3A_561 : memref<80xi32, #tpu.memory_space<vmem>>) semaphore(%arg16 : memref<!tpu.dma_semaphore, #tpu.memory_space<semaphore_mem>>)
    }
    %scan3A_170 = arith.constant 7 : i32
    %dma_wait3A_171 = arith.constant 28 : i32
    %dma_wait3A_172 = arith.constant 0 : i32
    %dma_wait3A_173 = arith.constant 0 : i32
    %dma_wait3A_174 = arith.constant 0 : i32
    %dma_wait3A_175 = tpu.memref_slice %arg11[%dma_wait3A_172, %dma_wait3A_173, %dma_wait3A_174] : memref<4x80x128xf32, #tpu.memory_space<vmem>> -> memref<1x80x128xf32, #tpu.memory_space<vmem>>
    %dma_wait3A_176 = tpu.memref_squeeze %dma_wait3A_175 : memref<1x80x128xf32, #tpu.memory_space<vmem>> -> memref<80x128xf32, #tpu.memory_space<vmem>>
    %dma_wait3A_177 = arith.constant 0 : i32
    %dma_wait3A_178 = tpu.memref_slice %arg9[%dma_wait3A_171, %dma_wait3A_177] : memref<32x80xi32, #tpu.memory_space<vmem>> -> memref<1x80xi32, #tpu.memory_space<vmem>>
    %dma_wait3A_179 = tpu.memref_squeeze %dma_wait3A_178 : memref<1x80xi32, #tpu.memory_space<vmem>> -> memref<80xi32, #tpu.memory_space<vmem>>
    %dma_wait3A_180 = arith.constant 0 : i32
    %dma_wait3A_181 = arith.constant 0 : i32
    %dma_wait3A_182 = tpu.memref_slice %arg2[%dma_wait3A_180, %dma_wait3A_181] : memref<10000x128xf32, #tpu.memory_space<hbm>> -> memref<10000x128xf32, #tpu.memory_space<hbm>>
    tpu.wait_indirect_dma semaphore(%arg13 : memref<!tpu.dma_semaphore, #tpu.memory_space<semaphore_mem>>) src(%dma_wait3A_182 : memref<10000x128xf32, #tpu.memory_space<hbm>>) dst(%dma_wait3A_176 : memref<80x128xf32, #tpu.memory_space<vmem>>)
    %run_scoped3A_183 = arith.constant 0 : i32
    %run_scoped3A_184 = arith.constant 28 : i32
    "tpu.region"() ({
      %run_scoped3A_450 = tpu.sem_alloc : memref<!tpu.dma_semaphore, #tpu.memory_space<semaphore_mem>>
      %dma_start3A_451 = arith.constant 0 : i32
      %dma_start3A_452 = arith.constant 0 : i32
      %dma_start3A_453 = tpu.memref_slice %arg11[%run_scoped3A_183, %dma_start3A_451, %dma_start3A_452] : memref<4x80x128xf32, #tpu.memory_space<vmem>> -> memref<1x80x128xf32, #tpu.memory_space<vmem>>
      %dma_start3A_454 = tpu.memref_squeeze %dma_start3A_453 : memref<1x80x128xf32, #tpu.memory_space<vmem>> -> memref<80x128xf32, #tpu.memory_space<vmem>>
      %dma_start3A_455 = arith.constant 0 : i32
      %dma_start3A_456 = tpu.memref_slice %arg10[%run_scoped3A_184, %dma_start3A_455] : memref<32x80xi32, #tpu.memory_space<vmem>> -> memref<1x80xi32, #tpu.memory_space<vmem>>
      %dma_start3A_457 = tpu.memref_squeeze %dma_start3A_456 : memref<1x80xi32, #tpu.memory_space<vmem>> -> memref<80xi32, #tpu.memory_space<vmem>>
      %dma_start3A_458 = arith.constant 0 : i32
      %dma_start3A_459 = arith.constant 0 : i32
      %dma_start3A_460 = tpu.memref_slice %arg12[%dma_start3A_458, %dma_start3A_459] : memref<10112x128xf32, #tpu.memory_space<vmem_shared>> -> memref<10112x128xf32, #tpu.memory_space<vmem_shared>>
      tpu.enqueue_indirect_dma source(%dma_start3A_454 : memref<80x128xf32, #tpu.memory_space<vmem>>) target(%dma_start3A_460 : memref<10112x128xf32, #tpu.memory_space<vmem_shared>>) offsets(%dma_start3A_457 : memref<80xi32, #tpu.memory_space<vmem>>) semaphore(%run_scoped3A_450 : memref<!tpu.dma_semaphore, #tpu.memory_space<semaphore_mem>>) {add = true}
      %dma_wait3A_461 = arith.constant 0 : i32
      %dma_wait3A_462 = arith.constant 0 : i32
      %dma_wait3A_463 = tpu.memref_slice %arg11[%run_scoped3A_183, %dma_wait3A_461, %dma_wait3A_462] : memref<4x80x128xf32, #tpu.memory_space<vmem>> -> memref<1x80x128xf32, #tpu.memory_space<vmem>>
      %dma_wait3A_464 = tpu.memref_squeeze %dma_wait3A_463 : memref<1x80x128xf32, #tpu.memory_space<vmem>> -> memref<80x128xf32, #tpu.memory_space<vmem>>
      %dma_wait3A_465 = arith.constant 0 : i32
      %dma_wait3A_466 = tpu.memref_slice %arg10[%run_scoped3A_184, %dma_wait3A_465] : memref<32x80xi32, #tpu.memory_space<vmem>> -> memref<1x80xi32, #tpu.memory_space<vmem>>
      %dma_wait3A_467 = tpu.memref_squeeze %dma_wait3A_466 : memref<1x80xi32, #tpu.memory_space<vmem>> -> memref<80xi32, #tpu.memory_space<vmem>>
      %dma_wait3A_468 = arith.constant 0 : i32
      %dma_wait3A_469 = arith.constant 0 : i32
      %dma_wait3A_470 = tpu.memref_slice %arg12[%dma_wait3A_468, %dma_wait3A_469] : memref<10112x128xf32, #tpu.memory_space<vmem_shared>> -> memref<10112x128xf32, #tpu.memory_space<vmem_shared>>
      tpu.wait_indirect_dma semaphore(%run_scoped3A_450 : memref<!tpu.dma_semaphore, #tpu.memory_space<semaphore_mem>>) src(%dma_wait3A_464 : memref<80x128xf32, #tpu.memory_space<vmem>>) dst(%dma_wait3A_470 : memref<10112x128xf32, #tpu.memory_space<vmem_shared>>)
      tpu.yield
    }) : () -> ()
    %dma_wait3A_185 = arith.constant 29 : i32
    %dma_wait3A_186 = arith.constant 1 : i32
    %dma_wait3A_187 = arith.constant 0 : i32
    %dma_wait3A_188 = arith.constant 0 : i32
    %dma_wait3A_189 = tpu.memref_slice %arg11[%dma_wait3A_186, %dma_wait3A_187, %dma_wait3A_188] : memref<4x80x128xf32, #tpu.memory_space<vmem>> -> memref<1x80x128xf32, #tpu.memory_space<vmem>>
    %dma_wait3A_190 = tpu.memref_squeeze %dma_wait3A_189 : memref<1x80x128xf32, #tpu.memory_space<vmem>> -> memref<80x128xf32, #tpu.memory_space<vmem>>
    %dma_wait3A_191 = arith.constant 0 : i32
    %dma_wait3A_192 = tpu.memref_slice %arg9[%dma_wait3A_185, %dma_wait3A_191] : memref<32x80xi32, #tpu.memory_space<vmem>> -> memref<1x80xi32, #tpu.memory_space<vmem>>
    %dma_wait3A_193 = tpu.memref_squeeze %dma_wait3A_192 : memref<1x80xi32, #tpu.memory_space<vmem>> -> memref<80xi32, #tpu.memory_space<vmem>>
    %dma_wait3A_194 = arith.constant 0 : i32
    %dma_wait3A_195 = arith.constant 0 : i32
    %dma_wait3A_196 = tpu.memref_slice %arg2[%dma_wait3A_194, %dma_wait3A_195] : memref<10000x128xf32, #tpu.memory_space<hbm>> -> memref<10000x128xf32, #tpu.memory_space<hbm>>
    tpu.wait_indirect_dma semaphore(%arg14 : memref<!tpu.dma_semaphore, #tpu.memory_space<semaphore_mem>>) src(%dma_wait3A_196 : memref<10000x128xf32, #tpu.memory_space<hbm>>) dst(%dma_wait3A_190 : memref<80x128xf32, #tpu.memory_space<vmem>>)
    %run_scoped3A_197 = arith.constant 1 : i32
    %run_scoped3A_198 = arith.constant 29 : i32
    "tpu.region"() ({
      %run_scoped3A_450 = tpu.sem_alloc : memref<!tpu.dma_semaphore, #tpu.memory_space<semaphore_mem>>
      %dma_start3A_451 = arith.constant 0 : i32
      %dma_start3A_452 = arith.constant 0 : i32
      %dma_start3A_453 = tpu.memref_slice %arg11[%run_scoped3A_197, %dma_start3A_451, %dma_start3A_452] : memref<4x80x128xf32, #tpu.memory_space<vmem>> -> memref<1x80x128xf32, #tpu.memory_space<vmem>>
      %dma_start3A_454 = tpu.memref_squeeze %dma_start3A_453 : memref<1x80x128xf32, #tpu.memory_space<vmem>> -> memref<80x128xf32, #tpu.memory_space<vmem>>
      %dma_start3A_455 = arith.constant 0 : i32
      %dma_start3A_456 = tpu.memref_slice %arg10[%run_scoped3A_198, %dma_start3A_455] : memref<32x80xi32, #tpu.memory_space<vmem>> -> memref<1x80xi32, #tpu.memory_space<vmem>>
      %dma_start3A_457 = tpu.memref_squeeze %dma_start3A_456 : memref<1x80xi32, #tpu.memory_space<vmem>> -> memref<80xi32, #tpu.memory_space<vmem>>
      %dma_start3A_458 = arith.constant 0 : i32
      %dma_start3A_459 = arith.constant 0 : i32
      %dma_start3A_460 = tpu.memref_slice %arg12[%dma_start3A_458, %dma_start3A_459] : memref<10112x128xf32, #tpu.memory_space<vmem_shared>> -> memref<10112x128xf32, #tpu.memory_space<vmem_shared>>
      tpu.enqueue_indirect_dma source(%dma_start3A_454 : memref<80x128xf32, #tpu.memory_space<vmem>>) target(%dma_start3A_460 : memref<10112x128xf32, #tpu.memory_space<vmem_shared>>) offsets(%dma_start3A_457 : memref<80xi32, #tpu.memory_space<vmem>>) semaphore(%run_scoped3A_450 : memref<!tpu.dma_semaphore, #tpu.memory_space<semaphore_mem>>) {add = true}
      %dma_wait3A_461 = arith.constant 0 : i32
      %dma_wait3A_462 = arith.constant 0 : i32
      %dma_wait3A_463 = tpu.memref_slice %arg11[%run_scoped3A_197, %dma_wait3A_461, %dma_wait3A_462] : memref<4x80x128xf32, #tpu.memory_space<vmem>> -> memref<1x80x128xf32, #tpu.memory_space<vmem>>
      %dma_wait3A_464 = tpu.memref_squeeze %dma_wait3A_463 : memref<1x80x128xf32, #tpu.memory_space<vmem>> -> memref<80x128xf32, #tpu.memory_space<vmem>>
      %dma_wait3A_465 = arith.constant 0 : i32
      %dma_wait3A_466 = tpu.memref_slice %arg10[%run_scoped3A_198, %dma_wait3A_465] : memref<32x80xi32, #tpu.memory_space<vmem>> -> memref<1x80xi32, #tpu.memory_space<vmem>>
      %dma_wait3A_467 = tpu.memref_squeeze %dma_wait3A_466 : memref<1x80xi32, #tpu.memory_space<vmem>> -> memref<80xi32, #tpu.memory_space<vmem>>
      %dma_wait3A_468 = arith.constant 0 : i32
      %dma_wait3A_469 = arith.constant 0 : i32
      %dma_wait3A_470 = tpu.memref_slice %arg12[%dma_wait3A_468, %dma_wait3A_469] : memref<10112x128xf32, #tpu.memory_space<vmem_shared>> -> memref<10112x128xf32, #tpu.memory_space<vmem_shared>>
      tpu.wait_indirect_dma semaphore(%run_scoped3A_450 : memref<!tpu.dma_semaphore, #tpu.memory_space<semaphore_mem>>) src(%dma_wait3A_464 : memref<80x128xf32, #tpu.memory_space<vmem>>) dst(%dma_wait3A_470 : memref<10112x128xf32, #tpu.memory_space<vmem_shared>>)
      tpu.yield
    }) : () -> ()
    %dma_wait3A_199 = arith.constant 30 : i32
    %dma_wait3A_200 = arith.constant 2 : i32
    %dma_wait3A_201 = arith.constant 0 : i32
    %dma_wait3A_202 = arith.constant 0 : i32
    %dma_wait3A_203 = tpu.memref_slice %arg11[%dma_wait3A_200, %dma_wait3A_201, %dma_wait3A_202] : memref<4x80x128xf32, #tpu.memory_space<vmem>> -> memref<1x80x128xf32, #tpu.memory_space<vmem>>
    %dma_wait3A_204 = tpu.memref_squeeze %dma_wait3A_203 : memref<1x80x128xf32, #tpu.memory_space<vmem>> -> memref<80x128xf32, #tpu.memory_space<vmem>>
    %dma_wait3A_205 = arith.constant 0 : i32
    %dma_wait3A_206 = tpu.memref_slice %arg9[%dma_wait3A_199, %dma_wait3A_205] : memref<32x80xi32, #tpu.memory_space<vmem>> -> memref<1x80xi32, #tpu.memory_space<vmem>>
    %dma_wait3A_207 = tpu.memref_squeeze %dma_wait3A_206 : memref<1x80xi32, #tpu.memory_space<vmem>> -> memref<80xi32, #tpu.memory_space<vmem>>
    %dma_wait3A_208 = arith.constant 0 : i32
    %dma_wait3A_209 = arith.constant 0 : i32
    %dma_wait3A_210 = tpu.memref_slice %arg2[%dma_wait3A_208, %dma_wait3A_209] : memref<10000x128xf32, #tpu.memory_space<hbm>> -> memref<10000x128xf32, #tpu.memory_space<hbm>>
    tpu.wait_indirect_dma semaphore(%arg15 : memref<!tpu.dma_semaphore, #tpu.memory_space<semaphore_mem>>) src(%dma_wait3A_210 : memref<10000x128xf32, #tpu.memory_space<hbm>>) dst(%dma_wait3A_204 : memref<80x128xf32, #tpu.memory_space<vmem>>)
    %run_scoped3A_211 = arith.constant 2 : i32
    %run_scoped3A_212 = arith.constant 30 : i32
    "tpu.region"() ({
      %run_scoped3A_450 = tpu.sem_alloc : memref<!tpu.dma_semaphore, #tpu.memory_space<semaphore_mem>>
      %dma_start3A_451 = arith.constant 0 : i32
      %dma_start3A_452 = arith.constant 0 : i32
      %dma_start3A_453 = tpu.memref_slice %arg11[%run_scoped3A_211, %dma_start3A_451, %dma_start3A_452] : memref<4x80x128xf32, #tpu.memory_space<vmem>> -> memref<1x80x128xf32, #tpu.memory_space<vmem>>
      %dma_start3A_454 = tpu.memref_squeeze %dma_start3A_453 : memref<1x80x128xf32, #tpu.memory_space<vmem>> -> memref<80x128xf32, #tpu.memory_space<vmem>>
      %dma_start3A_455 = arith.constant 0 : i32
      %dma_start3A_456 = tpu.memref_slice %arg10[%run_scoped3A_212, %dma_start3A_455] : memref<32x80xi32, #tpu.memory_space<vmem>> -> memref<1x80xi32, #tpu.memory_space<vmem>>
      %dma_start3A_457 = tpu.memref_squeeze %dma_start3A_456 : memref<1x80xi32, #tpu.memory_space<vmem>> -> memref<80xi32, #tpu.memory_space<vmem>>
      %dma_start3A_458 = arith.constant 0 : i32
      %dma_start3A_459 = arith.constant 0 : i32
      %dma_start3A_460 = tpu.memref_slice %arg12[%dma_start3A_458, %dma_start3A_459] : memref<10112x128xf32, #tpu.memory_space<vmem_shared>> -> memref<10112x128xf32, #tpu.memory_space<vmem_shared>>
      tpu.enqueue_indirect_dma source(%dma_start3A_454 : memref<80x128xf32, #tpu.memory_space<vmem>>) target(%dma_start3A_460 : memref<10112x128xf32, #tpu.memory_space<vmem_shared>>) offsets(%dma_start3A_457 : memref<80xi32, #tpu.memory_space<vmem>>) semaphore(%run_scoped3A_450 : memref<!tpu.dma_semaphore, #tpu.memory_space<semaphore_mem>>) {add = true}
      %dma_wait3A_461 = arith.constant 0 : i32
      %dma_wait3A_462 = arith.constant 0 : i32
      %dma_wait3A_463 = tpu.memref_slice %arg11[%run_scoped3A_211, %dma_wait3A_461, %dma_wait3A_462] : memref<4x80x128xf32, #tpu.memory_space<vmem>> -> memref<1x80x128xf32, #tpu.memory_space<vmem>>
      %dma_wait3A_464 = tpu.memref_squeeze %dma_wait3A_463 : memref<1x80x128xf32, #tpu.memory_space<vmem>> -> memref<80x128xf32, #tpu.memory_space<vmem>>
      %dma_wait3A_465 = arith.constant 0 : i32
      %dma_wait3A_466 = tpu.memref_slice %arg10[%run_scoped3A_212, %dma_wait3A_465] : memref<32x80xi32, #tpu.memory_space<vmem>> -> memref<1x80xi32, #tpu.memory_space<vmem>>
      %dma_wait3A_467 = tpu.memref_squeeze %dma_wait3A_466 : memref<1x80xi32, #tpu.memory_space<vmem>> -> memref<80xi32, #tpu.memory_space<vmem>>
      %dma_wait3A_468 = arith.constant 0 : i32
      %dma_wait3A_469 = arith.constant 0 : i32
      %dma_wait3A_470 = tpu.memref_slice %arg12[%dma_wait3A_468, %dma_wait3A_469] : memref<10112x128xf32, #tpu.memory_space<vmem_shared>> -> memref<10112x128xf32, #tpu.memory_space<vmem_shared>>
      tpu.wait_indirect_dma semaphore(%run_scoped3A_450 : memref<!tpu.dma_semaphore, #tpu.memory_space<semaphore_mem>>) src(%dma_wait3A_464 : memref<80x128xf32, #tpu.memory_space<vmem>>) dst(%dma_wait3A_470 : memref<10112x128xf32, #tpu.memory_space<vmem_shared>>)
      tpu.yield
    }) : () -> ()
    %dma_wait3A_213 = arith.constant 31 : i32
    %dma_wait3A_214 = arith.constant 3 : i32
    %dma_wait3A_215 = arith.constant 0 : i32
    %dma_wait3A_216 = arith.constant 0 : i32
    %dma_wait3A_217 = tpu.memref_slice %arg11[%dma_wait3A_214, %dma_wait3A_215, %dma_wait3A_216] : memref<4x80x128xf32, #tpu.memory_space<vmem>> -> memref<1x80x128xf32, #tpu.memory_space<vmem>>
    %dma_wait3A_218 = tpu.memref_squeeze %dma_wait3A_217 : memref<1x80x128xf32, #tpu.memory_space<vmem>> -> memref<80x128xf32, #tpu.memory_space<vmem>>
    %dma_wait3A_219 = arith.constant 0 : i32
    %dma_wait3A_220 = tpu.memref_slice %arg9[%dma_wait3A_213, %dma_wait3A_219] : memref<32x80xi32, #tpu.memory_space<vmem>> -> memref<1x80xi32, #tpu.memory_space<vmem>>
    %dma_wait3A_221 = tpu.memref_squeeze %dma_wait3A_220 : memref<1x80xi32, #tpu.memory_space<vmem>> -> memref<80xi32, #tpu.memory_space<vmem>>
    %dma_wait3A_222 = arith.constant 0 : i32
    %dma_wait3A_223 = arith.constant 0 : i32
    %dma_wait3A_224 = tpu.memref_slice %arg2[%dma_wait3A_222, %dma_wait3A_223] : memref<10000x128xf32, #tpu.memory_space<hbm>> -> memref<10000x128xf32, #tpu.memory_space<hbm>>
    tpu.wait_indirect_dma semaphore(%arg16 : memref<!tpu.dma_semaphore, #tpu.memory_space<semaphore_mem>>) src(%dma_wait3A_224 : memref<10000x128xf32, #tpu.memory_space<hbm>>) dst(%dma_wait3A_218 : memref<80x128xf32, #tpu.memory_space<vmem>>)
    %run_scoped3A_225 = arith.constant 3 : i32
    %run_scoped3A_226 = arith.constant 31 : i32
    "tpu.region"() ({
      %run_scoped3A_450 = tpu.sem_alloc : memref<!tpu.dma_semaphore, #tpu.memory_space<semaphore_mem>>
      %dma_start3A_451 = arith.constant 0 : i32
      %dma_start3A_452 = arith.constant 0 : i32
      %dma_start3A_453 = tpu.memref_slice %arg11[%run_scoped3A_225, %dma_start3A_451, %dma_start3A_452] : memref<4x80x128xf32, #tpu.memory_space<vmem>> -> memref<1x80x128xf32, #tpu.memory_space<vmem>>
      %dma_start3A_454 = tpu.memref_squeeze %dma_start3A_453 : memref<1x80x128xf32, #tpu.memory_space<vmem>> -> memref<80x128xf32, #tpu.memory_space<vmem>>
      %dma_start3A_455 = arith.constant 0 : i32
      %dma_start3A_456 = tpu.memref_slice %arg10[%run_scoped3A_226, %dma_start3A_455] : memref<32x80xi32, #tpu.memory_space<vmem>> -> memref<1x80xi32, #tpu.memory_space<vmem>>
      %dma_start3A_457 = tpu.memref_squeeze %dma_start3A_456 : memref<1x80xi32, #tpu.memory_space<vmem>> -> memref<80xi32, #tpu.memory_space<vmem>>
      %dma_start3A_458 = arith.constant 0 : i32
      %dma_start3A_459 = arith.constant 0 : i32
      %dma_start3A_460 = tpu.memref_slice %arg12[%dma_start3A_458, %dma_start3A_459] : memref<10112x128xf32, #tpu.memory_space<vmem_shared>> -> memref<10112x128xf32, #tpu.memory_space<vmem_shared>>
      tpu.enqueue_indirect_dma source(%dma_start3A_454 : memref<80x128xf32, #tpu.memory_space<vmem>>) target(%dma_start3A_460 : memref<10112x128xf32, #tpu.memory_space<vmem_shared>>) offsets(%dma_start3A_457 : memref<80xi32, #tpu.memory_space<vmem>>) semaphore(%run_scoped3A_450 : memref<!tpu.dma_semaphore, #tpu.memory_space<semaphore_mem>>) {add = true}
      %dma_wait3A_461 = arith.constant 0 : i32
      %dma_wait3A_462 = arith.constant 0 : i32
      %dma_wait3A_463 = tpu.memref_slice %arg11[%run_scoped3A_225, %dma_wait3A_461, %dma_wait3A_462] : memref<4x80x128xf32, #tpu.memory_space<vmem>> -> memref<1x80x128xf32, #tpu.memory_space<vmem>>
      %dma_wait3A_464 = tpu.memref_squeeze %dma_wait3A_463 : memref<1x80x128xf32, #tpu.memory_space<vmem>> -> memref<80x128xf32, #tpu.memory_space<vmem>>
      %dma_wait3A_465 = arith.constant 0 : i32
      %dma_wait3A_466 = tpu.memref_slice %arg10[%run_scoped3A_226, %dma_wait3A_465] : memref<32x80xi32, #tpu.memory_space<vmem>> -> memref<1x80xi32, #tpu.memory_space<vmem>>
      %dma_wait3A_467 = tpu.memref_squeeze %dma_wait3A_466 : memref<1x80xi32, #tpu.memory_space<vmem>> -> memref<80xi32, #tpu.memory_space<vmem>>
      %dma_wait3A_468 = arith.constant 0 : i32
      %dma_wait3A_469 = arith.constant 0 : i32
      %dma_wait3A_470 = tpu.memref_slice %arg12[%dma_wait3A_468, %dma_wait3A_469] : memref<10112x128xf32, #tpu.memory_space<vmem_shared>> -> memref<10112x128xf32, #tpu.memory_space<vmem_shared>>
      tpu.wait_indirect_dma semaphore(%run_scoped3A_450 : memref<!tpu.dma_semaphore, #tpu.memory_space<semaphore_mem>>) src(%dma_wait3A_464 : memref<80x128xf32, #tpu.memory_space<vmem>>) dst(%dma_wait3A_470 : memref<10112x128xf32, #tpu.memory_space<vmem_shared>>)
      tpu.yield
    }) : () -> ()
    "tpu.region"() ({
      %run_scoped3A_450 = tpu.sem_alloc : memref<!tpu.dma_semaphore, #tpu.memory_space<semaphore_mem>>
      %dma_start3A_451 = arith.constant 0 : i32
      %dma_start3A_452 = arith.constant 0 : i32
      %dma_start3A_453 = tpu.memref_slice %arg3[%add3A, %dma_start3A_451, %dma_start3A_452] : memref<32x125x80xi32, #tpu.memory_space<hbm>> -> memref<1x125x80xi32, #tpu.memory_space<hbm>>
      %dma_start3A_454 = tpu.memref_squeeze %dma_start3A_453 : memref<1x125x80xi32, #tpu.memory_space<hbm>> -> memref<125x80xi32, #tpu.memory_space<hbm>>
      %dma_start3A_455 = arith.constant 64 : i32
      %dma_start3A_456 = arith.constant 0 : i32
      %dma_start3A_457 = tpu.memref_slice %dma_start3A_454[%dma_start3A_455, %dma_start3A_456] : memref<125x80xi32, #tpu.memory_space<hbm>> -> memref<32x80xi32, #tpu.memory_space<hbm>>
      %dma_start3A_458 = arith.constant 0 : i32
      %dma_start3A_459 = arith.constant 0 : i32
      %dma_start3A_460 = tpu.memref_slice %arg3[%add3A, %dma_start3A_458, %dma_start3A_459] : memref<32x125x80xi32, #tpu.memory_space<hbm>> -> memref<1x125x80xi32, #tpu.memory_space<hbm>>
      %dma_start3A_461 = tpu.memref_squeeze %dma_start3A_460 : memref<1x125x80xi32, #tpu.memory_space<hbm>> -> memref<125x80xi32, #tpu.memory_space<hbm>>
      %dma_start3A_462 = arith.constant 64 : i32
      %dma_start3A_463 = arith.constant 0 : i32
      %dma_start3A_464 = tpu.memref_slice %dma_start3A_461[%dma_start3A_462, %dma_start3A_463] : memref<125x80xi32, #tpu.memory_space<hbm>> -> memref<32x80xi32, #tpu.memory_space<hbm>>
      tpu.enqueue_dma source(%dma_start3A_464 : memref<32x80xi32, #tpu.memory_space<hbm>>) target(%arg9 : memref<32x80xi32, #tpu.memory_space<vmem>>) target_semaphore(%run_scoped3A_450 : memref<!tpu.dma_semaphore, #tpu.memory_space<semaphore_mem>>)
      %dma_wait3A_465 = arith.constant 0 : i32
      %dma_wait3A_466 = arith.constant 0 : i32
      %dma_wait3A_467 = tpu.memref_slice %arg3[%add3A, %dma_wait3A_465, %dma_wait3A_466] : memref<32x125x80xi32, #tpu.memory_space<hbm>> -> memref<1x125x80xi32, #tpu.memory_space<hbm>>
      %dma_wait3A_468 = tpu.memref_squeeze %dma_wait3A_467 : memref<1x125x80xi32, #tpu.memory_space<hbm>> -> memref<125x80xi32, #tpu.memory_space<hbm>>
      %dma_wait3A_469 = arith.constant 64 : i32
      %dma_wait3A_470 = arith.constant 0 : i32
      %dma_wait3A_471 = tpu.memref_slice %dma_wait3A_468[%dma_wait3A_469, %dma_wait3A_470] : memref<125x80xi32, #tpu.memory_space<hbm>> -> memref<32x80xi32, #tpu.memory_space<hbm>>
      %dma_wait3A_472 = arith.constant 0 : i32
      %dma_wait3A_473 = arith.constant 0 : i32
      %dma_wait3A_474 = tpu.memref_slice %arg3[%add3A, %dma_wait3A_472, %dma_wait3A_473] : memref<32x125x80xi32, #tpu.memory_space<hbm>> -> memref<1x125x80xi32, #tpu.memory_space<hbm>>
      %dma_wait3A_475 = tpu.memref_squeeze %dma_wait3A_474 : memref<1x125x80xi32, #tpu.memory_space<hbm>> -> memref<125x80xi32, #tpu.memory_space<hbm>>
      %dma_wait3A_476 = arith.constant 64 : i32
      %dma_wait3A_477 = arith.constant 0 : i32
      %dma_wait3A_478 = tpu.memref_slice %dma_wait3A_475[%dma_wait3A_476, %dma_wait3A_477] : memref<125x80xi32, #tpu.memory_space<hbm>> -> memref<32x80xi32, #tpu.memory_space<hbm>>
      tpu.wait_dma2 semaphore(%run_scoped3A_450 : memref<!tpu.dma_semaphore, #tpu.memory_space<semaphore_mem>>) src(%dma_wait3A_478 : memref<32x80xi32, #tpu.memory_space<hbm>>) dst(%arg9 : memref<32x80xi32, #tpu.memory_space<vmem>>)
      tpu.yield
    }) : () -> ()
    "tpu.region"() ({
      %run_scoped3A_450 = tpu.sem_alloc : memref<!tpu.dma_semaphore, #tpu.memory_space<semaphore_mem>>
      %dma_start3A_451 = arith.constant 0 : i32
      %dma_start3A_452 = arith.constant 0 : i32
      %dma_start3A_453 = tpu.memref_slice %arg4[%add3A, %dma_start3A_451, %dma_start3A_452] : memref<32x125x80xi32, #tpu.memory_space<hbm>> -> memref<1x125x80xi32, #tpu.memory_space<hbm>>
      %dma_start3A_454 = tpu.memref_squeeze %dma_start3A_453 : memref<1x125x80xi32, #tpu.memory_space<hbm>> -> memref<125x80xi32, #tpu.memory_space<hbm>>
      %dma_start3A_455 = arith.constant 64 : i32
      %dma_start3A_456 = arith.constant 0 : i32
      %dma_start3A_457 = tpu.memref_slice %dma_start3A_454[%dma_start3A_455, %dma_start3A_456] : memref<125x80xi32, #tpu.memory_space<hbm>> -> memref<32x80xi32, #tpu.memory_space<hbm>>
      %dma_start3A_458 = arith.constant 0 : i32
      %dma_start3A_459 = arith.constant 0 : i32
      %dma_start3A_460 = tpu.memref_slice %arg4[%add3A, %dma_start3A_458, %dma_start3A_459] : memref<32x125x80xi32, #tpu.memory_space<hbm>> -> memref<1x125x80xi32, #tpu.memory_space<hbm>>
      %dma_start3A_461 = tpu.memref_squeeze %dma_start3A_460 : memref<1x125x80xi32, #tpu.memory_space<hbm>> -> memref<125x80xi32, #tpu.memory_space<hbm>>
      %dma_start3A_462 = arith.constant 64 : i32
      %dma_start3A_463 = arith.constant 0 : i32
      %dma_start3A_464 = tpu.memref_slice %dma_start3A_461[%dma_start3A_462, %dma_start3A_463] : memref<125x80xi32, #tpu.memory_space<hbm>> -> memref<32x80xi32, #tpu.memory_space<hbm>>
      tpu.enqueue_dma source(%dma_start3A_464 : memref<32x80xi32, #tpu.memory_space<hbm>>) target(%arg10 : memref<32x80xi32, #tpu.memory_space<vmem>>) target_semaphore(%run_scoped3A_450 : memref<!tpu.dma_semaphore, #tpu.memory_space<semaphore_mem>>)
      %dma_wait3A_465 = arith.constant 0 : i32
      %dma_wait3A_466 = arith.constant 0 : i32
      %dma_wait3A_467 = tpu.memref_slice %arg4[%add3A, %dma_wait3A_465, %dma_wait3A_466] : memref<32x125x80xi32, #tpu.memory_space<hbm>> -> memref<1x125x80xi32, #tpu.memory_space<hbm>>
      %dma_wait3A_468 = tpu.memref_squeeze %dma_wait3A_467 : memref<1x125x80xi32, #tpu.memory_space<hbm>> -> memref<125x80xi32, #tpu.memory_space<hbm>>
      %dma_wait3A_469 = arith.constant 64 : i32
      %dma_wait3A_470 = arith.constant 0 : i32
      %dma_wait3A_471 = tpu.memref_slice %dma_wait3A_468[%dma_wait3A_469, %dma_wait3A_470] : memref<125x80xi32, #tpu.memory_space<hbm>> -> memref<32x80xi32, #tpu.memory_space<hbm>>
      %dma_wait3A_472 = arith.constant 0 : i32
      %dma_wait3A_473 = arith.constant 0 : i32
      %dma_wait3A_474 = tpu.memref_slice %arg4[%add3A, %dma_wait3A_472, %dma_wait3A_473] : memref<32x125x80xi32, #tpu.memory_space<hbm>> -> memref<1x125x80xi32, #tpu.memory_space<hbm>>
      %dma_wait3A_475 = tpu.memref_squeeze %dma_wait3A_474 : memref<1x125x80xi32, #tpu.memory_space<hbm>> -> memref<125x80xi32, #tpu.memory_space<hbm>>
      %dma_wait3A_476 = arith.constant 64 : i32
      %dma_wait3A_477 = arith.constant 0 : i32
      %dma_wait3A_478 = tpu.memref_slice %dma_wait3A_475[%dma_wait3A_476, %dma_wait3A_477] : memref<125x80xi32, #tpu.memory_space<hbm>> -> memref<32x80xi32, #tpu.memory_space<hbm>>
      tpu.wait_dma2 semaphore(%run_scoped3A_450 : memref<!tpu.dma_semaphore, #tpu.memory_space<semaphore_mem>>) src(%dma_wait3A_478 : memref<32x80xi32, #tpu.memory_space<hbm>>) dst(%arg10 : memref<32x80xi32, #tpu.memory_space<vmem>>)
      tpu.yield
    }) : () -> ()
    %dma_start3A_227 = arith.constant 0 : i32
    %dma_start3A_228 = arith.constant 0 : i32
    %dma_start3A_229 = arith.constant 0 : i32
    %dma_start3A_230 = arith.constant 0 : i32
    %dma_start3A_231 = tpu.memref_slice %arg11[%dma_start3A_228, %dma_start3A_229, %dma_start3A_230] : memref<4x80x128xf32, #tpu.memory_space<vmem>> -> memref<1x80x128xf32, #tpu.memory_space<vmem>>
    %dma_start3A_232 = tpu.memref_squeeze %dma_start3A_231 : memref<1x80x128xf32, #tpu.memory_space<vmem>> -> memref<80x128xf32, #tpu.memory_space<vmem>>
    %dma_start3A_233 = arith.constant 0 : i32
    %dma_start3A_234 = tpu.memref_slice %arg9[%dma_start3A_227, %dma_start3A_233] : memref<32x80xi32, #tpu.memory_space<vmem>> -> memref<1x80xi32, #tpu.memory_space<vmem>>
    %dma_start3A_235 = tpu.memref_squeeze %dma_start3A_234 : memref<1x80xi32, #tpu.memory_space<vmem>> -> memref<80xi32, #tpu.memory_space<vmem>>
    %dma_start3A_236 = arith.constant 0 : i32
    %dma_start3A_237 = arith.constant 0 : i32
    %dma_start3A_238 = tpu.memref_slice %arg2[%dma_start3A_236, %dma_start3A_237] : memref<10000x128xf32, #tpu.memory_space<hbm>> -> memref<10000x128xf32, #tpu.memory_space<hbm>>
    tpu.enqueue_indirect_dma source(%dma_start3A_238 : memref<10000x128xf32, #tpu.memory_space<hbm>>) target(%dma_start3A_232 : memref<80x128xf32, #tpu.memory_space<vmem>>) offsets(%dma_start3A_235 : memref<80xi32, #tpu.memory_space<vmem>>) semaphore(%arg13 : memref<!tpu.dma_semaphore, #tpu.memory_space<semaphore_mem>>)
    %dma_start3A_239 = arith.constant 1 : i32
    %dma_start3A_240 = arith.constant 1 : i32
    %dma_start3A_241 = arith.constant 0 : i32
    %dma_start3A_242 = arith.constant 0 : i32
    %dma_start3A_243 = tpu.memref_slice %arg11[%dma_start3A_240, %dma_start3A_241, %dma_start3A_242] : memref<4x80x128xf32, #tpu.memory_space<vmem>> -> memref<1x80x128xf32, #tpu.memory_space<vmem>>
    %dma_start3A_244 = tpu.memref_squeeze %dma_start3A_243 : memref<1x80x128xf32, #tpu.memory_space<vmem>> -> memref<80x128xf32, #tpu.memory_space<vmem>>
    %dma_start3A_245 = arith.constant 0 : i32
    %dma_start3A_246 = tpu.memref_slice %arg9[%dma_start3A_239, %dma_start3A_245] : memref<32x80xi32, #tpu.memory_space<vmem>> -> memref<1x80xi32, #tpu.memory_space<vmem>>
    %dma_start3A_247 = tpu.memref_squeeze %dma_start3A_246 : memref<1x80xi32, #tpu.memory_space<vmem>> -> memref<80xi32, #tpu.memory_space<vmem>>
    %dma_start3A_248 = arith.constant 0 : i32
    %dma_start3A_249 = arith.constant 0 : i32
    %dma_start3A_250 = tpu.memref_slice %arg2[%dma_start3A_248, %dma_start3A_249] : memref<10000x128xf32, #tpu.memory_space<hbm>> -> memref<10000x128xf32, #tpu.memory_space<hbm>>
    tpu.enqueue_indirect_dma source(%dma_start3A_250 : memref<10000x128xf32, #tpu.memory_space<hbm>>) target(%dma_start3A_244 : memref<80x128xf32, #tpu.memory_space<vmem>>) offsets(%dma_start3A_247 : memref<80xi32, #tpu.memory_space<vmem>>) semaphore(%arg14 : memref<!tpu.dma_semaphore, #tpu.memory_space<semaphore_mem>>)
    %dma_start3A_251 = arith.constant 2 : i32
    %dma_start3A_252 = arith.constant 2 : i32
    %dma_start3A_253 = arith.constant 0 : i32
    %dma_start3A_254 = arith.constant 0 : i32
    %dma_start3A_255 = tpu.memref_slice %arg11[%dma_start3A_252, %dma_start3A_253, %dma_start3A_254] : memref<4x80x128xf32, #tpu.memory_space<vmem>> -> memref<1x80x128xf32, #tpu.memory_space<vmem>>
    %dma_start3A_256 = tpu.memref_squeeze %dma_start3A_255 : memref<1x80x128xf32, #tpu.memory_space<vmem>> -> memref<80x128xf32, #tpu.memory_space<vmem>>
    %dma_start3A_257 = arith.constant 0 : i32
    %dma_start3A_258 = tpu.memref_slice %arg9[%dma_start3A_251, %dma_start3A_257] : memref<32x80xi32, #tpu.memory_space<vmem>> -> memref<1x80xi32, #tpu.memory_space<vmem>>
    %dma_start3A_259 = tpu.memref_squeeze %dma_start3A_258 : memref<1x80xi32, #tpu.memory_space<vmem>> -> memref<80xi32, #tpu.memory_space<vmem>>
    %dma_start3A_260 = arith.constant 0 : i32
    %dma_start3A_261 = arith.constant 0 : i32
    %dma_start3A_262 = tpu.memref_slice %arg2[%dma_start3A_260, %dma_start3A_261] : memref<10000x128xf32, #tpu.memory_space<hbm>> -> memref<10000x128xf32, #tpu.memory_space<hbm>>
    tpu.enqueue_indirect_dma source(%dma_start3A_262 : memref<10000x128xf32, #tpu.memory_space<hbm>>) target(%dma_start3A_256 : memref<80x128xf32, #tpu.memory_space<vmem>>) offsets(%dma_start3A_259 : memref<80xi32, #tpu.memory_space<vmem>>) semaphore(%arg15 : memref<!tpu.dma_semaphore, #tpu.memory_space<semaphore_mem>>)
    %dma_start3A_263 = arith.constant 3 : i32
    %dma_start3A_264 = arith.constant 3 : i32
    %dma_start3A_265 = arith.constant 0 : i32
    %dma_start3A_266 = arith.constant 0 : i32
    %dma_start3A_267 = tpu.memref_slice %arg11[%dma_start3A_264, %dma_start3A_265, %dma_start3A_266] : memref<4x80x128xf32, #tpu.memory_space<vmem>> -> memref<1x80x128xf32, #tpu.memory_space<vmem>>
    %dma_start3A_268 = tpu.memref_squeeze %dma_start3A_267 : memref<1x80x128xf32, #tpu.memory_space<vmem>> -> memref<80x128xf32, #tpu.memory_space<vmem>>
    %dma_start3A_269 = arith.constant 0 : i32
    %dma_start3A_270 = tpu.memref_slice %arg9[%dma_start3A_263, %dma_start3A_269] : memref<32x80xi32, #tpu.memory_space<vmem>> -> memref<1x80xi32, #tpu.memory_space<vmem>>
    %dma_start3A_271 = tpu.memref_squeeze %dma_start3A_270 : memref<1x80xi32, #tpu.memory_space<vmem>> -> memref<80xi32, #tpu.memory_space<vmem>>
    %dma_start3A_272 = arith.constant 0 : i32
    %dma_start3A_273 = arith.constant 0 : i32
    %dma_start3A_274 = tpu.memref_slice %arg2[%dma_start3A_272, %dma_start3A_273] : memref<10000x128xf32, #tpu.memory_space<hbm>> -> memref<10000x128xf32, #tpu.memory_space<hbm>>
    tpu.enqueue_indirect_dma source(%dma_start3A_274 : memref<10000x128xf32, #tpu.memory_space<hbm>>) target(%dma_start3A_268 : memref<80x128xf32, #tpu.memory_space<vmem>>) offsets(%dma_start3A_271 : memref<80xi32, #tpu.memory_space<vmem>>) semaphore(%arg16 : memref<!tpu.dma_semaphore, #tpu.memory_space<semaphore_mem>>)
    %scan3A_275 = arith.constant 0 : i32
    %scan3A_276 = arith.constant 7 : i32
    %scan3A_277 = arith.addi %scan3A_275, %scan3A_276 : i32
    %scan3A_278 = arith.constant 1 : i32
    scf.for %scan3A_450 = %scan3A_275 to %scan3A_277 step %scan3A_278  : i32 {
      %mul3A_451 = arith.constant 1 : i32
      %mul3A_452 = arith.muli %scan3A_450, %mul3A_451 : i32
      %add3A_453 = arith.constant 0 : i32
      %add3A_454 = arith.addi %add3A_453, %mul3A_452 : i32
      %mul3A_455 = arith.constant 4 : i32
      %mul3A_456 = arith.muli %add3A_454, %mul3A_455 : i32
      %add3A_457 = arith.constant 0 : i32
      %add3A_458 = arith.addi %mul3A_456, %add3A_457 : i32
      %dma_wait3A_459 = arith.constant 0 : i32
      %dma_wait3A_460 = arith.constant 0 : i32
      %dma_wait3A_461 = arith.constant 0 : i32
      %dma_wait3A_462 = tpu.memref_slice %arg11[%dma_wait3A_459, %dma_wait3A_460, %dma_wait3A_461] : memref<4x80x128xf32, #tpu.memory_space<vmem>> -> memref<1x80x128xf32, #tpu.memory_space<vmem>>
      %dma_wait3A_463 = tpu.memref_squeeze %dma_wait3A_462 : memref<1x80x128xf32, #tpu.memory_space<vmem>> -> memref<80x128xf32, #tpu.memory_space<vmem>>
      %dma_wait3A_464 = arith.constant 0 : i32
      %dma_wait3A_465 = tpu.memref_slice %arg9[%add3A_458, %dma_wait3A_464] : memref<32x80xi32, #tpu.memory_space<vmem>> -> memref<1x80xi32, #tpu.memory_space<vmem>>
      %dma_wait3A_466 = tpu.memref_squeeze %dma_wait3A_465 : memref<1x80xi32, #tpu.memory_space<vmem>> -> memref<80xi32, #tpu.memory_space<vmem>>
      %dma_wait3A_467 = arith.constant 0 : i32
      %dma_wait3A_468 = arith.constant 0 : i32
      %dma_wait3A_469 = tpu.memref_slice %arg2[%dma_wait3A_467, %dma_wait3A_468] : memref<10000x128xf32, #tpu.memory_space<hbm>> -> memref<10000x128xf32, #tpu.memory_space<hbm>>
      tpu.wait_indirect_dma semaphore(%arg13 : memref<!tpu.dma_semaphore, #tpu.memory_space<semaphore_mem>>) src(%dma_wait3A_469 : memref<10000x128xf32, #tpu.memory_space<hbm>>) dst(%dma_wait3A_463 : memref<80x128xf32, #tpu.memory_space<vmem>>)
      %run_scoped3A_470 = arith.constant 0 : i32
      "tpu.region"() ({
        %run_scoped3A_565 = tpu.sem_alloc : memref<!tpu.dma_semaphore, #tpu.memory_space<semaphore_mem>>
        %dma_start3A_566 = arith.constant 0 : i32
        %dma_start3A_567 = arith.constant 0 : i32
        %dma_start3A_568 = tpu.memref_slice %arg11[%run_scoped3A_470, %dma_start3A_566, %dma_start3A_567] : memref<4x80x128xf32, #tpu.memory_space<vmem>> -> memref<1x80x128xf32, #tpu.memory_space<vmem>>
        %dma_start3A_569 = tpu.memref_squeeze %dma_start3A_568 : memref<1x80x128xf32, #tpu.memory_space<vmem>> -> memref<80x128xf32, #tpu.memory_space<vmem>>
        %dma_start3A_570 = arith.constant 0 : i32
        %dma_start3A_571 = tpu.memref_slice %arg10[%add3A_458, %dma_start3A_570] : memref<32x80xi32, #tpu.memory_space<vmem>> -> memref<1x80xi32, #tpu.memory_space<vmem>>
        %dma_start3A_572 = tpu.memref_squeeze %dma_start3A_571 : memref<1x80xi32, #tpu.memory_space<vmem>> -> memref<80xi32, #tpu.memory_space<vmem>>
        %dma_start3A_573 = arith.constant 0 : i32
        %dma_start3A_574 = arith.constant 0 : i32
        %dma_start3A_575 = tpu.memref_slice %arg12[%dma_start3A_573, %dma_start3A_574] : memref<10112x128xf32, #tpu.memory_space<vmem_shared>> -> memref<10112x128xf32, #tpu.memory_space<vmem_shared>>
        tpu.enqueue_indirect_dma source(%dma_start3A_569 : memref<80x128xf32, #tpu.memory_space<vmem>>) target(%dma_start3A_575 : memref<10112x128xf32, #tpu.memory_space<vmem_shared>>) offsets(%dma_start3A_572 : memref<80xi32, #tpu.memory_space<vmem>>) semaphore(%run_scoped3A_565 : memref<!tpu.dma_semaphore, #tpu.memory_space<semaphore_mem>>) {add = true}
        %dma_wait3A_576 = arith.constant 0 : i32
        %dma_wait3A_577 = arith.constant 0 : i32
        %dma_wait3A_578 = tpu.memref_slice %arg11[%run_scoped3A_470, %dma_wait3A_576, %dma_wait3A_577] : memref<4x80x128xf32, #tpu.memory_space<vmem>> -> memref<1x80x128xf32, #tpu.memory_space<vmem>>
        %dma_wait3A_579 = tpu.memref_squeeze %dma_wait3A_578 : memref<1x80x128xf32, #tpu.memory_space<vmem>> -> memref<80x128xf32, #tpu.memory_space<vmem>>
        %dma_wait3A_580 = arith.constant 0 : i32
        %dma_wait3A_581 = tpu.memref_slice %arg10[%add3A_458, %dma_wait3A_580] : memref<32x80xi32, #tpu.memory_space<vmem>> -> memref<1x80xi32, #tpu.memory_space<vmem>>
        %dma_wait3A_582 = tpu.memref_squeeze %dma_wait3A_581 : memref<1x80xi32, #tpu.memory_space<vmem>> -> memref<80xi32, #tpu.memory_space<vmem>>
        %dma_wait3A_583 = arith.constant 0 : i32
        %dma_wait3A_584 = arith.constant 0 : i32
        %dma_wait3A_585 = tpu.memref_slice %arg12[%dma_wait3A_583, %dma_wait3A_584] : memref<10112x128xf32, #tpu.memory_space<vmem_shared>> -> memref<10112x128xf32, #tpu.memory_space<vmem_shared>>
        tpu.wait_indirect_dma semaphore(%run_scoped3A_565 : memref<!tpu.dma_semaphore, #tpu.memory_space<semaphore_mem>>) src(%dma_wait3A_579 : memref<80x128xf32, #tpu.memory_space<vmem>>) dst(%dma_wait3A_585 : memref<10112x128xf32, #tpu.memory_space<vmem_shared>>)
        tpu.yield
      }) : () -> ()
      %add3A_471 = arith.constant 4 : i32
      %add3A_472 = arith.addi %add3A_458, %add3A_471 : i32
      %dma_start3A_473 = arith.constant 0 : i32
      %dma_start3A_474 = arith.constant 0 : i32
      %dma_start3A_475 = arith.constant 0 : i32
      %dma_start3A_476 = tpu.memref_slice %arg11[%dma_start3A_473, %dma_start3A_474, %dma_start3A_475] : memref<4x80x128xf32, #tpu.memory_space<vmem>> -> memref<1x80x128xf32, #tpu.memory_space<vmem>>
      %dma_start3A_477 = tpu.memref_squeeze %dma_start3A_476 : memref<1x80x128xf32, #tpu.memory_space<vmem>> -> memref<80x128xf32, #tpu.memory_space<vmem>>
      %dma_start3A_478 = arith.constant 0 : i32
      %dma_start3A_479 = tpu.memref_slice %arg9[%add3A_472, %dma_start3A_478] : memref<32x80xi32, #tpu.memory_space<vmem>> -> memref<1x80xi32, #tpu.memory_space<vmem>>
      %dma_start3A_480 = tpu.memref_squeeze %dma_start3A_479 : memref<1x80xi32, #tpu.memory_space<vmem>> -> memref<80xi32, #tpu.memory_space<vmem>>
      %dma_start3A_481 = arith.constant 0 : i32
      %dma_start3A_482 = arith.constant 0 : i32
      %dma_start3A_483 = tpu.memref_slice %arg2[%dma_start3A_481, %dma_start3A_482] : memref<10000x128xf32, #tpu.memory_space<hbm>> -> memref<10000x128xf32, #tpu.memory_space<hbm>>
      tpu.enqueue_indirect_dma source(%dma_start3A_483 : memref<10000x128xf32, #tpu.memory_space<hbm>>) target(%dma_start3A_477 : memref<80x128xf32, #tpu.memory_space<vmem>>) offsets(%dma_start3A_480 : memref<80xi32, #tpu.memory_space<vmem>>) semaphore(%arg13 : memref<!tpu.dma_semaphore, #tpu.memory_space<semaphore_mem>>)
      %add3A_484 = arith.constant 1 : i32
      %add3A_485 = arith.addi %mul3A_456, %add3A_484 : i32
      %dma_wait3A_486 = arith.constant 1 : i32
      %dma_wait3A_487 = arith.constant 0 : i32
      %dma_wait3A_488 = arith.constant 0 : i32
      %dma_wait3A_489 = tpu.memref_slice %arg11[%dma_wait3A_486, %dma_wait3A_487, %dma_wait3A_488] : memref<4x80x128xf32, #tpu.memory_space<vmem>> -> memref<1x80x128xf32, #tpu.memory_space<vmem>>
      %dma_wait3A_490 = tpu.memref_squeeze %dma_wait3A_489 : memref<1x80x128xf32, #tpu.memory_space<vmem>> -> memref<80x128xf32, #tpu.memory_space<vmem>>
      %dma_wait3A_491 = arith.constant 0 : i32
      %dma_wait3A_492 = tpu.memref_slice %arg9[%add3A_485, %dma_wait3A_491] : memref<32x80xi32, #tpu.memory_space<vmem>> -> memref<1x80xi32, #tpu.memory_space<vmem>>
      %dma_wait3A_493 = tpu.memref_squeeze %dma_wait3A_492 : memref<1x80xi32, #tpu.memory_space<vmem>> -> memref<80xi32, #tpu.memory_space<vmem>>
      %dma_wait3A_494 = arith.constant 0 : i32
      %dma_wait3A_495 = arith.constant 0 : i32
      %dma_wait3A_496 = tpu.memref_slice %arg2[%dma_wait3A_494, %dma_wait3A_495] : memref<10000x128xf32, #tpu.memory_space<hbm>> -> memref<10000x128xf32, #tpu.memory_space<hbm>>
      tpu.wait_indirect_dma semaphore(%arg14 : memref<!tpu.dma_semaphore, #tpu.memory_space<semaphore_mem>>) src(%dma_wait3A_496 : memref<10000x128xf32, #tpu.memory_space<hbm>>) dst(%dma_wait3A_490 : memref<80x128xf32, #tpu.memory_space<vmem>>)
      %run_scoped3A_497 = arith.constant 1 : i32
      "tpu.region"() ({
        %run_scoped3A_565 = tpu.sem_alloc : memref<!tpu.dma_semaphore, #tpu.memory_space<semaphore_mem>>
        %dma_start3A_566 = arith.constant 0 : i32
        %dma_start3A_567 = arith.constant 0 : i32
        %dma_start3A_568 = tpu.memref_slice %arg11[%run_scoped3A_497, %dma_start3A_566, %dma_start3A_567] : memref<4x80x128xf32, #tpu.memory_space<vmem>> -> memref<1x80x128xf32, #tpu.memory_space<vmem>>
        %dma_start3A_569 = tpu.memref_squeeze %dma_start3A_568 : memref<1x80x128xf32, #tpu.memory_space<vmem>> -> memref<80x128xf32, #tpu.memory_space<vmem>>
        %dma_start3A_570 = arith.constant 0 : i32
        %dma_start3A_571 = tpu.memref_slice %arg10[%add3A_485, %dma_start3A_570] : memref<32x80xi32, #tpu.memory_space<vmem>> -> memref<1x80xi32, #tpu.memory_space<vmem>>
        %dma_start3A_572 = tpu.memref_squeeze %dma_start3A_571 : memref<1x80xi32, #tpu.memory_space<vmem>> -> memref<80xi32, #tpu.memory_space<vmem>>
        %dma_start3A_573 = arith.constant 0 : i32
        %dma_start3A_574 = arith.constant 0 : i32
        %dma_start3A_575 = tpu.memref_slice %arg12[%dma_start3A_573, %dma_start3A_574] : memref<10112x128xf32, #tpu.memory_space<vmem_shared>> -> memref<10112x128xf32, #tpu.memory_space<vmem_shared>>
        tpu.enqueue_indirect_dma source(%dma_start3A_569 : memref<80x128xf32, #tpu.memory_space<vmem>>) target(%dma_start3A_575 : memref<10112x128xf32, #tpu.memory_space<vmem_shared>>) offsets(%dma_start3A_572 : memref<80xi32, #tpu.memory_space<vmem>>) semaphore(%run_scoped3A_565 : memref<!tpu.dma_semaphore, #tpu.memory_space<semaphore_mem>>) {add = true}
        %dma_wait3A_576 = arith.constant 0 : i32
        %dma_wait3A_577 = arith.constant 0 : i32
        %dma_wait3A_578 = tpu.memref_slice %arg11[%run_scoped3A_497, %dma_wait3A_576, %dma_wait3A_577] : memref<4x80x128xf32, #tpu.memory_space<vmem>> -> memref<1x80x128xf32, #tpu.memory_space<vmem>>
        %dma_wait3A_579 = tpu.memref_squeeze %dma_wait3A_578 : memref<1x80x128xf32, #tpu.memory_space<vmem>> -> memref<80x128xf32, #tpu.memory_space<vmem>>
        %dma_wait3A_580 = arith.constant 0 : i32
        %dma_wait3A_581 = tpu.memref_slice %arg10[%add3A_485, %dma_wait3A_580] : memref<32x80xi32, #tpu.memory_space<vmem>> -> memref<1x80xi32, #tpu.memory_space<vmem>>
        %dma_wait3A_582 = tpu.memref_squeeze %dma_wait3A_581 : memref<1x80xi32, #tpu.memory_space<vmem>> -> memref<80xi32, #tpu.memory_space<vmem>>
        %dma_wait3A_583 = arith.constant 0 : i32
        %dma_wait3A_584 = arith.constant 0 : i32
        %dma_wait3A_585 = tpu.memref_slice %arg12[%dma_wait3A_583, %dma_wait3A_584] : memref<10112x128xf32, #tpu.memory_space<vmem_shared>> -> memref<10112x128xf32, #tpu.memory_space<vmem_shared>>
        tpu.wait_indirect_dma semaphore(%run_scoped3A_565 : memref<!tpu.dma_semaphore, #tpu.memory_space<semaphore_mem>>) src(%dma_wait3A_579 : memref<80x128xf32, #tpu.memory_space<vmem>>) dst(%dma_wait3A_585 : memref<10112x128xf32, #tpu.memory_space<vmem_shared>>)
        tpu.yield
      }) : () -> ()
      %add3A_498 = arith.constant 4 : i32
      %add3A_499 = arith.addi %add3A_485, %add3A_498 : i32
      %dma_start3A_500 = arith.constant 1 : i32
      %dma_start3A_501 = arith.constant 0 : i32
      %dma_start3A_502 = arith.constant 0 : i32
      %dma_start3A_503 = tpu.memref_slice %arg11[%dma_start3A_500, %dma_start3A_501, %dma_start3A_502] : memref<4x80x128xf32, #tpu.memory_space<vmem>> -> memref<1x80x128xf32, #tpu.memory_space<vmem>>
      %dma_start3A_504 = tpu.memref_squeeze %dma_start3A_503 : memref<1x80x128xf32, #tpu.memory_space<vmem>> -> memref<80x128xf32, #tpu.memory_space<vmem>>
      %dma_start3A_505 = arith.constant 0 : i32
      %dma_start3A_506 = tpu.memref_slice %arg9[%add3A_499, %dma_start3A_505] : memref<32x80xi32, #tpu.memory_space<vmem>> -> memref<1x80xi32, #tpu.memory_space<vmem>>
      %dma_start3A_507 = tpu.memref_squeeze %dma_start3A_506 : memref<1x80xi32, #tpu.memory_space<vmem>> -> memref<80xi32, #tpu.memory_space<vmem>>
      %dma_start3A_508 = arith.constant 0 : i32
      %dma_start3A_509 = arith.constant 0 : i32
      %dma_start3A_510 = tpu.memref_slice %arg2[%dma_start3A_508, %dma_start3A_509] : memref<10000x128xf32, #tpu.memory_space<hbm>> -> memref<10000x128xf32, #tpu.memory_space<hbm>>
      tpu.enqueue_indirect_dma source(%dma_start3A_510 : memref<10000x128xf32, #tpu.memory_space<hbm>>) target(%dma_start3A_504 : memref<80x128xf32, #tpu.memory_space<vmem>>) offsets(%dma_start3A_507 : memref<80xi32, #tpu.memory_space<vmem>>) semaphore(%arg14 : memref<!tpu.dma_semaphore, #tpu.memory_space<semaphore_mem>>)
      %add3A_511 = arith.constant 2 : i32
      %add3A_512 = arith.addi %mul3A_456, %add3A_511 : i32
      %dma_wait3A_513 = arith.constant 2 : i32
      %dma_wait3A_514 = arith.constant 0 : i32
      %dma_wait3A_515 = arith.constant 0 : i32
      %dma_wait3A_516 = tpu.memref_slice %arg11[%dma_wait3A_513, %dma_wait3A_514, %dma_wait3A_515] : memref<4x80x128xf32, #tpu.memory_space<vmem>> -> memref<1x80x128xf32, #tpu.memory_space<vmem>>
      %dma_wait3A_517 = tpu.memref_squeeze %dma_wait3A_516 : memref<1x80x128xf32, #tpu.memory_space<vmem>> -> memref<80x128xf32, #tpu.memory_space<vmem>>
      %dma_wait3A_518 = arith.constant 0 : i32
      %dma_wait3A_519 = tpu.memref_slice %arg9[%add3A_512, %dma_wait3A_518] : memref<32x80xi32, #tpu.memory_space<vmem>> -> memref<1x80xi32, #tpu.memory_space<vmem>>
      %dma_wait3A_520 = tpu.memref_squeeze %dma_wait3A_519 : memref<1x80xi32, #tpu.memory_space<vmem>> -> memref<80xi32, #tpu.memory_space<vmem>>
      %dma_wait3A_521 = arith.constant 0 : i32
      %dma_wait3A_522 = arith.constant 0 : i32
      %dma_wait3A_523 = tpu.memref_slice %arg2[%dma_wait3A_521, %dma_wait3A_522] : memref<10000x128xf32, #tpu.memory_space<hbm>> -> memref<10000x128xf32, #tpu.memory_space<hbm>>
      tpu.wait_indirect_dma semaphore(%arg15 : memref<!tpu.dma_semaphore, #tpu.memory_space<semaphore_mem>>) src(%dma_wait3A_523 : memref<10000x128xf32, #tpu.memory_space<hbm>>) dst(%dma_wait3A_517 : memref<80x128xf32, #tpu.memory_space<vmem>>)
      %run_scoped3A_524 = arith.constant 2 : i32
      "tpu.region"() ({
        %run_scoped3A_565 = tpu.sem_alloc : memref<!tpu.dma_semaphore, #tpu.memory_space<semaphore_mem>>
        %dma_start3A_566 = arith.constant 0 : i32
        %dma_start3A_567 = arith.constant 0 : i32
        %dma_start3A_568 = tpu.memref_slice %arg11[%run_scoped3A_524, %dma_start3A_566, %dma_start3A_567] : memref<4x80x128xf32, #tpu.memory_space<vmem>> -> memref<1x80x128xf32, #tpu.memory_space<vmem>>
        %dma_start3A_569 = tpu.memref_squeeze %dma_start3A_568 : memref<1x80x128xf32, #tpu.memory_space<vmem>> -> memref<80x128xf32, #tpu.memory_space<vmem>>
        %dma_start3A_570 = arith.constant 0 : i32
        %dma_start3A_571 = tpu.memref_slice %arg10[%add3A_512, %dma_start3A_570] : memref<32x80xi32, #tpu.memory_space<vmem>> -> memref<1x80xi32, #tpu.memory_space<vmem>>
        %dma_start3A_572 = tpu.memref_squeeze %dma_start3A_571 : memref<1x80xi32, #tpu.memory_space<vmem>> -> memref<80xi32, #tpu.memory_space<vmem>>
        %dma_start3A_573 = arith.constant 0 : i32
        %dma_start3A_574 = arith.constant 0 : i32
        %dma_start3A_575 = tpu.memref_slice %arg12[%dma_start3A_573, %dma_start3A_574] : memref<10112x128xf32, #tpu.memory_space<vmem_shared>> -> memref<10112x128xf32, #tpu.memory_space<vmem_shared>>
        tpu.enqueue_indirect_dma source(%dma_start3A_569 : memref<80x128xf32, #tpu.memory_space<vmem>>) target(%dma_start3A_575 : memref<10112x128xf32, #tpu.memory_space<vmem_shared>>) offsets(%dma_start3A_572 : memref<80xi32, #tpu.memory_space<vmem>>) semaphore(%run_scoped3A_565 : memref<!tpu.dma_semaphore, #tpu.memory_space<semaphore_mem>>) {add = true}
        %dma_wait3A_576 = arith.constant 0 : i32
        %dma_wait3A_577 = arith.constant 0 : i32
        %dma_wait3A_578 = tpu.memref_slice %arg11[%run_scoped3A_524, %dma_wait3A_576, %dma_wait3A_577] : memref<4x80x128xf32, #tpu.memory_space<vmem>> -> memref<1x80x128xf32, #tpu.memory_space<vmem>>
        %dma_wait3A_579 = tpu.memref_squeeze %dma_wait3A_578 : memref<1x80x128xf32, #tpu.memory_space<vmem>> -> memref<80x128xf32, #tpu.memory_space<vmem>>
        %dma_wait3A_580 = arith.constant 0 : i32
        %dma_wait3A_581 = tpu.memref_slice %arg10[%add3A_512, %dma_wait3A_580] : memref<32x80xi32, #tpu.memory_space<vmem>> -> memref<1x80xi32, #tpu.memory_space<vmem>>
        %dma_wait3A_582 = tpu.memref_squeeze %dma_wait3A_581 : memref<1x80xi32, #tpu.memory_space<vmem>> -> memref<80xi32, #tpu.memory_space<vmem>>
        %dma_wait3A_583 = arith.constant 0 : i32
        %dma_wait3A_584 = arith.constant 0 : i32
        %dma_wait3A_585 = tpu.memref_slice %arg12[%dma_wait3A_583, %dma_wait3A_584] : memref<10112x128xf32, #tpu.memory_space<vmem_shared>> -> memref<10112x128xf32, #tpu.memory_space<vmem_shared>>
        tpu.wait_indirect_dma semaphore(%run_scoped3A_565 : memref<!tpu.dma_semaphore, #tpu.memory_space<semaphore_mem>>) src(%dma_wait3A_579 : memref<80x128xf32, #tpu.memory_space<vmem>>) dst(%dma_wait3A_585 : memref<10112x128xf32, #tpu.memory_space<vmem_shared>>)
        tpu.yield
      }) : () -> ()
      %add3A_525 = arith.constant 4 : i32
      %add3A_526 = arith.addi %add3A_512, %add3A_525 : i32
      %dma_start3A_527 = arith.constant 2 : i32
      %dma_start3A_528 = arith.constant 0 : i32
      %dma_start3A_529 = arith.constant 0 : i32
      %dma_start3A_530 = tpu.memref_slice %arg11[%dma_start3A_527, %dma_start3A_528, %dma_start3A_529] : memref<4x80x128xf32, #tpu.memory_space<vmem>> -> memref<1x80x128xf32, #tpu.memory_space<vmem>>
      %dma_start3A_531 = tpu.memref_squeeze %dma_start3A_530 : memref<1x80x128xf32, #tpu.memory_space<vmem>> -> memref<80x128xf32, #tpu.memory_space<vmem>>
      %dma_start3A_532 = arith.constant 0 : i32
      %dma_start3A_533 = tpu.memref_slice %arg9[%add3A_526, %dma_start3A_532] : memref<32x80xi32, #tpu.memory_space<vmem>> -> memref<1x80xi32, #tpu.memory_space<vmem>>
      %dma_start3A_534 = tpu.memref_squeeze %dma_start3A_533 : memref<1x80xi32, #tpu.memory_space<vmem>> -> memref<80xi32, #tpu.memory_space<vmem>>
      %dma_start3A_535 = arith.constant 0 : i32
      %dma_start3A_536 = arith.constant 0 : i32
      %dma_start3A_537 = tpu.memref_slice %arg2[%dma_start3A_535, %dma_start3A_536] : memref<10000x128xf32, #tpu.memory_space<hbm>> -> memref<10000x128xf32, #tpu.memory_space<hbm>>
      tpu.enqueue_indirect_dma source(%dma_start3A_537 : memref<10000x128xf32, #tpu.memory_space<hbm>>) target(%dma_start3A_531 : memref<80x128xf32, #tpu.memory_space<vmem>>) offsets(%dma_start3A_534 : memref<80xi32, #tpu.memory_space<vmem>>) semaphore(%arg15 : memref<!tpu.dma_semaphore, #tpu.memory_space<semaphore_mem>>)
      %add3A_538 = arith.constant 3 : i32
      %add3A_539 = arith.addi %mul3A_456, %add3A_538 : i32
      %dma_wait3A_540 = arith.constant 3 : i32
      %dma_wait3A_541 = arith.constant 0 : i32
      %dma_wait3A_542 = arith.constant 0 : i32
      %dma_wait3A_543 = tpu.memref_slice %arg11[%dma_wait3A_540, %dma_wait3A_541, %dma_wait3A_542] : memref<4x80x128xf32, #tpu.memory_space<vmem>> -> memref<1x80x128xf32, #tpu.memory_space<vmem>>
      %dma_wait3A_544 = tpu.memref_squeeze %dma_wait3A_543 : memref<1x80x128xf32, #tpu.memory_space<vmem>> -> memref<80x128xf32, #tpu.memory_space<vmem>>
      %dma_wait3A_545 = arith.constant 0 : i32
      %dma_wait3A_546 = tpu.memref_slice %arg9[%add3A_539, %dma_wait3A_545] : memref<32x80xi32, #tpu.memory_space<vmem>> -> memref<1x80xi32, #tpu.memory_space<vmem>>
      %dma_wait3A_547 = tpu.memref_squeeze %dma_wait3A_546 : memref<1x80xi32, #tpu.memory_space<vmem>> -> memref<80xi32, #tpu.memory_space<vmem>>
      %dma_wait3A_548 = arith.constant 0 : i32
      %dma_wait3A_549 = arith.constant 0 : i32
      %dma_wait3A_550 = tpu.memref_slice %arg2[%dma_wait3A_548, %dma_wait3A_549] : memref<10000x128xf32, #tpu.memory_space<hbm>> -> memref<10000x128xf32, #tpu.memory_space<hbm>>
      tpu.wait_indirect_dma semaphore(%arg16 : memref<!tpu.dma_semaphore, #tpu.memory_space<semaphore_mem>>) src(%dma_wait3A_550 : memref<10000x128xf32, #tpu.memory_space<hbm>>) dst(%dma_wait3A_544 : memref<80x128xf32, #tpu.memory_space<vmem>>)
      %run_scoped3A_551 = arith.constant 3 : i32
      "tpu.region"() ({
        %run_scoped3A_565 = tpu.sem_alloc : memref<!tpu.dma_semaphore, #tpu.memory_space<semaphore_mem>>
        %dma_start3A_566 = arith.constant 0 : i32
        %dma_start3A_567 = arith.constant 0 : i32
        %dma_start3A_568 = tpu.memref_slice %arg11[%run_scoped3A_551, %dma_start3A_566, %dma_start3A_567] : memref<4x80x128xf32, #tpu.memory_space<vmem>> -> memref<1x80x128xf32, #tpu.memory_space<vmem>>
        %dma_start3A_569 = tpu.memref_squeeze %dma_start3A_568 : memref<1x80x128xf32, #tpu.memory_space<vmem>> -> memref<80x128xf32, #tpu.memory_space<vmem>>
        %dma_start3A_570 = arith.constant 0 : i32
        %dma_start3A_571 = tpu.memref_slice %arg10[%add3A_539, %dma_start3A_570] : memref<32x80xi32, #tpu.memory_space<vmem>> -> memref<1x80xi32, #tpu.memory_space<vmem>>
        %dma_start3A_572 = tpu.memref_squeeze %dma_start3A_571 : memref<1x80xi32, #tpu.memory_space<vmem>> -> memref<80xi32, #tpu.memory_space<vmem>>
        %dma_start3A_573 = arith.constant 0 : i32
        %dma_start3A_574 = arith.constant 0 : i32
        %dma_start3A_575 = tpu.memref_slice %arg12[%dma_start3A_573, %dma_start3A_574] : memref<10112x128xf32, #tpu.memory_space<vmem_shared>> -> memref<10112x128xf32, #tpu.memory_space<vmem_shared>>
        tpu.enqueue_indirect_dma source(%dma_start3A_569 : memref<80x128xf32, #tpu.memory_space<vmem>>) target(%dma_start3A_575 : memref<10112x128xf32, #tpu.memory_space<vmem_shared>>) offsets(%dma_start3A_572 : memref<80xi32, #tpu.memory_space<vmem>>) semaphore(%run_scoped3A_565 : memref<!tpu.dma_semaphore, #tpu.memory_space<semaphore_mem>>) {add = true}
        %dma_wait3A_576 = arith.constant 0 : i32
        %dma_wait3A_577 = arith.constant 0 : i32
        %dma_wait3A_578 = tpu.memref_slice %arg11[%run_scoped3A_551, %dma_wait3A_576, %dma_wait3A_577] : memref<4x80x128xf32, #tpu.memory_space<vmem>> -> memref<1x80x128xf32, #tpu.memory_space<vmem>>
        %dma_wait3A_579 = tpu.memref_squeeze %dma_wait3A_578 : memref<1x80x128xf32, #tpu.memory_space<vmem>> -> memref<80x128xf32, #tpu.memory_space<vmem>>
        %dma_wait3A_580 = arith.constant 0 : i32
        %dma_wait3A_581 = tpu.memref_slice %arg10[%add3A_539, %dma_wait3A_580] : memref<32x80xi32, #tpu.memory_space<vmem>> -> memref<1x80xi32, #tpu.memory_space<vmem>>
        %dma_wait3A_582 = tpu.memref_squeeze %dma_wait3A_581 : memref<1x80xi32, #tpu.memory_space<vmem>> -> memref<80xi32, #tpu.memory_space<vmem>>
        %dma_wait3A_583 = arith.constant 0 : i32
        %dma_wait3A_584 = arith.constant 0 : i32
        %dma_wait3A_585 = tpu.memref_slice %arg12[%dma_wait3A_583, %dma_wait3A_584] : memref<10112x128xf32, #tpu.memory_space<vmem_shared>> -> memref<10112x128xf32, #tpu.memory_space<vmem_shared>>
        tpu.wait_indirect_dma semaphore(%run_scoped3A_565 : memref<!tpu.dma_semaphore, #tpu.memory_space<semaphore_mem>>) src(%dma_wait3A_579 : memref<80x128xf32, #tpu.memory_space<vmem>>) dst(%dma_wait3A_585 : memref<10112x128xf32, #tpu.memory_space<vmem_shared>>)
        tpu.yield
      }) : () -> ()
      %add3A_552 = arith.constant 4 : i32
      %add3A_553 = arith.addi %add3A_539, %add3A_552 : i32
      %dma_start3A_554 = arith.constant 3 : i32
      %dma_start3A_555 = arith.constant 0 : i32
      %dma_start3A_556 = arith.constant 0 : i32
      %dma_start3A_557 = tpu.memref_slice %arg11[%dma_start3A_554, %dma_start3A_555, %dma_start3A_556] : memref<4x80x128xf32, #tpu.memory_space<vmem>> -> memref<1x80x128xf32, #tpu.memory_space<vmem>>
      %dma_start3A_558 = tpu.memref_squeeze %dma_start3A_557 : memref<1x80x128xf32, #tpu.memory_space<vmem>> -> memref<80x128xf32, #tpu.memory_space<vmem>>
      %dma_start3A_559 = arith.constant 0 : i32
      %dma_start3A_560 = tpu.memref_slice %arg9[%add3A_553, %dma_start3A_559] : memref<32x80xi32, #tpu.memory_space<vmem>> -> memref<1x80xi32, #tpu.memory_space<vmem>>
      %dma_start3A_561 = tpu.memref_squeeze %dma_start3A_560 : memref<1x80xi32, #tpu.memory_space<vmem>> -> memref<80xi32, #tpu.memory_space<vmem>>
      %dma_start3A_562 = arith.constant 0 : i32
      %dma_start3A_563 = arith.constant 0 : i32
      %dma_start3A_564 = tpu.memref_slice %arg2[%dma_start3A_562, %dma_start3A_563] : memref<10000x128xf32, #tpu.memory_space<hbm>> -> memref<10000x128xf32, #tpu.memory_space<hbm>>
      tpu.enqueue_indirect_dma source(%dma_start3A_564 : memref<10000x128xf32, #tpu.memory_space<hbm>>) target(%dma_start3A_558 : memref<80x128xf32, #tpu.memory_space<vmem>>) offsets(%dma_start3A_561 : memref<80xi32, #tpu.memory_space<vmem>>) semaphore(%arg16 : memref<!tpu.dma_semaphore, #tpu.memory_space<semaphore_mem>>)
    }
    %scan3A_279 = arith.constant 7 : i32
    %dma_wait3A_280 = arith.constant 28 : i32
    %dma_wait3A_281 = arith.constant 0 : i32
    %dma_wait3A_282 = arith.constant 0 : i32
    %dma_wait3A_283 = arith.constant 0 : i32
    %dma_wait3A_284 = tpu.memref_slice %arg11[%dma_wait3A_281, %dma_wait3A_282, %dma_wait3A_283] : memref<4x80x128xf32, #tpu.memory_space<vmem>> -> memref<1x80x128xf32, #tpu.memory_space<vmem>>
    %dma_wait3A_285 = tpu.memref_squeeze %dma_wait3A_284 : memref<1x80x128xf32, #tpu.memory_space<vmem>> -> memref<80x128xf32, #tpu.memory_space<vmem>>
    %dma_wait3A_286 = arith.constant 0 : i32
    %dma_wait3A_287 = tpu.memref_slice %arg9[%dma_wait3A_280, %dma_wait3A_286] : memref<32x80xi32, #tpu.memory_space<vmem>> -> memref<1x80xi32, #tpu.memory_space<vmem>>
    %dma_wait3A_288 = tpu.memref_squeeze %dma_wait3A_287 : memref<1x80xi32, #tpu.memory_space<vmem>> -> memref<80xi32, #tpu.memory_space<vmem>>
    %dma_wait3A_289 = arith.constant 0 : i32
    %dma_wait3A_290 = arith.constant 0 : i32
    %dma_wait3A_291 = tpu.memref_slice %arg2[%dma_wait3A_289, %dma_wait3A_290] : memref<10000x128xf32, #tpu.memory_space<hbm>> -> memref<10000x128xf32, #tpu.memory_space<hbm>>
    tpu.wait_indirect_dma semaphore(%arg13 : memref<!tpu.dma_semaphore, #tpu.memory_space<semaphore_mem>>) src(%dma_wait3A_291 : memref<10000x128xf32, #tpu.memory_space<hbm>>) dst(%dma_wait3A_285 : memref<80x128xf32, #tpu.memory_space<vmem>>)
    %run_scoped3A_292 = arith.constant 0 : i32
    %run_scoped3A_293 = arith.constant 28 : i32
    "tpu.region"() ({
      %run_scoped3A_450 = tpu.sem_alloc : memref<!tpu.dma_semaphore, #tpu.memory_space<semaphore_mem>>
      %dma_start3A_451 = arith.constant 0 : i32
      %dma_start3A_452 = arith.constant 0 : i32
      %dma_start3A_453 = tpu.memref_slice %arg11[%run_scoped3A_292, %dma_start3A_451, %dma_start3A_452] : memref<4x80x128xf32, #tpu.memory_space<vmem>> -> memref<1x80x128xf32, #tpu.memory_space<vmem>>
      %dma_start3A_454 = tpu.memref_squeeze %dma_start3A_453 : memref<1x80x128xf32, #tpu.memory_space<vmem>> -> memref<80x128xf32, #tpu.memory_space<vmem>>
      %dma_start3A_455 = arith.constant 0 : i32
      %dma_start3A_456 = tpu.memref_slice %arg10[%run_scoped3A_293, %dma_start3A_455] : memref<32x80xi32, #tpu.memory_space<vmem>> -> memref<1x80xi32, #tpu.memory_space<vmem>>
      %dma_start3A_457 = tpu.memref_squeeze %dma_start3A_456 : memref<1x80xi32, #tpu.memory_space<vmem>> -> memref<80xi32, #tpu.memory_space<vmem>>
      %dma_start3A_458 = arith.constant 0 : i32
      %dma_start3A_459 = arith.constant 0 : i32
      %dma_start3A_460 = tpu.memref_slice %arg12[%dma_start3A_458, %dma_start3A_459] : memref<10112x128xf32, #tpu.memory_space<vmem_shared>> -> memref<10112x128xf32, #tpu.memory_space<vmem_shared>>
      tpu.enqueue_indirect_dma source(%dma_start3A_454 : memref<80x128xf32, #tpu.memory_space<vmem>>) target(%dma_start3A_460 : memref<10112x128xf32, #tpu.memory_space<vmem_shared>>) offsets(%dma_start3A_457 : memref<80xi32, #tpu.memory_space<vmem>>) semaphore(%run_scoped3A_450 : memref<!tpu.dma_semaphore, #tpu.memory_space<semaphore_mem>>) {add = true}
      %dma_wait3A_461 = arith.constant 0 : i32
      %dma_wait3A_462 = arith.constant 0 : i32
      %dma_wait3A_463 = tpu.memref_slice %arg11[%run_scoped3A_292, %dma_wait3A_461, %dma_wait3A_462] : memref<4x80x128xf32, #tpu.memory_space<vmem>> -> memref<1x80x128xf32, #tpu.memory_space<vmem>>
      %dma_wait3A_464 = tpu.memref_squeeze %dma_wait3A_463 : memref<1x80x128xf32, #tpu.memory_space<vmem>> -> memref<80x128xf32, #tpu.memory_space<vmem>>
      %dma_wait3A_465 = arith.constant 0 : i32
      %dma_wait3A_466 = tpu.memref_slice %arg10[%run_scoped3A_293, %dma_wait3A_465] : memref<32x80xi32, #tpu.memory_space<vmem>> -> memref<1x80xi32, #tpu.memory_space<vmem>>
      %dma_wait3A_467 = tpu.memref_squeeze %dma_wait3A_466 : memref<1x80xi32, #tpu.memory_space<vmem>> -> memref<80xi32, #tpu.memory_space<vmem>>
      %dma_wait3A_468 = arith.constant 0 : i32
      %dma_wait3A_469 = arith.constant 0 : i32
      %dma_wait3A_470 = tpu.memref_slice %arg12[%dma_wait3A_468, %dma_wait3A_469] : memref<10112x128xf32, #tpu.memory_space<vmem_shared>> -> memref<10112x128xf32, #tpu.memory_space<vmem_shared>>
      tpu.wait_indirect_dma semaphore(%run_scoped3A_450 : memref<!tpu.dma_semaphore, #tpu.memory_space<semaphore_mem>>) src(%dma_wait3A_464 : memref<80x128xf32, #tpu.memory_space<vmem>>) dst(%dma_wait3A_470 : memref<10112x128xf32, #tpu.memory_space<vmem_shared>>)
      tpu.yield
    }) : () -> ()
    %dma_wait3A_294 = arith.constant 29 : i32
    %dma_wait3A_295 = arith.constant 1 : i32
    %dma_wait3A_296 = arith.constant 0 : i32
    %dma_wait3A_297 = arith.constant 0 : i32
    %dma_wait3A_298 = tpu.memref_slice %arg11[%dma_wait3A_295, %dma_wait3A_296, %dma_wait3A_297] : memref<4x80x128xf32, #tpu.memory_space<vmem>> -> memref<1x80x128xf32, #tpu.memory_space<vmem>>
    %dma_wait3A_299 = tpu.memref_squeeze %dma_wait3A_298 : memref<1x80x128xf32, #tpu.memory_space<vmem>> -> memref<80x128xf32, #tpu.memory_space<vmem>>
    %dma_wait3A_300 = arith.constant 0 : i32
    %dma_wait3A_301 = tpu.memref_slice %arg9[%dma_wait3A_294, %dma_wait3A_300] : memref<32x80xi32, #tpu.memory_space<vmem>> -> memref<1x80xi32, #tpu.memory_space<vmem>>
    %dma_wait3A_302 = tpu.memref_squeeze %dma_wait3A_301 : memref<1x80xi32, #tpu.memory_space<vmem>> -> memref<80xi32, #tpu.memory_space<vmem>>
    %dma_wait3A_303 = arith.constant 0 : i32
    %dma_wait3A_304 = arith.constant 0 : i32
    %dma_wait3A_305 = tpu.memref_slice %arg2[%dma_wait3A_303, %dma_wait3A_304] : memref<10000x128xf32, #tpu.memory_space<hbm>> -> memref<10000x128xf32, #tpu.memory_space<hbm>>
    tpu.wait_indirect_dma semaphore(%arg14 : memref<!tpu.dma_semaphore, #tpu.memory_space<semaphore_mem>>) src(%dma_wait3A_305 : memref<10000x128xf32, #tpu.memory_space<hbm>>) dst(%dma_wait3A_299 : memref<80x128xf32, #tpu.memory_space<vmem>>)
    %run_scoped3A_306 = arith.constant 1 : i32
    %run_scoped3A_307 = arith.constant 29 : i32
    "tpu.region"() ({
      %run_scoped3A_450 = tpu.sem_alloc : memref<!tpu.dma_semaphore, #tpu.memory_space<semaphore_mem>>
      %dma_start3A_451 = arith.constant 0 : i32
      %dma_start3A_452 = arith.constant 0 : i32
      %dma_start3A_453 = tpu.memref_slice %arg11[%run_scoped3A_306, %dma_start3A_451, %dma_start3A_452] : memref<4x80x128xf32, #tpu.memory_space<vmem>> -> memref<1x80x128xf32, #tpu.memory_space<vmem>>
      %dma_start3A_454 = tpu.memref_squeeze %dma_start3A_453 : memref<1x80x128xf32, #tpu.memory_space<vmem>> -> memref<80x128xf32, #tpu.memory_space<vmem>>
      %dma_start3A_455 = arith.constant 0 : i32
      %dma_start3A_456 = tpu.memref_slice %arg10[%run_scoped3A_307, %dma_start3A_455] : memref<32x80xi32, #tpu.memory_space<vmem>> -> memref<1x80xi32, #tpu.memory_space<vmem>>
      %dma_start3A_457 = tpu.memref_squeeze %dma_start3A_456 : memref<1x80xi32, #tpu.memory_space<vmem>> -> memref<80xi32, #tpu.memory_space<vmem>>
      %dma_start3A_458 = arith.constant 0 : i32
      %dma_start3A_459 = arith.constant 0 : i32
      %dma_start3A_460 = tpu.memref_slice %arg12[%dma_start3A_458, %dma_start3A_459] : memref<10112x128xf32, #tpu.memory_space<vmem_shared>> -> memref<10112x128xf32, #tpu.memory_space<vmem_shared>>
      tpu.enqueue_indirect_dma source(%dma_start3A_454 : memref<80x128xf32, #tpu.memory_space<vmem>>) target(%dma_start3A_460 : memref<10112x128xf32, #tpu.memory_space<vmem_shared>>) offsets(%dma_start3A_457 : memref<80xi32, #tpu.memory_space<vmem>>) semaphore(%run_scoped3A_450 : memref<!tpu.dma_semaphore, #tpu.memory_space<semaphore_mem>>) {add = true}
      %dma_wait3A_461 = arith.constant 0 : i32
      %dma_wait3A_462 = arith.constant 0 : i32
      %dma_wait3A_463 = tpu.memref_slice %arg11[%run_scoped3A_306, %dma_wait3A_461, %dma_wait3A_462] : memref<4x80x128xf32, #tpu.memory_space<vmem>> -> memref<1x80x128xf32, #tpu.memory_space<vmem>>
      %dma_wait3A_464 = tpu.memref_squeeze %dma_wait3A_463 : memref<1x80x128xf32, #tpu.memory_space<vmem>> -> memref<80x128xf32, #tpu.memory_space<vmem>>
      %dma_wait3A_465 = arith.constant 0 : i32
      %dma_wait3A_466 = tpu.memref_slice %arg10[%run_scoped3A_307, %dma_wait3A_465] : memref<32x80xi32, #tpu.memory_space<vmem>> -> memref<1x80xi32, #tpu.memory_space<vmem>>
      %dma_wait3A_467 = tpu.memref_squeeze %dma_wait3A_466 : memref<1x80xi32, #tpu.memory_space<vmem>> -> memref<80xi32, #tpu.memory_space<vmem>>
      %dma_wait3A_468 = arith.constant 0 : i32
      %dma_wait3A_469 = arith.constant 0 : i32
      %dma_wait3A_470 = tpu.memref_slice %arg12[%dma_wait3A_468, %dma_wait3A_469] : memref<10112x128xf32, #tpu.memory_space<vmem_shared>> -> memref<10112x128xf32, #tpu.memory_space<vmem_shared>>
      tpu.wait_indirect_dma semaphore(%run_scoped3A_450 : memref<!tpu.dma_semaphore, #tpu.memory_space<semaphore_mem>>) src(%dma_wait3A_464 : memref<80x128xf32, #tpu.memory_space<vmem>>) dst(%dma_wait3A_470 : memref<10112x128xf32, #tpu.memory_space<vmem_shared>>)
      tpu.yield
    }) : () -> ()
    %dma_wait3A_308 = arith.constant 30 : i32
    %dma_wait3A_309 = arith.constant 2 : i32
    %dma_wait3A_310 = arith.constant 0 : i32
    %dma_wait3A_311 = arith.constant 0 : i32
    %dma_wait3A_312 = tpu.memref_slice %arg11[%dma_wait3A_309, %dma_wait3A_310, %dma_wait3A_311] : memref<4x80x128xf32, #tpu.memory_space<vmem>> -> memref<1x80x128xf32, #tpu.memory_space<vmem>>
    %dma_wait3A_313 = tpu.memref_squeeze %dma_wait3A_312 : memref<1x80x128xf32, #tpu.memory_space<vmem>> -> memref<80x128xf32, #tpu.memory_space<vmem>>
    %dma_wait3A_314 = arith.constant 0 : i32
    %dma_wait3A_315 = tpu.memref_slice %arg9[%dma_wait3A_308, %dma_wait3A_314] : memref<32x80xi32, #tpu.memory_space<vmem>> -> memref<1x80xi32, #tpu.memory_space<vmem>>
    %dma_wait3A_316 = tpu.memref_squeeze %dma_wait3A_315 : memref<1x80xi32, #tpu.memory_space<vmem>> -> memref<80xi32, #tpu.memory_space<vmem>>
    %dma_wait3A_317 = arith.constant 0 : i32
    %dma_wait3A_318 = arith.constant 0 : i32
    %dma_wait3A_319 = tpu.memref_slice %arg2[%dma_wait3A_317, %dma_wait3A_318] : memref<10000x128xf32, #tpu.memory_space<hbm>> -> memref<10000x128xf32, #tpu.memory_space<hbm>>
    tpu.wait_indirect_dma semaphore(%arg15 : memref<!tpu.dma_semaphore, #tpu.memory_space<semaphore_mem>>) src(%dma_wait3A_319 : memref<10000x128xf32, #tpu.memory_space<hbm>>) dst(%dma_wait3A_313 : memref<80x128xf32, #tpu.memory_space<vmem>>)
    %run_scoped3A_320 = arith.constant 2 : i32
    %run_scoped3A_321 = arith.constant 30 : i32
    "tpu.region"() ({
      %run_scoped3A_450 = tpu.sem_alloc : memref<!tpu.dma_semaphore, #tpu.memory_space<semaphore_mem>>
      %dma_start3A_451 = arith.constant 0 : i32
      %dma_start3A_452 = arith.constant 0 : i32
      %dma_start3A_453 = tpu.memref_slice %arg11[%run_scoped3A_320, %dma_start3A_451, %dma_start3A_452] : memref<4x80x128xf32, #tpu.memory_space<vmem>> -> memref<1x80x128xf32, #tpu.memory_space<vmem>>
      %dma_start3A_454 = tpu.memref_squeeze %dma_start3A_453 : memref<1x80x128xf32, #tpu.memory_space<vmem>> -> memref<80x128xf32, #tpu.memory_space<vmem>>
      %dma_start3A_455 = arith.constant 0 : i32
      %dma_start3A_456 = tpu.memref_slice %arg10[%run_scoped3A_321, %dma_start3A_455] : memref<32x80xi32, #tpu.memory_space<vmem>> -> memref<1x80xi32, #tpu.memory_space<vmem>>
      %dma_start3A_457 = tpu.memref_squeeze %dma_start3A_456 : memref<1x80xi32, #tpu.memory_space<vmem>> -> memref<80xi32, #tpu.memory_space<vmem>>
      %dma_start3A_458 = arith.constant 0 : i32
      %dma_start3A_459 = arith.constant 0 : i32
      %dma_start3A_460 = tpu.memref_slice %arg12[%dma_start3A_458, %dma_start3A_459] : memref<10112x128xf32, #tpu.memory_space<vmem_shared>> -> memref<10112x128xf32, #tpu.memory_space<vmem_shared>>
      tpu.enqueue_indirect_dma source(%dma_start3A_454 : memref<80x128xf32, #tpu.memory_space<vmem>>) target(%dma_start3A_460 : memref<10112x128xf32, #tpu.memory_space<vmem_shared>>) offsets(%dma_start3A_457 : memref<80xi32, #tpu.memory_space<vmem>>) semaphore(%run_scoped3A_450 : memref<!tpu.dma_semaphore, #tpu.memory_space<semaphore_mem>>) {add = true}
      %dma_wait3A_461 = arith.constant 0 : i32
      %dma_wait3A_462 = arith.constant 0 : i32
      %dma_wait3A_463 = tpu.memref_slice %arg11[%run_scoped3A_320, %dma_wait3A_461, %dma_wait3A_462] : memref<4x80x128xf32, #tpu.memory_space<vmem>> -> memref<1x80x128xf32, #tpu.memory_space<vmem>>
      %dma_wait3A_464 = tpu.memref_squeeze %dma_wait3A_463 : memref<1x80x128xf32, #tpu.memory_space<vmem>> -> memref<80x128xf32, #tpu.memory_space<vmem>>
      %dma_wait3A_465 = arith.constant 0 : i32
      %dma_wait3A_466 = tpu.memref_slice %arg10[%run_scoped3A_321, %dma_wait3A_465] : memref<32x80xi32, #tpu.memory_space<vmem>> -> memref<1x80xi32, #tpu.memory_space<vmem>>
      %dma_wait3A_467 = tpu.memref_squeeze %dma_wait3A_466 : memref<1x80xi32, #tpu.memory_space<vmem>> -> memref<80xi32, #tpu.memory_space<vmem>>
      %dma_wait3A_468 = arith.constant 0 : i32
      %dma_wait3A_469 = arith.constant 0 : i32
      %dma_wait3A_470 = tpu.memref_slice %arg12[%dma_wait3A_468, %dma_wait3A_469] : memref<10112x128xf32, #tpu.memory_space<vmem_shared>> -> memref<10112x128xf32, #tpu.memory_space<vmem_shared>>
      tpu.wait_indirect_dma semaphore(%run_scoped3A_450 : memref<!tpu.dma_semaphore, #tpu.memory_space<semaphore_mem>>) src(%dma_wait3A_464 : memref<80x128xf32, #tpu.memory_space<vmem>>) dst(%dma_wait3A_470 : memref<10112x128xf32, #tpu.memory_space<vmem_shared>>)
      tpu.yield
    }) : () -> ()
    %dma_wait3A_322 = arith.constant 31 : i32
    %dma_wait3A_323 = arith.constant 3 : i32
    %dma_wait3A_324 = arith.constant 0 : i32
    %dma_wait3A_325 = arith.constant 0 : i32
    %dma_wait3A_326 = tpu.memref_slice %arg11[%dma_wait3A_323, %dma_wait3A_324, %dma_wait3A_325] : memref<4x80x128xf32, #tpu.memory_space<vmem>> -> memref<1x80x128xf32, #tpu.memory_space<vmem>>
    %dma_wait3A_327 = tpu.memref_squeeze %dma_wait3A_326 : memref<1x80x128xf32, #tpu.memory_space<vmem>> -> memref<80x128xf32, #tpu.memory_space<vmem>>
    %dma_wait3A_328 = arith.constant 0 : i32
    %dma_wait3A_329 = tpu.memref_slice %arg9[%dma_wait3A_322, %dma_wait3A_328] : memref<32x80xi32, #tpu.memory_space<vmem>> -> memref<1x80xi32, #tpu.memory_space<vmem>>
    %dma_wait3A_330 = tpu.memref_squeeze %dma_wait3A_329 : memref<1x80xi32, #tpu.memory_space<vmem>> -> memref<80xi32, #tpu.memory_space<vmem>>
    %dma_wait3A_331 = arith.constant 0 : i32
    %dma_wait3A_332 = arith.constant 0 : i32
    %dma_wait3A_333 = tpu.memref_slice %arg2[%dma_wait3A_331, %dma_wait3A_332] : memref<10000x128xf32, #tpu.memory_space<hbm>> -> memref<10000x128xf32, #tpu.memory_space<hbm>>
    tpu.wait_indirect_dma semaphore(%arg16 : memref<!tpu.dma_semaphore, #tpu.memory_space<semaphore_mem>>) src(%dma_wait3A_333 : memref<10000x128xf32, #tpu.memory_space<hbm>>) dst(%dma_wait3A_327 : memref<80x128xf32, #tpu.memory_space<vmem>>)
    %run_scoped3A_334 = arith.constant 3 : i32
    %run_scoped3A_335 = arith.constant 31 : i32
    "tpu.region"() ({
      %run_scoped3A_450 = tpu.sem_alloc : memref<!tpu.dma_semaphore, #tpu.memory_space<semaphore_mem>>
      %dma_start3A_451 = arith.constant 0 : i32
      %dma_start3A_452 = arith.constant 0 : i32
      %dma_start3A_453 = tpu.memref_slice %arg11[%run_scoped3A_334, %dma_start3A_451, %dma_start3A_452] : memref<4x80x128xf32, #tpu.memory_space<vmem>> -> memref<1x80x128xf32, #tpu.memory_space<vmem>>
      %dma_start3A_454 = tpu.memref_squeeze %dma_start3A_453 : memref<1x80x128xf32, #tpu.memory_space<vmem>> -> memref<80x128xf32, #tpu.memory_space<vmem>>
      %dma_start3A_455 = arith.constant 0 : i32
      %dma_start3A_456 = tpu.memref_slice %arg10[%run_scoped3A_335, %dma_start3A_455] : memref<32x80xi32, #tpu.memory_space<vmem>> -> memref<1x80xi32, #tpu.memory_space<vmem>>
      %dma_start3A_457 = tpu.memref_squeeze %dma_start3A_456 : memref<1x80xi32, #tpu.memory_space<vmem>> -> memref<80xi32, #tpu.memory_space<vmem>>
      %dma_start3A_458 = arith.constant 0 : i32
      %dma_start3A_459 = arith.constant 0 : i32
      %dma_start3A_460 = tpu.memref_slice %arg12[%dma_start3A_458, %dma_start3A_459] : memref<10112x128xf32, #tpu.memory_space<vmem_shared>> -> memref<10112x128xf32, #tpu.memory_space<vmem_shared>>
      tpu.enqueue_indirect_dma source(%dma_start3A_454 : memref<80x128xf32, #tpu.memory_space<vmem>>) target(%dma_start3A_460 : memref<10112x128xf32, #tpu.memory_space<vmem_shared>>) offsets(%dma_start3A_457 : memref<80xi32, #tpu.memory_space<vmem>>) semaphore(%run_scoped3A_450 : memref<!tpu.dma_semaphore, #tpu.memory_space<semaphore_mem>>) {add = true}
      %dma_wait3A_461 = arith.constant 0 : i32
      %dma_wait3A_462 = arith.constant 0 : i32
      %dma_wait3A_463 = tpu.memref_slice %arg11[%run_scoped3A_334, %dma_wait3A_461, %dma_wait3A_462] : memref<4x80x128xf32, #tpu.memory_space<vmem>> -> memref<1x80x128xf32, #tpu.memory_space<vmem>>
      %dma_wait3A_464 = tpu.memref_squeeze %dma_wait3A_463 : memref<1x80x128xf32, #tpu.memory_space<vmem>> -> memref<80x128xf32, #tpu.memory_space<vmem>>
      %dma_wait3A_465 = arith.constant 0 : i32
      %dma_wait3A_466 = tpu.memref_slice %arg10[%run_scoped3A_335, %dma_wait3A_465] : memref<32x80xi32, #tpu.memory_space<vmem>> -> memref<1x80xi32, #tpu.memory_space<vmem>>
      %dma_wait3A_467 = tpu.memref_squeeze %dma_wait3A_466 : memref<1x80xi32, #tpu.memory_space<vmem>> -> memref<80xi32, #tpu.memory_space<vmem>>
      %dma_wait3A_468 = arith.constant 0 : i32
      %dma_wait3A_469 = arith.constant 0 : i32
      %dma_wait3A_470 = tpu.memref_slice %arg12[%dma_wait3A_468, %dma_wait3A_469] : memref<10112x128xf32, #tpu.memory_space<vmem_shared>> -> memref<10112x128xf32, #tpu.memory_space<vmem_shared>>
      tpu.wait_indirect_dma semaphore(%run_scoped3A_450 : memref<!tpu.dma_semaphore, #tpu.memory_space<semaphore_mem>>) src(%dma_wait3A_464 : memref<80x128xf32, #tpu.memory_space<vmem>>) dst(%dma_wait3A_470 : memref<10112x128xf32, #tpu.memory_space<vmem_shared>>)
      tpu.yield
    }) : () -> ()
    "tpu.region"() ({
      %run_scoped3A_450 = tpu.sem_alloc : memref<!tpu.dma_semaphore, #tpu.memory_space<semaphore_mem>>
      %dma_start3A_451 = arith.constant 0 : i32
      %dma_start3A_452 = arith.constant 0 : i32
      %dma_start3A_453 = tpu.memref_slice %arg5[%add3A, %dma_start3A_451, %dma_start3A_452] : memref<32x32x80xi32, #tpu.memory_space<hbm>> -> memref<1x32x80xi32, #tpu.memory_space<hbm>>
      %dma_start3A_454 = tpu.memref_squeeze %dma_start3A_453 : memref<1x32x80xi32, #tpu.memory_space<hbm>> -> memref<32x80xi32, #tpu.memory_space<hbm>>
      %dma_start3A_455 = arith.constant 0 : i32
      %dma_start3A_456 = arith.constant 0 : i32
      %dma_start3A_457 = tpu.memref_slice %arg5[%add3A, %dma_start3A_455, %dma_start3A_456] : memref<32x32x80xi32, #tpu.memory_space<hbm>> -> memref<1x32x80xi32, #tpu.memory_space<hbm>>
      %dma_start3A_458 = tpu.memref_squeeze %dma_start3A_457 : memref<1x32x80xi32, #tpu.memory_space<hbm>> -> memref<32x80xi32, #tpu.memory_space<hbm>>
      tpu.enqueue_dma source(%dma_start3A_458 : memref<32x80xi32, #tpu.memory_space<hbm>>) target(%arg9 : memref<32x80xi32, #tpu.memory_space<vmem>>) target_semaphore(%run_scoped3A_450 : memref<!tpu.dma_semaphore, #tpu.memory_space<semaphore_mem>>)
      %dma_wait3A_459 = arith.constant 0 : i32
      %dma_wait3A_460 = arith.constant 0 : i32
      %dma_wait3A_461 = tpu.memref_slice %arg5[%add3A, %dma_wait3A_459, %dma_wait3A_460] : memref<32x32x80xi32, #tpu.memory_space<hbm>> -> memref<1x32x80xi32, #tpu.memory_space<hbm>>
      %dma_wait3A_462 = tpu.memref_squeeze %dma_wait3A_461 : memref<1x32x80xi32, #tpu.memory_space<hbm>> -> memref<32x80xi32, #tpu.memory_space<hbm>>
      %dma_wait3A_463 = arith.constant 0 : i32
      %dma_wait3A_464 = arith.constant 0 : i32
      %dma_wait3A_465 = tpu.memref_slice %arg5[%add3A, %dma_wait3A_463, %dma_wait3A_464] : memref<32x32x80xi32, #tpu.memory_space<hbm>> -> memref<1x32x80xi32, #tpu.memory_space<hbm>>
      %dma_wait3A_466 = tpu.memref_squeeze %dma_wait3A_465 : memref<1x32x80xi32, #tpu.memory_space<hbm>> -> memref<32x80xi32, #tpu.memory_space<hbm>>
      tpu.wait_dma2 semaphore(%run_scoped3A_450 : memref<!tpu.dma_semaphore, #tpu.memory_space<semaphore_mem>>) src(%dma_wait3A_466 : memref<32x80xi32, #tpu.memory_space<hbm>>) dst(%arg9 : memref<32x80xi32, #tpu.memory_space<vmem>>)
      tpu.yield
    }) : () -> ()
    "tpu.region"() ({
      %run_scoped3A_450 = tpu.sem_alloc : memref<!tpu.dma_semaphore, #tpu.memory_space<semaphore_mem>>
      %dma_start3A_451 = arith.constant 0 : i32
      %dma_start3A_452 = arith.constant 0 : i32
      %dma_start3A_453 = tpu.memref_slice %arg6[%add3A, %dma_start3A_451, %dma_start3A_452] : memref<32x32x80xi32, #tpu.memory_space<hbm>> -> memref<1x32x80xi32, #tpu.memory_space<hbm>>
      %dma_start3A_454 = tpu.memref_squeeze %dma_start3A_453 : memref<1x32x80xi32, #tpu.memory_space<hbm>> -> memref<32x80xi32, #tpu.memory_space<hbm>>
      %dma_start3A_455 = arith.constant 0 : i32
      %dma_start3A_456 = arith.constant 0 : i32
      %dma_start3A_457 = tpu.memref_slice %arg6[%add3A, %dma_start3A_455, %dma_start3A_456] : memref<32x32x80xi32, #tpu.memory_space<hbm>> -> memref<1x32x80xi32, #tpu.memory_space<hbm>>
      %dma_start3A_458 = tpu.memref_squeeze %dma_start3A_457 : memref<1x32x80xi32, #tpu.memory_space<hbm>> -> memref<32x80xi32, #tpu.memory_space<hbm>>
      tpu.enqueue_dma source(%dma_start3A_458 : memref<32x80xi32, #tpu.memory_space<hbm>>) target(%arg10 : memref<32x80xi32, #tpu.memory_space<vmem>>) target_semaphore(%run_scoped3A_450 : memref<!tpu.dma_semaphore, #tpu.memory_space<semaphore_mem>>)
      %dma_wait3A_459 = arith.constant 0 : i32
      %dma_wait3A_460 = arith.constant 0 : i32
      %dma_wait3A_461 = tpu.memref_slice %arg6[%add3A, %dma_wait3A_459, %dma_wait3A_460] : memref<32x32x80xi32, #tpu.memory_space<hbm>> -> memref<1x32x80xi32, #tpu.memory_space<hbm>>
      %dma_wait3A_462 = tpu.memref_squeeze %dma_wait3A_461 : memref<1x32x80xi32, #tpu.memory_space<hbm>> -> memref<32x80xi32, #tpu.memory_space<hbm>>
      %dma_wait3A_463 = arith.constant 0 : i32
      %dma_wait3A_464 = arith.constant 0 : i32
      %dma_wait3A_465 = tpu.memref_slice %arg6[%add3A, %dma_wait3A_463, %dma_wait3A_464] : memref<32x32x80xi32, #tpu.memory_space<hbm>> -> memref<1x32x80xi32, #tpu.memory_space<hbm>>
      %dma_wait3A_466 = tpu.memref_squeeze %dma_wait3A_465 : memref<1x32x80xi32, #tpu.memory_space<hbm>> -> memref<32x80xi32, #tpu.memory_space<hbm>>
      tpu.wait_dma2 semaphore(%run_scoped3A_450 : memref<!tpu.dma_semaphore, #tpu.memory_space<semaphore_mem>>) src(%dma_wait3A_466 : memref<32x80xi32, #tpu.memory_space<hbm>>) dst(%arg10 : memref<32x80xi32, #tpu.memory_space<vmem>>)
      tpu.yield
    }) : () -> ()
    %dma_start3A_336 = arith.constant 0 : i32
    %dma_start3A_337 = arith.constant 0 : i32
    %dma_start3A_338 = arith.constant 0 : i32
    %dma_start3A_339 = arith.constant 0 : i32
    %dma_start3A_340 = tpu.memref_slice %arg11[%dma_start3A_337, %dma_start3A_338, %dma_start3A_339] : memref<4x80x128xf32, #tpu.memory_space<vmem>> -> memref<1x80x128xf32, #tpu.memory_space<vmem>>
    %dma_start3A_341 = tpu.memref_squeeze %dma_start3A_340 : memref<1x80x128xf32, #tpu.memory_space<vmem>> -> memref<80x128xf32, #tpu.memory_space<vmem>>
    %dma_start3A_342 = arith.constant 0 : i32
    %dma_start3A_343 = tpu.memref_slice %arg9[%dma_start3A_336, %dma_start3A_342] : memref<32x80xi32, #tpu.memory_space<vmem>> -> memref<1x80xi32, #tpu.memory_space<vmem>>
    %dma_start3A_344 = tpu.memref_squeeze %dma_start3A_343 : memref<1x80xi32, #tpu.memory_space<vmem>> -> memref<80xi32, #tpu.memory_space<vmem>>
    %dma_start3A_345 = arith.constant 0 : i32
    %dma_start3A_346 = arith.constant 0 : i32
    %dma_start3A_347 = tpu.memref_slice %arg2[%dma_start3A_345, %dma_start3A_346] : memref<10000x128xf32, #tpu.memory_space<hbm>> -> memref<10000x128xf32, #tpu.memory_space<hbm>>
    tpu.enqueue_indirect_dma source(%dma_start3A_347 : memref<10000x128xf32, #tpu.memory_space<hbm>>) target(%dma_start3A_341 : memref<80x128xf32, #tpu.memory_space<vmem>>) offsets(%dma_start3A_344 : memref<80xi32, #tpu.memory_space<vmem>>) semaphore(%arg13 : memref<!tpu.dma_semaphore, #tpu.memory_space<semaphore_mem>>)
    %dma_start3A_348 = arith.constant 1 : i32
    %dma_start3A_349 = arith.constant 1 : i32
    %dma_start3A_350 = arith.constant 0 : i32
    %dma_start3A_351 = arith.constant 0 : i32
    %dma_start3A_352 = tpu.memref_slice %arg11[%dma_start3A_349, %dma_start3A_350, %dma_start3A_351] : memref<4x80x128xf32, #tpu.memory_space<vmem>> -> memref<1x80x128xf32, #tpu.memory_space<vmem>>
    %dma_start3A_353 = tpu.memref_squeeze %dma_start3A_352 : memref<1x80x128xf32, #tpu.memory_space<vmem>> -> memref<80x128xf32, #tpu.memory_space<vmem>>
    %dma_start3A_354 = arith.constant 0 : i32
    %dma_start3A_355 = tpu.memref_slice %arg9[%dma_start3A_348, %dma_start3A_354] : memref<32x80xi32, #tpu.memory_space<vmem>> -> memref<1x80xi32, #tpu.memory_space<vmem>>
    %dma_start3A_356 = tpu.memref_squeeze %dma_start3A_355 : memref<1x80xi32, #tpu.memory_space<vmem>> -> memref<80xi32, #tpu.memory_space<vmem>>
    %dma_start3A_357 = arith.constant 0 : i32
    %dma_start3A_358 = arith.constant 0 : i32
    %dma_start3A_359 = tpu.memref_slice %arg2[%dma_start3A_357, %dma_start3A_358] : memref<10000x128xf32, #tpu.memory_space<hbm>> -> memref<10000x128xf32, #tpu.memory_space<hbm>>
    tpu.enqueue_indirect_dma source(%dma_start3A_359 : memref<10000x128xf32, #tpu.memory_space<hbm>>) target(%dma_start3A_353 : memref<80x128xf32, #tpu.memory_space<vmem>>) offsets(%dma_start3A_356 : memref<80xi32, #tpu.memory_space<vmem>>) semaphore(%arg14 : memref<!tpu.dma_semaphore, #tpu.memory_space<semaphore_mem>>)
    %dma_start3A_360 = arith.constant 2 : i32
    %dma_start3A_361 = arith.constant 2 : i32
    %dma_start3A_362 = arith.constant 0 : i32
    %dma_start3A_363 = arith.constant 0 : i32
    %dma_start3A_364 = tpu.memref_slice %arg11[%dma_start3A_361, %dma_start3A_362, %dma_start3A_363] : memref<4x80x128xf32, #tpu.memory_space<vmem>> -> memref<1x80x128xf32, #tpu.memory_space<vmem>>
    %dma_start3A_365 = tpu.memref_squeeze %dma_start3A_364 : memref<1x80x128xf32, #tpu.memory_space<vmem>> -> memref<80x128xf32, #tpu.memory_space<vmem>>
    %dma_start3A_366 = arith.constant 0 : i32
    %dma_start3A_367 = tpu.memref_slice %arg9[%dma_start3A_360, %dma_start3A_366] : memref<32x80xi32, #tpu.memory_space<vmem>> -> memref<1x80xi32, #tpu.memory_space<vmem>>
    %dma_start3A_368 = tpu.memref_squeeze %dma_start3A_367 : memref<1x80xi32, #tpu.memory_space<vmem>> -> memref<80xi32, #tpu.memory_space<vmem>>
    %dma_start3A_369 = arith.constant 0 : i32
    %dma_start3A_370 = arith.constant 0 : i32
    %dma_start3A_371 = tpu.memref_slice %arg2[%dma_start3A_369, %dma_start3A_370] : memref<10000x128xf32, #tpu.memory_space<hbm>> -> memref<10000x128xf32, #tpu.memory_space<hbm>>
    tpu.enqueue_indirect_dma source(%dma_start3A_371 : memref<10000x128xf32, #tpu.memory_space<hbm>>) target(%dma_start3A_365 : memref<80x128xf32, #tpu.memory_space<vmem>>) offsets(%dma_start3A_368 : memref<80xi32, #tpu.memory_space<vmem>>) semaphore(%arg15 : memref<!tpu.dma_semaphore, #tpu.memory_space<semaphore_mem>>)
    %dma_start3A_372 = arith.constant 3 : i32
    %dma_start3A_373 = arith.constant 3 : i32
    %dma_start3A_374 = arith.constant 0 : i32
    %dma_start3A_375 = arith.constant 0 : i32
    %dma_start3A_376 = tpu.memref_slice %arg11[%dma_start3A_373, %dma_start3A_374, %dma_start3A_375] : memref<4x80x128xf32, #tpu.memory_space<vmem>> -> memref<1x80x128xf32, #tpu.memory_space<vmem>>
    %dma_start3A_377 = tpu.memref_squeeze %dma_start3A_376 : memref<1x80x128xf32, #tpu.memory_space<vmem>> -> memref<80x128xf32, #tpu.memory_space<vmem>>
    %dma_start3A_378 = arith.constant 0 : i32
    %dma_start3A_379 = tpu.memref_slice %arg9[%dma_start3A_372, %dma_start3A_378] : memref<32x80xi32, #tpu.memory_space<vmem>> -> memref<1x80xi32, #tpu.memory_space<vmem>>
    %dma_start3A_380 = tpu.memref_squeeze %dma_start3A_379 : memref<1x80xi32, #tpu.memory_space<vmem>> -> memref<80xi32, #tpu.memory_space<vmem>>
    %dma_start3A_381 = arith.constant 0 : i32
    %dma_start3A_382 = arith.constant 0 : i32
    %dma_start3A_383 = tpu.memref_slice %arg2[%dma_start3A_381, %dma_start3A_382] : memref<10000x128xf32, #tpu.memory_space<hbm>> -> memref<10000x128xf32, #tpu.memory_space<hbm>>
    tpu.enqueue_indirect_dma source(%dma_start3A_383 : memref<10000x128xf32, #tpu.memory_space<hbm>>) target(%dma_start3A_377 : memref<80x128xf32, #tpu.memory_space<vmem>>) offsets(%dma_start3A_380 : memref<80xi32, #tpu.memory_space<vmem>>) semaphore(%arg16 : memref<!tpu.dma_semaphore, #tpu.memory_space<semaphore_mem>>)
    %scan3A_384 = arith.constant 0 : i32
    %scan3A_385 = arith.constant 7 : i32
    %scan3A_386 = arith.addi %scan3A_384, %scan3A_385 : i32
    %scan3A_387 = arith.constant 1 : i32
    scf.for %scan3A_450 = %scan3A_384 to %scan3A_386 step %scan3A_387  : i32 {
      %mul3A_451 = arith.constant 1 : i32
      %mul3A_452 = arith.muli %scan3A_450, %mul3A_451 : i32
      %add3A_453 = arith.constant 0 : i32
      %add3A_454 = arith.addi %add3A_453, %mul3A_452 : i32
      %mul3A_455 = arith.constant 4 : i32
      %mul3A_456 = arith.muli %add3A_454, %mul3A_455 : i32
      %add3A_457 = arith.constant 0 : i32
      %add3A_458 = arith.addi %mul3A_456, %add3A_457 : i32
      %dma_wait3A_459 = arith.constant 0 : i32
      %dma_wait3A_460 = arith.constant 0 : i32
      %dma_wait3A_461 = arith.constant 0 : i32
      %dma_wait3A_462 = tpu.memref_slice %arg11[%dma_wait3A_459, %dma_wait3A_460, %dma_wait3A_461] : memref<4x80x128xf32, #tpu.memory_space<vmem>> -> memref<1x80x128xf32, #tpu.memory_space<vmem>>
      %dma_wait3A_463 = tpu.memref_squeeze %dma_wait3A_462 : memref<1x80x128xf32, #tpu.memory_space<vmem>> -> memref<80x128xf32, #tpu.memory_space<vmem>>
      %dma_wait3A_464 = arith.constant 0 : i32
      %dma_wait3A_465 = tpu.memref_slice %arg9[%add3A_458, %dma_wait3A_464] : memref<32x80xi32, #tpu.memory_space<vmem>> -> memref<1x80xi32, #tpu.memory_space<vmem>>
      %dma_wait3A_466 = tpu.memref_squeeze %dma_wait3A_465 : memref<1x80xi32, #tpu.memory_space<vmem>> -> memref<80xi32, #tpu.memory_space<vmem>>
      %dma_wait3A_467 = arith.constant 0 : i32
      %dma_wait3A_468 = arith.constant 0 : i32
      %dma_wait3A_469 = tpu.memref_slice %arg2[%dma_wait3A_467, %dma_wait3A_468] : memref<10000x128xf32, #tpu.memory_space<hbm>> -> memref<10000x128xf32, #tpu.memory_space<hbm>>
      tpu.wait_indirect_dma semaphore(%arg13 : memref<!tpu.dma_semaphore, #tpu.memory_space<semaphore_mem>>) src(%dma_wait3A_469 : memref<10000x128xf32, #tpu.memory_space<hbm>>) dst(%dma_wait3A_463 : memref<80x128xf32, #tpu.memory_space<vmem>>)
      %run_scoped3A_470 = arith.constant 0 : i32
      "tpu.region"() ({
        %run_scoped3A_565 = tpu.sem_alloc : memref<!tpu.dma_semaphore, #tpu.memory_space<semaphore_mem>>
        %dma_start3A_566 = arith.constant 0 : i32
        %dma_start3A_567 = arith.constant 0 : i32
        %dma_start3A_568 = tpu.memref_slice %arg11[%run_scoped3A_470, %dma_start3A_566, %dma_start3A_567] : memref<4x80x128xf32, #tpu.memory_space<vmem>> -> memref<1x80x128xf32, #tpu.memory_space<vmem>>
        %dma_start3A_569 = tpu.memref_squeeze %dma_start3A_568 : memref<1x80x128xf32, #tpu.memory_space<vmem>> -> memref<80x128xf32, #tpu.memory_space<vmem>>
        %dma_start3A_570 = arith.constant 0 : i32
        %dma_start3A_571 = tpu.memref_slice %arg10[%add3A_458, %dma_start3A_570] : memref<32x80xi32, #tpu.memory_space<vmem>> -> memref<1x80xi32, #tpu.memory_space<vmem>>
        %dma_start3A_572 = tpu.memref_squeeze %dma_start3A_571 : memref<1x80xi32, #tpu.memory_space<vmem>> -> memref<80xi32, #tpu.memory_space<vmem>>
        %dma_start3A_573 = arith.constant 0 : i32
        %dma_start3A_574 = arith.constant 0 : i32
        %dma_start3A_575 = tpu.memref_slice %arg12[%dma_start3A_573, %dma_start3A_574] : memref<10112x128xf32, #tpu.memory_space<vmem_shared>> -> memref<10112x128xf32, #tpu.memory_space<vmem_shared>>
        tpu.enqueue_indirect_dma source(%dma_start3A_569 : memref<80x128xf32, #tpu.memory_space<vmem>>) target(%dma_start3A_575 : memref<10112x128xf32, #tpu.memory_space<vmem_shared>>) offsets(%dma_start3A_572 : memref<80xi32, #tpu.memory_space<vmem>>) semaphore(%run_scoped3A_565 : memref<!tpu.dma_semaphore, #tpu.memory_space<semaphore_mem>>) {add = true}
        %dma_wait3A_576 = arith.constant 0 : i32
        %dma_wait3A_577 = arith.constant 0 : i32
        %dma_wait3A_578 = tpu.memref_slice %arg11[%run_scoped3A_470, %dma_wait3A_576, %dma_wait3A_577] : memref<4x80x128xf32, #tpu.memory_space<vmem>> -> memref<1x80x128xf32, #tpu.memory_space<vmem>>
        %dma_wait3A_579 = tpu.memref_squeeze %dma_wait3A_578 : memref<1x80x128xf32, #tpu.memory_space<vmem>> -> memref<80x128xf32, #tpu.memory_space<vmem>>
        %dma_wait3A_580 = arith.constant 0 : i32
        %dma_wait3A_581 = tpu.memref_slice %arg10[%add3A_458, %dma_wait3A_580] : memref<32x80xi32, #tpu.memory_space<vmem>> -> memref<1x80xi32, #tpu.memory_space<vmem>>
        %dma_wait3A_582 = tpu.memref_squeeze %dma_wait3A_581 : memref<1x80xi32, #tpu.memory_space<vmem>> -> memref<80xi32, #tpu.memory_space<vmem>>
        %dma_wait3A_583 = arith.constant 0 : i32
        %dma_wait3A_584 = arith.constant 0 : i32
        %dma_wait3A_585 = tpu.memref_slice %arg12[%dma_wait3A_583, %dma_wait3A_584] : memref<10112x128xf32, #tpu.memory_space<vmem_shared>> -> memref<10112x128xf32, #tpu.memory_space<vmem_shared>>
        tpu.wait_indirect_dma semaphore(%run_scoped3A_565 : memref<!tpu.dma_semaphore, #tpu.memory_space<semaphore_mem>>) src(%dma_wait3A_579 : memref<80x128xf32, #tpu.memory_space<vmem>>) dst(%dma_wait3A_585 : memref<10112x128xf32, #tpu.memory_space<vmem_shared>>)
        tpu.yield
      }) : () -> ()
      %add3A_471 = arith.constant 4 : i32
      %add3A_472 = arith.addi %add3A_458, %add3A_471 : i32
      %dma_start3A_473 = arith.constant 0 : i32
      %dma_start3A_474 = arith.constant 0 : i32
      %dma_start3A_475 = arith.constant 0 : i32
      %dma_start3A_476 = tpu.memref_slice %arg11[%dma_start3A_473, %dma_start3A_474, %dma_start3A_475] : memref<4x80x128xf32, #tpu.memory_space<vmem>> -> memref<1x80x128xf32, #tpu.memory_space<vmem>>
      %dma_start3A_477 = tpu.memref_squeeze %dma_start3A_476 : memref<1x80x128xf32, #tpu.memory_space<vmem>> -> memref<80x128xf32, #tpu.memory_space<vmem>>
      %dma_start3A_478 = arith.constant 0 : i32
      %dma_start3A_479 = tpu.memref_slice %arg9[%add3A_472, %dma_start3A_478] : memref<32x80xi32, #tpu.memory_space<vmem>> -> memref<1x80xi32, #tpu.memory_space<vmem>>
      %dma_start3A_480 = tpu.memref_squeeze %dma_start3A_479 : memref<1x80xi32, #tpu.memory_space<vmem>> -> memref<80xi32, #tpu.memory_space<vmem>>
      %dma_start3A_481 = arith.constant 0 : i32
      %dma_start3A_482 = arith.constant 0 : i32
      %dma_start3A_483 = tpu.memref_slice %arg2[%dma_start3A_481, %dma_start3A_482] : memref<10000x128xf32, #tpu.memory_space<hbm>> -> memref<10000x128xf32, #tpu.memory_space<hbm>>
      tpu.enqueue_indirect_dma source(%dma_start3A_483 : memref<10000x128xf32, #tpu.memory_space<hbm>>) target(%dma_start3A_477 : memref<80x128xf32, #tpu.memory_space<vmem>>) offsets(%dma_start3A_480 : memref<80xi32, #tpu.memory_space<vmem>>) semaphore(%arg13 : memref<!tpu.dma_semaphore, #tpu.memory_space<semaphore_mem>>)
      %add3A_484 = arith.constant 1 : i32
      %add3A_485 = arith.addi %mul3A_456, %add3A_484 : i32
      %dma_wait3A_486 = arith.constant 1 : i32
      %dma_wait3A_487 = arith.constant 0 : i32
      %dma_wait3A_488 = arith.constant 0 : i32
      %dma_wait3A_489 = tpu.memref_slice %arg11[%dma_wait3A_486, %dma_wait3A_487, %dma_wait3A_488] : memref<4x80x128xf32, #tpu.memory_space<vmem>> -> memref<1x80x128xf32, #tpu.memory_space<vmem>>
      %dma_wait3A_490 = tpu.memref_squeeze %dma_wait3A_489 : memref<1x80x128xf32, #tpu.memory_space<vmem>> -> memref<80x128xf32, #tpu.memory_space<vmem>>
      %dma_wait3A_491 = arith.constant 0 : i32
      %dma_wait3A_492 = tpu.memref_slice %arg9[%add3A_485, %dma_wait3A_491] : memref<32x80xi32, #tpu.memory_space<vmem>> -> memref<1x80xi32, #tpu.memory_space<vmem>>
      %dma_wait3A_493 = tpu.memref_squeeze %dma_wait3A_492 : memref<1x80xi32, #tpu.memory_space<vmem>> -> memref<80xi32, #tpu.memory_space<vmem>>
      %dma_wait3A_494 = arith.constant 0 : i32
      %dma_wait3A_495 = arith.constant 0 : i32
      %dma_wait3A_496 = tpu.memref_slice %arg2[%dma_wait3A_494, %dma_wait3A_495] : memref<10000x128xf32, #tpu.memory_space<hbm>> -> memref<10000x128xf32, #tpu.memory_space<hbm>>
      tpu.wait_indirect_dma semaphore(%arg14 : memref<!tpu.dma_semaphore, #tpu.memory_space<semaphore_mem>>) src(%dma_wait3A_496 : memref<10000x128xf32, #tpu.memory_space<hbm>>) dst(%dma_wait3A_490 : memref<80x128xf32, #tpu.memory_space<vmem>>)
      %run_scoped3A_497 = arith.constant 1 : i32
      "tpu.region"() ({
        %run_scoped3A_565 = tpu.sem_alloc : memref<!tpu.dma_semaphore, #tpu.memory_space<semaphore_mem>>
        %dma_start3A_566 = arith.constant 0 : i32
        %dma_start3A_567 = arith.constant 0 : i32
        %dma_start3A_568 = tpu.memref_slice %arg11[%run_scoped3A_497, %dma_start3A_566, %dma_start3A_567] : memref<4x80x128xf32, #tpu.memory_space<vmem>> -> memref<1x80x128xf32, #tpu.memory_space<vmem>>
        %dma_start3A_569 = tpu.memref_squeeze %dma_start3A_568 : memref<1x80x128xf32, #tpu.memory_space<vmem>> -> memref<80x128xf32, #tpu.memory_space<vmem>>
        %dma_start3A_570 = arith.constant 0 : i32
        %dma_start3A_571 = tpu.memref_slice %arg10[%add3A_485, %dma_start3A_570] : memref<32x80xi32, #tpu.memory_space<vmem>> -> memref<1x80xi32, #tpu.memory_space<vmem>>
        %dma_start3A_572 = tpu.memref_squeeze %dma_start3A_571 : memref<1x80xi32, #tpu.memory_space<vmem>> -> memref<80xi32, #tpu.memory_space<vmem>>
        %dma_start3A_573 = arith.constant 0 : i32
        %dma_start3A_574 = arith.constant 0 : i32
        %dma_start3A_575 = tpu.memref_slice %arg12[%dma_start3A_573, %dma_start3A_574] : memref<10112x128xf32, #tpu.memory_space<vmem_shared>> -> memref<10112x128xf32, #tpu.memory_space<vmem_shared>>
        tpu.enqueue_indirect_dma source(%dma_start3A_569 : memref<80x128xf32, #tpu.memory_space<vmem>>) target(%dma_start3A_575 : memref<10112x128xf32, #tpu.memory_space<vmem_shared>>) offsets(%dma_start3A_572 : memref<80xi32, #tpu.memory_space<vmem>>) semaphore(%run_scoped3A_565 : memref<!tpu.dma_semaphore, #tpu.memory_space<semaphore_mem>>) {add = true}
        %dma_wait3A_576 = arith.constant 0 : i32
        %dma_wait3A_577 = arith.constant 0 : i32
        %dma_wait3A_578 = tpu.memref_slice %arg11[%run_scoped3A_497, %dma_wait3A_576, %dma_wait3A_577] : memref<4x80x128xf32, #tpu.memory_space<vmem>> -> memref<1x80x128xf32, #tpu.memory_space<vmem>>
        %dma_wait3A_579 = tpu.memref_squeeze %dma_wait3A_578 : memref<1x80x128xf32, #tpu.memory_space<vmem>> -> memref<80x128xf32, #tpu.memory_space<vmem>>
        %dma_wait3A_580 = arith.constant 0 : i32
        %dma_wait3A_581 = tpu.memref_slice %arg10[%add3A_485, %dma_wait3A_580] : memref<32x80xi32, #tpu.memory_space<vmem>> -> memref<1x80xi32, #tpu.memory_space<vmem>>
        %dma_wait3A_582 = tpu.memref_squeeze %dma_wait3A_581 : memref<1x80xi32, #tpu.memory_space<vmem>> -> memref<80xi32, #tpu.memory_space<vmem>>
        %dma_wait3A_583 = arith.constant 0 : i32
        %dma_wait3A_584 = arith.constant 0 : i32
        %dma_wait3A_585 = tpu.memref_slice %arg12[%dma_wait3A_583, %dma_wait3A_584] : memref<10112x128xf32, #tpu.memory_space<vmem_shared>> -> memref<10112x128xf32, #tpu.memory_space<vmem_shared>>
        tpu.wait_indirect_dma semaphore(%run_scoped3A_565 : memref<!tpu.dma_semaphore, #tpu.memory_space<semaphore_mem>>) src(%dma_wait3A_579 : memref<80x128xf32, #tpu.memory_space<vmem>>) dst(%dma_wait3A_585 : memref<10112x128xf32, #tpu.memory_space<vmem_shared>>)
        tpu.yield
      }) : () -> ()
      %add3A_498 = arith.constant 4 : i32
      %add3A_499 = arith.addi %add3A_485, %add3A_498 : i32
      %dma_start3A_500 = arith.constant 1 : i32
      %dma_start3A_501 = arith.constant 0 : i32
      %dma_start3A_502 = arith.constant 0 : i32
      %dma_start3A_503 = tpu.memref_slice %arg11[%dma_start3A_500, %dma_start3A_501, %dma_start3A_502] : memref<4x80x128xf32, #tpu.memory_space<vmem>> -> memref<1x80x128xf32, #tpu.memory_space<vmem>>
      %dma_start3A_504 = tpu.memref_squeeze %dma_start3A_503 : memref<1x80x128xf32, #tpu.memory_space<vmem>> -> memref<80x128xf32, #tpu.memory_space<vmem>>
      %dma_start3A_505 = arith.constant 0 : i32
      %dma_start3A_506 = tpu.memref_slice %arg9[%add3A_499, %dma_start3A_505] : memref<32x80xi32, #tpu.memory_space<vmem>> -> memref<1x80xi32, #tpu.memory_space<vmem>>
      %dma_start3A_507 = tpu.memref_squeeze %dma_start3A_506 : memref<1x80xi32, #tpu.memory_space<vmem>> -> memref<80xi32, #tpu.memory_space<vmem>>
      %dma_start3A_508 = arith.constant 0 : i32
      %dma_start3A_509 = arith.constant 0 : i32
      %dma_start3A_510 = tpu.memref_slice %arg2[%dma_start3A_508, %dma_start3A_509] : memref<10000x128xf32, #tpu.memory_space<hbm>> -> memref<10000x128xf32, #tpu.memory_space<hbm>>
      tpu.enqueue_indirect_dma source(%dma_start3A_510 : memref<10000x128xf32, #tpu.memory_space<hbm>>) target(%dma_start3A_504 : memref<80x128xf32, #tpu.memory_space<vmem>>) offsets(%dma_start3A_507 : memref<80xi32, #tpu.memory_space<vmem>>) semaphore(%arg14 : memref<!tpu.dma_semaphore, #tpu.memory_space<semaphore_mem>>)
      %add3A_511 = arith.constant 2 : i32
      %add3A_512 = arith.addi %mul3A_456, %add3A_511 : i32
      %dma_wait3A_513 = arith.constant 2 : i32
      %dma_wait3A_514 = arith.constant 0 : i32
      %dma_wait3A_515 = arith.constant 0 : i32
      %dma_wait3A_516 = tpu.memref_slice %arg11[%dma_wait3A_513, %dma_wait3A_514, %dma_wait3A_515] : memref<4x80x128xf32, #tpu.memory_space<vmem>> -> memref<1x80x128xf32, #tpu.memory_space<vmem>>
      %dma_wait3A_517 = tpu.memref_squeeze %dma_wait3A_516 : memref<1x80x128xf32, #tpu.memory_space<vmem>> -> memref<80x128xf32, #tpu.memory_space<vmem>>
      %dma_wait3A_518 = arith.constant 0 : i32
      %dma_wait3A_519 = tpu.memref_slice %arg9[%add3A_512, %dma_wait3A_518] : memref<32x80xi32, #tpu.memory_space<vmem>> -> memref<1x80xi32, #tpu.memory_space<vmem>>
      %dma_wait3A_520 = tpu.memref_squeeze %dma_wait3A_519 : memref<1x80xi32, #tpu.memory_space<vmem>> -> memref<80xi32, #tpu.memory_space<vmem>>
      %dma_wait3A_521 = arith.constant 0 : i32
      %dma_wait3A_522 = arith.constant 0 : i32
      %dma_wait3A_523 = tpu.memref_slice %arg2[%dma_wait3A_521, %dma_wait3A_522] : memref<10000x128xf32, #tpu.memory_space<hbm>> -> memref<10000x128xf32, #tpu.memory_space<hbm>>
      tpu.wait_indirect_dma semaphore(%arg15 : memref<!tpu.dma_semaphore, #tpu.memory_space<semaphore_mem>>) src(%dma_wait3A_523 : memref<10000x128xf32, #tpu.memory_space<hbm>>) dst(%dma_wait3A_517 : memref<80x128xf32, #tpu.memory_space<vmem>>)
      %run_scoped3A_524 = arith.constant 2 : i32
      "tpu.region"() ({
        %run_scoped3A_565 = tpu.sem_alloc : memref<!tpu.dma_semaphore, #tpu.memory_space<semaphore_mem>>
        %dma_start3A_566 = arith.constant 0 : i32
        %dma_start3A_567 = arith.constant 0 : i32
        %dma_start3A_568 = tpu.memref_slice %arg11[%run_scoped3A_524, %dma_start3A_566, %dma_start3A_567] : memref<4x80x128xf32, #tpu.memory_space<vmem>> -> memref<1x80x128xf32, #tpu.memory_space<vmem>>
        %dma_start3A_569 = tpu.memref_squeeze %dma_start3A_568 : memref<1x80x128xf32, #tpu.memory_space<vmem>> -> memref<80x128xf32, #tpu.memory_space<vmem>>
        %dma_start3A_570 = arith.constant 0 : i32
        %dma_start3A_571 = tpu.memref_slice %arg10[%add3A_512, %dma_start3A_570] : memref<32x80xi32, #tpu.memory_space<vmem>> -> memref<1x80xi32, #tpu.memory_space<vmem>>
        %dma_start3A_572 = tpu.memref_squeeze %dma_start3A_571 : memref<1x80xi32, #tpu.memory_space<vmem>> -> memref<80xi32, #tpu.memory_space<vmem>>
        %dma_start3A_573 = arith.constant 0 : i32
        %dma_start3A_574 = arith.constant 0 : i32
        %dma_start3A_575 = tpu.memref_slice %arg12[%dma_start3A_573, %dma_start3A_574] : memref<10112x128xf32, #tpu.memory_space<vmem_shared>> -> memref<10112x128xf32, #tpu.memory_space<vmem_shared>>
        tpu.enqueue_indirect_dma source(%dma_start3A_569 : memref<80x128xf32, #tpu.memory_space<vmem>>) target(%dma_start3A_575 : memref<10112x128xf32, #tpu.memory_space<vmem_shared>>) offsets(%dma_start3A_572 : memref<80xi32, #tpu.memory_space<vmem>>) semaphore(%run_scoped3A_565 : memref<!tpu.dma_semaphore, #tpu.memory_space<semaphore_mem>>) {add = true}
        %dma_wait3A_576 = arith.constant 0 : i32
        %dma_wait3A_577 = arith.constant 0 : i32
        %dma_wait3A_578 = tpu.memref_slice %arg11[%run_scoped3A_524, %dma_wait3A_576, %dma_wait3A_577] : memref<4x80x128xf32, #tpu.memory_space<vmem>> -> memref<1x80x128xf32, #tpu.memory_space<vmem>>
        %dma_wait3A_579 = tpu.memref_squeeze %dma_wait3A_578 : memref<1x80x128xf32, #tpu.memory_space<vmem>> -> memref<80x128xf32, #tpu.memory_space<vmem>>
        %dma_wait3A_580 = arith.constant 0 : i32
        %dma_wait3A_581 = tpu.memref_slice %arg10[%add3A_512, %dma_wait3A_580] : memref<32x80xi32, #tpu.memory_space<vmem>> -> memref<1x80xi32, #tpu.memory_space<vmem>>
        %dma_wait3A_582 = tpu.memref_squeeze %dma_wait3A_581 : memref<1x80xi32, #tpu.memory_space<vmem>> -> memref<80xi32, #tpu.memory_space<vmem>>
        %dma_wait3A_583 = arith.constant 0 : i32
        %dma_wait3A_584 = arith.constant 0 : i32
        %dma_wait3A_585 = tpu.memref_slice %arg12[%dma_wait3A_583, %dma_wait3A_584] : memref<10112x128xf32, #tpu.memory_space<vmem_shared>> -> memref<10112x128xf32, #tpu.memory_space<vmem_shared>>
        tpu.wait_indirect_dma semaphore(%run_scoped3A_565 : memref<!tpu.dma_semaphore, #tpu.memory_space<semaphore_mem>>) src(%dma_wait3A_579 : memref<80x128xf32, #tpu.memory_space<vmem>>) dst(%dma_wait3A_585 : memref<10112x128xf32, #tpu.memory_space<vmem_shared>>)
        tpu.yield
      }) : () -> ()
      %add3A_525 = arith.constant 4 : i32
      %add3A_526 = arith.addi %add3A_512, %add3A_525 : i32
      %dma_start3A_527 = arith.constant 2 : i32
      %dma_start3A_528 = arith.constant 0 : i32
      %dma_start3A_529 = arith.constant 0 : i32
      %dma_start3A_530 = tpu.memref_slice %arg11[%dma_start3A_527, %dma_start3A_528, %dma_start3A_529] : memref<4x80x128xf32, #tpu.memory_space<vmem>> -> memref<1x80x128xf32, #tpu.memory_space<vmem>>
      %dma_start3A_531 = tpu.memref_squeeze %dma_start3A_530 : memref<1x80x128xf32, #tpu.memory_space<vmem>> -> memref<80x128xf32, #tpu.memory_space<vmem>>
      %dma_start3A_532 = arith.constant 0 : i32
      %dma_start3A_533 = tpu.memref_slice %arg9[%add3A_526, %dma_start3A_532] : memref<32x80xi32, #tpu.memory_space<vmem>> -> memref<1x80xi32, #tpu.memory_space<vmem>>
      %dma_start3A_534 = tpu.memref_squeeze %dma_start3A_533 : memref<1x80xi32, #tpu.memory_space<vmem>> -> memref<80xi32, #tpu.memory_space<vmem>>
      %dma_start3A_535 = arith.constant 0 : i32
      %dma_start3A_536 = arith.constant 0 : i32
      %dma_start3A_537 = tpu.memref_slice %arg2[%dma_start3A_535, %dma_start3A_536] : memref<10000x128xf32, #tpu.memory_space<hbm>> -> memref<10000x128xf32, #tpu.memory_space<hbm>>
      tpu.enqueue_indirect_dma source(%dma_start3A_537 : memref<10000x128xf32, #tpu.memory_space<hbm>>) target(%dma_start3A_531 : memref<80x128xf32, #tpu.memory_space<vmem>>) offsets(%dma_start3A_534 : memref<80xi32, #tpu.memory_space<vmem>>) semaphore(%arg15 : memref<!tpu.dma_semaphore, #tpu.memory_space<semaphore_mem>>)
      %add3A_538 = arith.constant 3 : i32
      %add3A_539 = arith.addi %mul3A_456, %add3A_538 : i32
      %dma_wait3A_540 = arith.constant 3 : i32
      %dma_wait3A_541 = arith.constant 0 : i32
      %dma_wait3A_542 = arith.constant 0 : i32
      %dma_wait3A_543 = tpu.memref_slice %arg11[%dma_wait3A_540, %dma_wait3A_541, %dma_wait3A_542] : memref<4x80x128xf32, #tpu.memory_space<vmem>> -> memref<1x80x128xf32, #tpu.memory_space<vmem>>
      %dma_wait3A_544 = tpu.memref_squeeze %dma_wait3A_543 : memref<1x80x128xf32, #tpu.memory_space<vmem>> -> memref<80x128xf32, #tpu.memory_space<vmem>>
      %dma_wait3A_545 = arith.constant 0 : i32
      %dma_wait3A_546 = tpu.memref_slice %arg9[%add3A_539, %dma_wait3A_545] : memref<32x80xi32, #tpu.memory_space<vmem>> -> memref<1x80xi32, #tpu.memory_space<vmem>>
      %dma_wait3A_547 = tpu.memref_squeeze %dma_wait3A_546 : memref<1x80xi32, #tpu.memory_space<vmem>> -> memref<80xi32, #tpu.memory_space<vmem>>
      %dma_wait3A_548 = arith.constant 0 : i32
      %dma_wait3A_549 = arith.constant 0 : i32
      %dma_wait3A_550 = tpu.memref_slice %arg2[%dma_wait3A_548, %dma_wait3A_549] : memref<10000x128xf32, #tpu.memory_space<hbm>> -> memref<10000x128xf32, #tpu.memory_space<hbm>>
      tpu.wait_indirect_dma semaphore(%arg16 : memref<!tpu.dma_semaphore, #tpu.memory_space<semaphore_mem>>) src(%dma_wait3A_550 : memref<10000x128xf32, #tpu.memory_space<hbm>>) dst(%dma_wait3A_544 : memref<80x128xf32, #tpu.memory_space<vmem>>)
      %run_scoped3A_551 = arith.constant 3 : i32
      "tpu.region"() ({
        %run_scoped3A_565 = tpu.sem_alloc : memref<!tpu.dma_semaphore, #tpu.memory_space<semaphore_mem>>
        %dma_start3A_566 = arith.constant 0 : i32
        %dma_start3A_567 = arith.constant 0 : i32
        %dma_start3A_568 = tpu.memref_slice %arg11[%run_scoped3A_551, %dma_start3A_566, %dma_start3A_567] : memref<4x80x128xf32, #tpu.memory_space<vmem>> -> memref<1x80x128xf32, #tpu.memory_space<vmem>>
        %dma_start3A_569 = tpu.memref_squeeze %dma_start3A_568 : memref<1x80x128xf32, #tpu.memory_space<vmem>> -> memref<80x128xf32, #tpu.memory_space<vmem>>
        %dma_start3A_570 = arith.constant 0 : i32
        %dma_start3A_571 = tpu.memref_slice %arg10[%add3A_539, %dma_start3A_570] : memref<32x80xi32, #tpu.memory_space<vmem>> -> memref<1x80xi32, #tpu.memory_space<vmem>>
        %dma_start3A_572 = tpu.memref_squeeze %dma_start3A_571 : memref<1x80xi32, #tpu.memory_space<vmem>> -> memref<80xi32, #tpu.memory_space<vmem>>
        %dma_start3A_573 = arith.constant 0 : i32
        %dma_start3A_574 = arith.constant 0 : i32
        %dma_start3A_575 = tpu.memref_slice %arg12[%dma_start3A_573, %dma_start3A_574] : memref<10112x128xf32, #tpu.memory_space<vmem_shared>> -> memref<10112x128xf32, #tpu.memory_space<vmem_shared>>
        tpu.enqueue_indirect_dma source(%dma_start3A_569 : memref<80x128xf32, #tpu.memory_space<vmem>>) target(%dma_start3A_575 : memref<10112x128xf32, #tpu.memory_space<vmem_shared>>) offsets(%dma_start3A_572 : memref<80xi32, #tpu.memory_space<vmem>>) semaphore(%run_scoped3A_565 : memref<!tpu.dma_semaphore, #tpu.memory_space<semaphore_mem>>) {add = true}
        %dma_wait3A_576 = arith.constant 0 : i32
        %dma_wait3A_577 = arith.constant 0 : i32
        %dma_wait3A_578 = tpu.memref_slice %arg11[%run_scoped3A_551, %dma_wait3A_576, %dma_wait3A_577] : memref<4x80x128xf32, #tpu.memory_space<vmem>> -> memref<1x80x128xf32, #tpu.memory_space<vmem>>
        %dma_wait3A_579 = tpu.memref_squeeze %dma_wait3A_578 : memref<1x80x128xf32, #tpu.memory_space<vmem>> -> memref<80x128xf32, #tpu.memory_space<vmem>>
        %dma_wait3A_580 = arith.constant 0 : i32
        %dma_wait3A_581 = tpu.memref_slice %arg10[%add3A_539, %dma_wait3A_580] : memref<32x80xi32, #tpu.memory_space<vmem>> -> memref<1x80xi32, #tpu.memory_space<vmem>>
        %dma_wait3A_582 = tpu.memref_squeeze %dma_wait3A_581 : memref<1x80xi32, #tpu.memory_space<vmem>> -> memref<80xi32, #tpu.memory_space<vmem>>
        %dma_wait3A_583 = arith.constant 0 : i32
        %dma_wait3A_584 = arith.constant 0 : i32
        %dma_wait3A_585 = tpu.memref_slice %arg12[%dma_wait3A_583, %dma_wait3A_584] : memref<10112x128xf32, #tpu.memory_space<vmem_shared>> -> memref<10112x128xf32, #tpu.memory_space<vmem_shared>>
        tpu.wait_indirect_dma semaphore(%run_scoped3A_565 : memref<!tpu.dma_semaphore, #tpu.memory_space<semaphore_mem>>) src(%dma_wait3A_579 : memref<80x128xf32, #tpu.memory_space<vmem>>) dst(%dma_wait3A_585 : memref<10112x128xf32, #tpu.memory_space<vmem_shared>>)
        tpu.yield
      }) : () -> ()
      %add3A_552 = arith.constant 4 : i32
      %add3A_553 = arith.addi %add3A_539, %add3A_552 : i32
      %dma_start3A_554 = arith.constant 3 : i32
      %dma_start3A_555 = arith.constant 0 : i32
      %dma_start3A_556 = arith.constant 0 : i32
      %dma_start3A_557 = tpu.memref_slice %arg11[%dma_start3A_554, %dma_start3A_555, %dma_start3A_556] : memref<4x80x128xf32, #tpu.memory_space<vmem>> -> memref<1x80x128xf32, #tpu.memory_space<vmem>>
      %dma_start3A_558 = tpu.memref_squeeze %dma_start3A_557 : memref<1x80x128xf32, #tpu.memory_space<vmem>> -> memref<80x128xf32, #tpu.memory_space<vmem>>
      %dma_start3A_559 = arith.constant 0 : i32
      %dma_start3A_560 = tpu.memref_slice %arg9[%add3A_553, %dma_start3A_559] : memref<32x80xi32, #tpu.memory_space<vmem>> -> memref<1x80xi32, #tpu.memory_space<vmem>>
      %dma_start3A_561 = tpu.memref_squeeze %dma_start3A_560 : memref<1x80xi32, #tpu.memory_space<vmem>> -> memref<80xi32, #tpu.memory_space<vmem>>
      %dma_start3A_562 = arith.constant 0 : i32
      %dma_start3A_563 = arith.constant 0 : i32
      %dma_start3A_564 = tpu.memref_slice %arg2[%dma_start3A_562, %dma_start3A_563] : memref<10000x128xf32, #tpu.memory_space<hbm>> -> memref<10000x128xf32, #tpu.memory_space<hbm>>
      tpu.enqueue_indirect_dma source(%dma_start3A_564 : memref<10000x128xf32, #tpu.memory_space<hbm>>) target(%dma_start3A_558 : memref<80x128xf32, #tpu.memory_space<vmem>>) offsets(%dma_start3A_561 : memref<80xi32, #tpu.memory_space<vmem>>) semaphore(%arg16 : memref<!tpu.dma_semaphore, #tpu.memory_space<semaphore_mem>>)
    }
    %scan3A_388 = arith.constant 7 : i32
    %dma_wait3A_389 = arith.constant 28 : i32
    %dma_wait3A_390 = arith.constant 0 : i32
    %dma_wait3A_391 = arith.constant 0 : i32
    %dma_wait3A_392 = arith.constant 0 : i32
    %dma_wait3A_393 = tpu.memref_slice %arg11[%dma_wait3A_390, %dma_wait3A_391, %dma_wait3A_392] : memref<4x80x128xf32, #tpu.memory_space<vmem>> -> memref<1x80x128xf32, #tpu.memory_space<vmem>>
    %dma_wait3A_394 = tpu.memref_squeeze %dma_wait3A_393 : memref<1x80x128xf32, #tpu.memory_space<vmem>> -> memref<80x128xf32, #tpu.memory_space<vmem>>
    %dma_wait3A_395 = arith.constant 0 : i32
    %dma_wait3A_396 = tpu.memref_slice %arg9[%dma_wait3A_389, %dma_wait3A_395] : memref<32x80xi32, #tpu.memory_space<vmem>> -> memref<1x80xi32, #tpu.memory_space<vmem>>
    %dma_wait3A_397 = tpu.memref_squeeze %dma_wait3A_396 : memref<1x80xi32, #tpu.memory_space<vmem>> -> memref<80xi32, #tpu.memory_space<vmem>>
    %dma_wait3A_398 = arith.constant 0 : i32
    %dma_wait3A_399 = arith.constant 0 : i32
    %dma_wait3A_400 = tpu.memref_slice %arg2[%dma_wait3A_398, %dma_wait3A_399] : memref<10000x128xf32, #tpu.memory_space<hbm>> -> memref<10000x128xf32, #tpu.memory_space<hbm>>
    tpu.wait_indirect_dma semaphore(%arg13 : memref<!tpu.dma_semaphore, #tpu.memory_space<semaphore_mem>>) src(%dma_wait3A_400 : memref<10000x128xf32, #tpu.memory_space<hbm>>) dst(%dma_wait3A_394 : memref<80x128xf32, #tpu.memory_space<vmem>>)
    %run_scoped3A_401 = arith.constant 0 : i32
    %run_scoped3A_402 = arith.constant 28 : i32
    "tpu.region"() ({
      %run_scoped3A_450 = tpu.sem_alloc : memref<!tpu.dma_semaphore, #tpu.memory_space<semaphore_mem>>
      %dma_start3A_451 = arith.constant 0 : i32
      %dma_start3A_452 = arith.constant 0 : i32
      %dma_start3A_453 = tpu.memref_slice %arg11[%run_scoped3A_401, %dma_start3A_451, %dma_start3A_452] : memref<4x80x128xf32, #tpu.memory_space<vmem>> -> memref<1x80x128xf32, #tpu.memory_space<vmem>>
      %dma_start3A_454 = tpu.memref_squeeze %dma_start3A_453 : memref<1x80x128xf32, #tpu.memory_space<vmem>> -> memref<80x128xf32, #tpu.memory_space<vmem>>
      %dma_start3A_455 = arith.constant 0 : i32
      %dma_start3A_456 = tpu.memref_slice %arg10[%run_scoped3A_402, %dma_start3A_455] : memref<32x80xi32, #tpu.memory_space<vmem>> -> memref<1x80xi32, #tpu.memory_space<vmem>>
      %dma_start3A_457 = tpu.memref_squeeze %dma_start3A_456 : memref<1x80xi32, #tpu.memory_space<vmem>> -> memref<80xi32, #tpu.memory_space<vmem>>
      %dma_start3A_458 = arith.constant 0 : i32
      %dma_start3A_459 = arith.constant 0 : i32
      %dma_start3A_460 = tpu.memref_slice %arg12[%dma_start3A_458, %dma_start3A_459] : memref<10112x128xf32, #tpu.memory_space<vmem_shared>> -> memref<10112x128xf32, #tpu.memory_space<vmem_shared>>
      tpu.enqueue_indirect_dma source(%dma_start3A_454 : memref<80x128xf32, #tpu.memory_space<vmem>>) target(%dma_start3A_460 : memref<10112x128xf32, #tpu.memory_space<vmem_shared>>) offsets(%dma_start3A_457 : memref<80xi32, #tpu.memory_space<vmem>>) semaphore(%run_scoped3A_450 : memref<!tpu.dma_semaphore, #tpu.memory_space<semaphore_mem>>) {add = true}
      %dma_wait3A_461 = arith.constant 0 : i32
      %dma_wait3A_462 = arith.constant 0 : i32
      %dma_wait3A_463 = tpu.memref_slice %arg11[%run_scoped3A_401, %dma_wait3A_461, %dma_wait3A_462] : memref<4x80x128xf32, #tpu.memory_space<vmem>> -> memref<1x80x128xf32, #tpu.memory_space<vmem>>
      %dma_wait3A_464 = tpu.memref_squeeze %dma_wait3A_463 : memref<1x80x128xf32, #tpu.memory_space<vmem>> -> memref<80x128xf32, #tpu.memory_space<vmem>>
      %dma_wait3A_465 = arith.constant 0 : i32
      %dma_wait3A_466 = tpu.memref_slice %arg10[%run_scoped3A_402, %dma_wait3A_465] : memref<32x80xi32, #tpu.memory_space<vmem>> -> memref<1x80xi32, #tpu.memory_space<vmem>>
      %dma_wait3A_467 = tpu.memref_squeeze %dma_wait3A_466 : memref<1x80xi32, #tpu.memory_space<vmem>> -> memref<80xi32, #tpu.memory_space<vmem>>
      %dma_wait3A_468 = arith.constant 0 : i32
      %dma_wait3A_469 = arith.constant 0 : i32
      %dma_wait3A_470 = tpu.memref_slice %arg12[%dma_wait3A_468, %dma_wait3A_469] : memref<10112x128xf32, #tpu.memory_space<vmem_shared>> -> memref<10112x128xf32, #tpu.memory_space<vmem_shared>>
      tpu.wait_indirect_dma semaphore(%run_scoped3A_450 : memref<!tpu.dma_semaphore, #tpu.memory_space<semaphore_mem>>) src(%dma_wait3A_464 : memref<80x128xf32, #tpu.memory_space<vmem>>) dst(%dma_wait3A_470 : memref<10112x128xf32, #tpu.memory_space<vmem_shared>>)
      tpu.yield
    }) : () -> ()
    %dma_wait3A_403 = arith.constant 29 : i32
    %dma_wait3A_404 = arith.constant 1 : i32
    %dma_wait3A_405 = arith.constant 0 : i32
    %dma_wait3A_406 = arith.constant 0 : i32
    %dma_wait3A_407 = tpu.memref_slice %arg11[%dma_wait3A_404, %dma_wait3A_405, %dma_wait3A_406] : memref<4x80x128xf32, #tpu.memory_space<vmem>> -> memref<1x80x128xf32, #tpu.memory_space<vmem>>
    %dma_wait3A_408 = tpu.memref_squeeze %dma_wait3A_407 : memref<1x80x128xf32, #tpu.memory_space<vmem>> -> memref<80x128xf32, #tpu.memory_space<vmem>>
    %dma_wait3A_409 = arith.constant 0 : i32
    %dma_wait3A_410 = tpu.memref_slice %arg9[%dma_wait3A_403, %dma_wait3A_409] : memref<32x80xi32, #tpu.memory_space<vmem>> -> memref<1x80xi32, #tpu.memory_space<vmem>>
    %dma_wait3A_411 = tpu.memref_squeeze %dma_wait3A_410 : memref<1x80xi32, #tpu.memory_space<vmem>> -> memref<80xi32, #tpu.memory_space<vmem>>
    %dma_wait3A_412 = arith.constant 0 : i32
    %dma_wait3A_413 = arith.constant 0 : i32
    %dma_wait3A_414 = tpu.memref_slice %arg2[%dma_wait3A_412, %dma_wait3A_413] : memref<10000x128xf32, #tpu.memory_space<hbm>> -> memref<10000x128xf32, #tpu.memory_space<hbm>>
    tpu.wait_indirect_dma semaphore(%arg14 : memref<!tpu.dma_semaphore, #tpu.memory_space<semaphore_mem>>) src(%dma_wait3A_414 : memref<10000x128xf32, #tpu.memory_space<hbm>>) dst(%dma_wait3A_408 : memref<80x128xf32, #tpu.memory_space<vmem>>)
    %run_scoped3A_415 = arith.constant 1 : i32
    %run_scoped3A_416 = arith.constant 29 : i32
    "tpu.region"() ({
      %run_scoped3A_450 = tpu.sem_alloc : memref<!tpu.dma_semaphore, #tpu.memory_space<semaphore_mem>>
      %dma_start3A_451 = arith.constant 0 : i32
      %dma_start3A_452 = arith.constant 0 : i32
      %dma_start3A_453 = tpu.memref_slice %arg11[%run_scoped3A_415, %dma_start3A_451, %dma_start3A_452] : memref<4x80x128xf32, #tpu.memory_space<vmem>> -> memref<1x80x128xf32, #tpu.memory_space<vmem>>
      %dma_start3A_454 = tpu.memref_squeeze %dma_start3A_453 : memref<1x80x128xf32, #tpu.memory_space<vmem>> -> memref<80x128xf32, #tpu.memory_space<vmem>>
      %dma_start3A_455 = arith.constant 0 : i32
      %dma_start3A_456 = tpu.memref_slice %arg10[%run_scoped3A_416, %dma_start3A_455] : memref<32x80xi32, #tpu.memory_space<vmem>> -> memref<1x80xi32, #tpu.memory_space<vmem>>
      %dma_start3A_457 = tpu.memref_squeeze %dma_start3A_456 : memref<1x80xi32, #tpu.memory_space<vmem>> -> memref<80xi32, #tpu.memory_space<vmem>>
      %dma_start3A_458 = arith.constant 0 : i32
      %dma_start3A_459 = arith.constant 0 : i32
      %dma_start3A_460 = tpu.memref_slice %arg12[%dma_start3A_458, %dma_start3A_459] : memref<10112x128xf32, #tpu.memory_space<vmem_shared>> -> memref<10112x128xf32, #tpu.memory_space<vmem_shared>>
      tpu.enqueue_indirect_dma source(%dma_start3A_454 : memref<80x128xf32, #tpu.memory_space<vmem>>) target(%dma_start3A_460 : memref<10112x128xf32, #tpu.memory_space<vmem_shared>>) offsets(%dma_start3A_457 : memref<80xi32, #tpu.memory_space<vmem>>) semaphore(%run_scoped3A_450 : memref<!tpu.dma_semaphore, #tpu.memory_space<semaphore_mem>>) {add = true}
      %dma_wait3A_461 = arith.constant 0 : i32
      %dma_wait3A_462 = arith.constant 0 : i32
      %dma_wait3A_463 = tpu.memref_slice %arg11[%run_scoped3A_415, %dma_wait3A_461, %dma_wait3A_462] : memref<4x80x128xf32, #tpu.memory_space<vmem>> -> memref<1x80x128xf32, #tpu.memory_space<vmem>>
      %dma_wait3A_464 = tpu.memref_squeeze %dma_wait3A_463 : memref<1x80x128xf32, #tpu.memory_space<vmem>> -> memref<80x128xf32, #tpu.memory_space<vmem>>
      %dma_wait3A_465 = arith.constant 0 : i32
      %dma_wait3A_466 = tpu.memref_slice %arg10[%run_scoped3A_416, %dma_wait3A_465] : memref<32x80xi32, #tpu.memory_space<vmem>> -> memref<1x80xi32, #tpu.memory_space<vmem>>
      %dma_wait3A_467 = tpu.memref_squeeze %dma_wait3A_466 : memref<1x80xi32, #tpu.memory_space<vmem>> -> memref<80xi32, #tpu.memory_space<vmem>>
      %dma_wait3A_468 = arith.constant 0 : i32
      %dma_wait3A_469 = arith.constant 0 : i32
      %dma_wait3A_470 = tpu.memref_slice %arg12[%dma_wait3A_468, %dma_wait3A_469] : memref<10112x128xf32, #tpu.memory_space<vmem_shared>> -> memref<10112x128xf32, #tpu.memory_space<vmem_shared>>
      tpu.wait_indirect_dma semaphore(%run_scoped3A_450 : memref<!tpu.dma_semaphore, #tpu.memory_space<semaphore_mem>>) src(%dma_wait3A_464 : memref<80x128xf32, #tpu.memory_space<vmem>>) dst(%dma_wait3A_470 : memref<10112x128xf32, #tpu.memory_space<vmem_shared>>)
      tpu.yield
    }) : () -> ()
    %dma_wait3A_417 = arith.constant 30 : i32
    %dma_wait3A_418 = arith.constant 2 : i32
    %dma_wait3A_419 = arith.constant 0 : i32
    %dma_wait3A_420 = arith.constant 0 : i32
    %dma_wait3A_421 = tpu.memref_slice %arg11[%dma_wait3A_418, %dma_wait3A_419, %dma_wait3A_420] : memref<4x80x128xf32, #tpu.memory_space<vmem>> -> memref<1x80x128xf32, #tpu.memory_space<vmem>>
    %dma_wait3A_422 = tpu.memref_squeeze %dma_wait3A_421 : memref<1x80x128xf32, #tpu.memory_space<vmem>> -> memref<80x128xf32, #tpu.memory_space<vmem>>
    %dma_wait3A_423 = arith.constant 0 : i32
    %dma_wait3A_424 = tpu.memref_slice %arg9[%dma_wait3A_417, %dma_wait3A_423] : memref<32x80xi32, #tpu.memory_space<vmem>> -> memref<1x80xi32, #tpu.memory_space<vmem>>
    %dma_wait3A_425 = tpu.memref_squeeze %dma_wait3A_424 : memref<1x80xi32, #tpu.memory_space<vmem>> -> memref<80xi32, #tpu.memory_space<vmem>>
    %dma_wait3A_426 = arith.constant 0 : i32
    %dma_wait3A_427 = arith.constant 0 : i32
    %dma_wait3A_428 = tpu.memref_slice %arg2[%dma_wait3A_426, %dma_wait3A_427] : memref<10000x128xf32, #tpu.memory_space<hbm>> -> memref<10000x128xf32, #tpu.memory_space<hbm>>
    tpu.wait_indirect_dma semaphore(%arg15 : memref<!tpu.dma_semaphore, #tpu.memory_space<semaphore_mem>>) src(%dma_wait3A_428 : memref<10000x128xf32, #tpu.memory_space<hbm>>) dst(%dma_wait3A_422 : memref<80x128xf32, #tpu.memory_space<vmem>>)
    %run_scoped3A_429 = arith.constant 2 : i32
    %run_scoped3A_430 = arith.constant 30 : i32
    "tpu.region"() ({
      %run_scoped3A_450 = tpu.sem_alloc : memref<!tpu.dma_semaphore, #tpu.memory_space<semaphore_mem>>
      %dma_start3A_451 = arith.constant 0 : i32
      %dma_start3A_452 = arith.constant 0 : i32
      %dma_start3A_453 = tpu.memref_slice %arg11[%run_scoped3A_429, %dma_start3A_451, %dma_start3A_452] : memref<4x80x128xf32, #tpu.memory_space<vmem>> -> memref<1x80x128xf32, #tpu.memory_space<vmem>>
      %dma_start3A_454 = tpu.memref_squeeze %dma_start3A_453 : memref<1x80x128xf32, #tpu.memory_space<vmem>> -> memref<80x128xf32, #tpu.memory_space<vmem>>
      %dma_start3A_455 = arith.constant 0 : i32
      %dma_start3A_456 = tpu.memref_slice %arg10[%run_scoped3A_430, %dma_start3A_455] : memref<32x80xi32, #tpu.memory_space<vmem>> -> memref<1x80xi32, #tpu.memory_space<vmem>>
      %dma_start3A_457 = tpu.memref_squeeze %dma_start3A_456 : memref<1x80xi32, #tpu.memory_space<vmem>> -> memref<80xi32, #tpu.memory_space<vmem>>
      %dma_start3A_458 = arith.constant 0 : i32
      %dma_start3A_459 = arith.constant 0 : i32
      %dma_start3A_460 = tpu.memref_slice %arg12[%dma_start3A_458, %dma_start3A_459] : memref<10112x128xf32, #tpu.memory_space<vmem_shared>> -> memref<10112x128xf32, #tpu.memory_space<vmem_shared>>
      tpu.enqueue_indirect_dma source(%dma_start3A_454 : memref<80x128xf32, #tpu.memory_space<vmem>>) target(%dma_start3A_460 : memref<10112x128xf32, #tpu.memory_space<vmem_shared>>) offsets(%dma_start3A_457 : memref<80xi32, #tpu.memory_space<vmem>>) semaphore(%run_scoped3A_450 : memref<!tpu.dma_semaphore, #tpu.memory_space<semaphore_mem>>) {add = true}
      %dma_wait3A_461 = arith.constant 0 : i32
      %dma_wait3A_462 = arith.constant 0 : i32
      %dma_wait3A_463 = tpu.memref_slice %arg11[%run_scoped3A_429, %dma_wait3A_461, %dma_wait3A_462] : memref<4x80x128xf32, #tpu.memory_space<vmem>> -> memref<1x80x128xf32, #tpu.memory_space<vmem>>
      %dma_wait3A_464 = tpu.memref_squeeze %dma_wait3A_463 : memref<1x80x128xf32, #tpu.memory_space<vmem>> -> memref<80x128xf32, #tpu.memory_space<vmem>>
      %dma_wait3A_465 = arith.constant 0 : i32
      %dma_wait3A_466 = tpu.memref_slice %arg10[%run_scoped3A_430, %dma_wait3A_465] : memref<32x80xi32, #tpu.memory_space<vmem>> -> memref<1x80xi32, #tpu.memory_space<vmem>>
      %dma_wait3A_467 = tpu.memref_squeeze %dma_wait3A_466 : memref<1x80xi32, #tpu.memory_space<vmem>> -> memref<80xi32, #tpu.memory_space<vmem>>
      %dma_wait3A_468 = arith.constant 0 : i32
      %dma_wait3A_469 = arith.constant 0 : i32
      %dma_wait3A_470 = tpu.memref_slice %arg12[%dma_wait3A_468, %dma_wait3A_469] : memref<10112x128xf32, #tpu.memory_space<vmem_shared>> -> memref<10112x128xf32, #tpu.memory_space<vmem_shared>>
      tpu.wait_indirect_dma semaphore(%run_scoped3A_450 : memref<!tpu.dma_semaphore, #tpu.memory_space<semaphore_mem>>) src(%dma_wait3A_464 : memref<80x128xf32, #tpu.memory_space<vmem>>) dst(%dma_wait3A_470 : memref<10112x128xf32, #tpu.memory_space<vmem_shared>>)
      tpu.yield
    }) : () -> ()
    %dma_wait3A_431 = arith.constant 31 : i32
    %dma_wait3A_432 = arith.constant 3 : i32
    %dma_wait3A_433 = arith.constant 0 : i32
    %dma_wait3A_434 = arith.constant 0 : i32
    %dma_wait3A_435 = tpu.memref_slice %arg11[%dma_wait3A_432, %dma_wait3A_433, %dma_wait3A_434] : memref<4x80x128xf32, #tpu.memory_space<vmem>> -> memref<1x80x128xf32, #tpu.memory_space<vmem>>
    %dma_wait3A_436 = tpu.memref_squeeze %dma_wait3A_435 : memref<1x80x128xf32, #tpu.memory_space<vmem>> -> memref<80x128xf32, #tpu.memory_space<vmem>>
    %dma_wait3A_437 = arith.constant 0 : i32
    %dma_wait3A_438 = tpu.memref_slice %arg9[%dma_wait3A_431, %dma_wait3A_437] : memref<32x80xi32, #tpu.memory_space<vmem>> -> memref<1x80xi32, #tpu.memory_space<vmem>>
    %dma_wait3A_439 = tpu.memref_squeeze %dma_wait3A_438 : memref<1x80xi32, #tpu.memory_space<vmem>> -> memref<80xi32, #tpu.memory_space<vmem>>
    %dma_wait3A_440 = arith.constant 0 : i32
    %dma_wait3A_441 = arith.constant 0 : i32
    %dma_wait3A_442 = tpu.memref_slice %arg2[%dma_wait3A_440, %dma_wait3A_441] : memref<10000x128xf32, #tpu.memory_space<hbm>> -> memref<10000x128xf32, #tpu.memory_space<hbm>>
    tpu.wait_indirect_dma semaphore(%arg16 : memref<!tpu.dma_semaphore, #tpu.memory_space<semaphore_mem>>) src(%dma_wait3A_442 : memref<10000x128xf32, #tpu.memory_space<hbm>>) dst(%dma_wait3A_436 : memref<80x128xf32, #tpu.memory_space<vmem>>)
    %run_scoped3A_443 = arith.constant 3 : i32
    %run_scoped3A_444 = arith.constant 31 : i32
    "tpu.region"() ({
      %run_scoped3A_450 = tpu.sem_alloc : memref<!tpu.dma_semaphore, #tpu.memory_space<semaphore_mem>>
      %dma_start3A_451 = arith.constant 0 : i32
      %dma_start3A_452 = arith.constant 0 : i32
      %dma_start3A_453 = tpu.memref_slice %arg11[%run_scoped3A_443, %dma_start3A_451, %dma_start3A_452] : memref<4x80x128xf32, #tpu.memory_space<vmem>> -> memref<1x80x128xf32, #tpu.memory_space<vmem>>
      %dma_start3A_454 = tpu.memref_squeeze %dma_start3A_453 : memref<1x80x128xf32, #tpu.memory_space<vmem>> -> memref<80x128xf32, #tpu.memory_space<vmem>>
      %dma_start3A_455 = arith.constant 0 : i32
      %dma_start3A_456 = tpu.memref_slice %arg10[%run_scoped3A_444, %dma_start3A_455] : memref<32x80xi32, #tpu.memory_space<vmem>> -> memref<1x80xi32, #tpu.memory_space<vmem>>
      %dma_start3A_457 = tpu.memref_squeeze %dma_start3A_456 : memref<1x80xi32, #tpu.memory_space<vmem>> -> memref<80xi32, #tpu.memory_space<vmem>>
      %dma_start3A_458 = arith.constant 0 : i32
      %dma_start3A_459 = arith.constant 0 : i32
      %dma_start3A_460 = tpu.memref_slice %arg12[%dma_start3A_458, %dma_start3A_459] : memref<10112x128xf32, #tpu.memory_space<vmem_shared>> -> memref<10112x128xf32, #tpu.memory_space<vmem_shared>>
      tpu.enqueue_indirect_dma source(%dma_start3A_454 : memref<80x128xf32, #tpu.memory_space<vmem>>) target(%dma_start3A_460 : memref<10112x128xf32, #tpu.memory_space<vmem_shared>>) offsets(%dma_start3A_457 : memref<80xi32, #tpu.memory_space<vmem>>) semaphore(%run_scoped3A_450 : memref<!tpu.dma_semaphore, #tpu.memory_space<semaphore_mem>>) {add = true}
      %dma_wait3A_461 = arith.constant 0 : i32
      %dma_wait3A_462 = arith.constant 0 : i32
      %dma_wait3A_463 = tpu.memref_slice %arg11[%run_scoped3A_443, %dma_wait3A_461, %dma_wait3A_462] : memref<4x80x128xf32, #tpu.memory_space<vmem>> -> memref<1x80x128xf32, #tpu.memory_space<vmem>>
      %dma_wait3A_464 = tpu.memref_squeeze %dma_wait3A_463 : memref<1x80x128xf32, #tpu.memory_space<vmem>> -> memref<80x128xf32, #tpu.memory_space<vmem>>
      %dma_wait3A_465 = arith.constant 0 : i32
      %dma_wait3A_466 = tpu.memref_slice %arg10[%run_scoped3A_444, %dma_wait3A_465] : memref<32x80xi32, #tpu.memory_space<vmem>> -> memref<1x80xi32, #tpu.memory_space<vmem>>
      %dma_wait3A_467 = tpu.memref_squeeze %dma_wait3A_466 : memref<1x80xi32, #tpu.memory_space<vmem>> -> memref<80xi32, #tpu.memory_space<vmem>>
      %dma_wait3A_468 = arith.constant 0 : i32
      %dma_wait3A_469 = arith.constant 0 : i32
      %dma_wait3A_470 = tpu.memref_slice %arg12[%dma_wait3A_468, %dma_wait3A_469] : memref<10112x128xf32, #tpu.memory_space<vmem_shared>> -> memref<10112x128xf32, #tpu.memory_space<vmem_shared>>
      tpu.wait_indirect_dma semaphore(%run_scoped3A_450 : memref<!tpu.dma_semaphore, #tpu.memory_space<semaphore_mem>>) src(%dma_wait3A_464 : memref<80x128xf32, #tpu.memory_space<vmem>>) dst(%dma_wait3A_470 : memref<10112x128xf32, #tpu.memory_space<vmem_shared>>)
      tpu.yield
    }) : () -> ()
    %barrier3A_445 = arith.constant 0 : index
    tpu.barrier barrier_id(%barrier3A_445)
    %mul3A_446 = arith.constant 632 : i32
    %mul3A_447 = arith.muli %arg1, %mul3A_446 : i32
    %mul3A_448 = arith.constant 632 : i32
    %mul3A_449 = arith.muli %arg1, %mul3A_448 : i32
    "tpu.region"() ({
      %run_scoped3A_450 = tpu.sem_alloc : memref<!tpu.dma_semaphore, #tpu.memory_space<semaphore_mem>>
      %dma_start3A_451 = arith.constant 0 : i32
      %dma_start3A_452 = arith.constant 0 : i32
      %dma_start3A_453 = tpu.memref_slice %arg8[%arg0, %dma_start3A_451, %dma_start3A_452] : memref<2x10112x128xf32, #tpu.memory_space<hbm>> -> memref<1x10112x128xf32, #tpu.memory_space<hbm>>
      %dma_start3A_454 = tpu.memref_squeeze %dma_start3A_453 : memref<1x10112x128xf32, #tpu.memory_space<hbm>> -> memref<10112x128xf32, #tpu.memory_space<hbm>>
      %dma_start3A_455 = arith.constant 0 : i32
      %dma_start3A_456 = tpu.memref_slice %dma_start3A_454[%mul3A_449, %dma_start3A_455] : memref<10112x128xf32, #tpu.memory_space<hbm>> -> memref<632x128xf32, #tpu.memory_space<hbm>>
      %dma_start3A_457 = arith.constant 0 : i32
      %dma_start3A_458 = tpu.memref_slice %arg12[%mul3A_447, %dma_start3A_457] : memref<10112x128xf32, #tpu.memory_space<vmem_shared>> -> memref<632x128xf32, #tpu.memory_space<vmem_shared>>
      tpu.enqueue_dma source(%dma_start3A_458 : memref<632x128xf32, #tpu.memory_space<vmem_shared>>) target(%dma_start3A_456 : memref<632x128xf32, #tpu.memory_space<hbm>>) target_semaphore(%run_scoped3A_450 : memref<!tpu.dma_semaphore, #tpu.memory_space<semaphore_mem>>)
      %dma_wait3A_459 = arith.constant 0 : i32
      %dma_wait3A_460 = arith.constant 0 : i32
      %dma_wait3A_461 = tpu.memref_slice %arg8[%arg0, %dma_wait3A_459, %dma_wait3A_460] : memref<2x10112x128xf32, #tpu.memory_space<hbm>> -> memref<1x10112x128xf32, #tpu.memory_space<hbm>>
      %dma_wait3A_462 = tpu.memref_squeeze %dma_wait3A_461 : memref<1x10112x128xf32, #tpu.memory_space<hbm>> -> memref<10112x128xf32, #tpu.memory_space<hbm>>
      %dma_wait3A_463 = arith.constant 0 : i32
      %dma_wait3A_464 = tpu.memref_slice %dma_wait3A_462[%mul3A_449, %dma_wait3A_463] : memref<10112x128xf32, #tpu.memory_space<hbm>> -> memref<632x128xf32, #tpu.memory_space<hbm>>
      %dma_wait3A_465 = arith.constant 0 : i32
      %dma_wait3A_466 = tpu.memref_slice %arg12[%mul3A_447, %dma_wait3A_465] : memref<10112x128xf32, #tpu.memory_space<vmem_shared>> -> memref<632x128xf32, #tpu.memory_space<vmem_shared>>
      tpu.wait_dma2 semaphore(%run_scoped3A_450 : memref<!tpu.dma_semaphore, #tpu.memory_space<semaphore_mem>>) src(%dma_wait3A_466 : memref<632x128xf32, #tpu.memory_space<vmem_shared>>) dst(%dma_wait3A_464 : memref<632x128xf32, #tpu.memory_space<hbm>>)
      tpu.yield
    }) : () -> ()
    return
  }
}

module attributes {stable_mosaic.version = 14 : i64} {
  func.func @_tc_body(%arg0: i32, %arg1: memref<2x2000x128xf32, #tpu.memory_space<vmem>>, %arg2: memref<128x128xf32, #tpu.memory_space<vmem>>, %arg3: memref<1x128xf32, #tpu.memory_space<vmem>>, %arg4: memref<2000x128xf32, #tpu.memory_space<vmem>>) attributes {dimension_semantics = [#tpu.dimension_semantics<arbitrary>], iteration_bounds = array<i64: 5>, scalar_prefetch = 0 : i64, scratch_operands = 0 : i64, tpu.core_type = #tpu.core_type<tc>, window_params = [{transform_indices = @transform_0, window_bounds = array<i64: 2, 2000, 128>}, {pipeline_mode = #tpu.pipeline_mode<synchronous>, transform_indices = @transform_1, window_bounds = array<i64: 128, 128>}, {pipeline_mode = #tpu.pipeline_mode<synchronous>, transform_indices = @transform_2, window_bounds = array<i64: 1, 128>}, {transform_indices = @transform_3, window_bounds = array<i64: 2000, 128>}]} {
    %get3A = arith.constant 0 : index
    %get3A_0 = arith.constant 0 : index
    %get3A_1 = arith.constant 0 : index
    %get3A_2 = vector.load %arg1[%get3A, %get3A_0, %get3A_1] : memref<2x2000x128xf32, #tpu.memory_space<vmem>>, vector<1x2000x128xf32>
    %get3A_3 = vector.shape_cast %get3A_2 : vector<1x2000x128xf32> to vector<2000x128xf32>
    %get3A_4 = arith.constant 1 : index
    %get3A_5 = arith.constant 0 : index
    %get3A_6 = arith.constant 0 : index
    %get3A_7 = vector.load %arg1[%get3A_4, %get3A_5, %get3A_6] : memref<2x2000x128xf32, #tpu.memory_space<vmem>>, vector<1x2000x128xf32>
    %get3A_8 = vector.shape_cast %get3A_7 : vector<1x2000x128xf32> to vector<2000x128xf32>
    %add3A = arith.addf %get3A_3, %get3A_8 : vector<2000x128xf32>
    %get3A_9 = arith.constant 0 : index
    %get3A_10 = arith.constant 0 : index
    %get3A_11 = vector.load %arg2[%get3A_9, %get3A_10] : memref<128x128xf32, #tpu.memory_space<vmem>>, vector<128x128xf32>
    %dot_general3A = arith.constant dense<0.000000e+00> : vector<2000x128xf32>
    %dot_general3A_12 = tpu.matmul %add3A, %get3A_11, %dot_general3A {dimension_numbers = #tpu.dot_dimension_numbers<[1], [1], [0], [0], [0, 0, 1, 0], [], []>, transpose_lhs_hint = false} : vector<2000x128xf32>, vector<128x128xf32>, vector<2000x128xf32> -> vector<2000x128xf32>
    %get3A_13 = arith.constant 0 : index
    %get3A_14 = arith.constant 0 : index
    %get3A_15 = vector.load %arg3[%get3A_13, %get3A_14] : memref<1x128xf32, #tpu.memory_space<vmem>>, vector<1x128xf32>
    %add3A_16 = vector.broadcast %get3A_15 : vector<1x128xf32> to vector<2000x128xf32>
    %add3A_17 = arith.addf %dot_general3A_12, %add3A_16 : vector<2000x128xf32>
    %swap3A = arith.constant 0 : index
    %swap3A_18 = arith.constant 0 : index
    %swap3A_19 = vector.load %arg4[%swap3A, %swap3A_18] : memref<2000x128xf32, #tpu.memory_space<vmem>>, vector<2000x128xf32>
    tpu.vector_store %arg4[%swap3A, %swap3A_18], %add3A_17 {strides = array<i32>} : memref<2000x128xf32, #tpu.memory_space<vmem>>, vector<2000x128xf32>,
    return
  }
  func.func @transform_0(%arg0: i32) -> (i32, i32, i32) {
    %c0_i32 = arith.constant 0 : i32
    %c0_i32_0 = arith.constant 0 : i32
    %c0_i32_1 = arith.constant 0 : i32
    return %c0_i32, %arg0, %c0_i32_0 : i32, i32, i32
  }
  func.func @transform_1(%arg0: i32) -> (i32, i32) {
    %c0_i32 = arith.constant 0 : i32
    %c0_i32_0 = arith.constant 0 : i32
    %c0_i32_1 = arith.constant 0 : i32
    return %c0_i32, %c0_i32_0 : i32, i32
  }
  func.func @transform_2(%arg0: i32) -> (i32, i32) {
    %c0_i32 = arith.constant 0 : i32
    %c0_i32_0 = arith.constant 0 : i32
    %c0_i32_1 = arith.constant 0 : i32
    return %c0_i32, %c0_i32_0 : i32, i32
  }
  func.func @transform_3(%arg0: i32) -> (i32, i32) {
    %c0_i32 = arith.constant 0 : i32
    %c0_i32_0 = arith.constant 0 : i32
    return %arg0, %c0_i32 : i32, i32
  }
}

</mosaic_0001>

<sc_bundles>
// kernel: kernel.4.cloned.1.call-start
scs
__scs_entry_jumppad:
0x0: {  	(pc) =	sbr.rel $0x88, $3  }
0x1: {  	(tag) =	ssettag $0x0;
	lr =	simm.s32 $0x1  }
0x2: {  	[smem:$0x3F9D] =	sst lr;
	_ =	strace $0xD0000000  }
0x3: {  	_ = 	snop  }
0x4: {  	_ = 	snop  }
0x5: {  	_ = 	snop  }
0x6: {  	_ = 	snop  }
0x7: {  	_ = 	snop  }
__scs_overlays_trampoline_lowered:
0x8: {  	[smem:$0x3FAC] =	sst s0  }
0x9: {  	[smem:$0x3FAD] =	sst s1  }
0xa: {  	[smem:$0x3FAE] =	sst s2  }
0xb: {  	[smem:$0x3FAF] =	sst s3  }
0xc: {  	[smem:$0x3FB0] =	sst s4  }
0xd: {  	[smem:$0x3FB1] =	sst s5  }
0xe: {  	[smem:$0x3FB2] =	sst s6  }
0xf: {  	[smem:$0x3FB3] =	sst s7  }
0x10: {  	[smem:$0x3FB4] =	sst s8  }
0x11: {  	[smem:$0x3FB5] =	sst s9;
	s0 =	simm.s32 @!p0 $0x0  }
0x12: {  	s1 =	sld [smem:$0x3F9B];
	s0 =	simm.s32 @p0 $0x1  }
0x13: {  	[smem:$0x3FB6] =	sst s0;
	s0 =	simm.s32 @!p1 $0x0  }
0x14: {  	s2 =	sld [smem:$0x3F9A];
	s0 =	simm.s32 @p1 $0x1  }
0x15: {  	[smem:$0x3FB7] =	sst s0;
	s0 =	simm.s32 @!p2 $0x0  }
0x16: {  	s3 =	sld [smem:$0x3FDB];
	s0 =	simm.s32 @p2 $0x1  }
0x17: {  	s4 =	simm.s32 $0x1BF5;
	[smem:$0x3FB9] =	sst s0  }
0x18: {  	s0 =	sld [smem:$0x3F9C];
	_ =	swait.ge [sflag:s4], $0x0  }
0x19: {  	s7 =	sld [smem:$0x3F9D]  }
0x1a: {  	s8 =	sadd.s32 $0xFFFFE003, lr  }
0x1b: {  	s9 =	sadd.s32 $0xFFFFFEF7, lr;
	s5 =	simm.s32 $0xFFFFFFFF;
	p2 =	slt.u32 s8, $0xFFFFF086  }
0x1c: {  	p1 =	slt.u32 s9, $0xF7A;
	s5 =	simm.s32 @!p2 $0x0  }
0x1d: {  	s5 =	simm.s32 @p1 $0x1;
	p0 =	seq.s32 s7, s2  }
0x1e: {  	s7 =	smul.u32 @!p0 $0xF7A, s2;
	p2 =	seq.s32 @!p0 s5, $0x0  }
0x1f: {  	s9 =	smul.u32 $0xF7A, s1;
	s8 =	simm.s32 @!p0 $0x1BF5;
	p2 =	por !p2, p0  }
0x20: {  	[sflag:s8] =	ssyncset.s32 @!p0 $0xFFFFF086;
	s6 =	sadd.s32 @!p0 s3, s7;
	s7 =	simm.s32 @!p0 $0x108  }
0x21: {  	s3 =	sadd.s32 s3, s9;
	s6 =	sadd.s32 @!p0 $0x88, s6;
	s7 =	simm.s32 @p2 $0x1082  }
0x22: {  	[simem:s7], [sflag:s8] =	dma.local @!p0 [hbm:s6], $0xF7A  }
0x23: {  	s9 =	sor.u32 $0xD0000000, s2;
	s6 =	simm.s32 $0x108;
	_ =	swait.ge @!p0 [sflag:s8], $0x0  }
0x24: {  	s3 =	sadd.s32 $0x88, s3;
	s6 =	simm.s32 @!p1 $0x1082;
	[sflag:s4] =	ssyncset.s32 $0xFFFFF086  }
0x25: {  	[simem:s6], [sflag:s4] =	dma.local [hbm:s3], $0xF7A  }
0x26: {  	[smem:$0x3F9D] =	sst s1;
	(tag) =	ssettag s2;
	_ =	strace s9  }
0x27: {  	s1 =	sld [smem:$0x3FAD]  }
0x28: {  	s2 =	sld [smem:$0x3FAE]  }
0x29: {  	s4 =	sld [smem:$0x3FB0]  }
0x2a: {  	p0 =	seq.s32 s5, $0x0;
	s5 =	sld [smem:$0x3FB1]  }
0x2b: {  	s6 =	sld [smem:$0x3FB2]  }
0x2c: {  	s7 =	sld [smem:$0x3FB3]  }
0x2d: {  	s3 =	simm.s32 $0x108;
	s8 =	sld [smem:$0x3FB4]  }
0x2e: {  	s3 =	simm.s32 @!p0 $0x1082;
	s9 =	sld [smem:$0x3FB5]  }
0x2f: {  	lr =	sadd.s32 s0, s3;
	s0 =	sld [smem:$0x3FAC]  }
0x30: {  	s3 =	sld [smem:$0x3FAF]  }
0x31: {  	[smem:$0x3FB8] =	sst s10  }
0x32: {  	s10 =	sld [smem:$0x3FB6];
	_ =	sdelay $0x3  }
0x33: {  	p0 =	seq.s32 s10, $0x1;
	s10 =	sld [smem:$0x3FB8];
	_ =	sdelay $0x3  }
0x34: {  	[smem:$0x3FB8] =	sst s10  }
0x35: {  	s10 =	sld [smem:$0x3FB7];
	_ =	sdelay $0x3  }
0x36: {  	p1 =	seq.s32 s10, $0x1;
	s10 =	sld [smem:$0x3FB8];
	_ =	sdelay $0x3  }
0x37: {  	[smem:$0x3FB8] =	sst s10  }
0x38: {  	s10 =	sld [smem:$0x3FB9]  }
0x39: {  	_ = 	snop;
	(pc) =	sbr.ind lr, $3  }
0x3a: {  	_ = 	snop  }
0x3b: {  	_ = 	snop  }
0x3c: {  	p2 =	seq.s32 s10, $0x1;
	s10 =	sld [smem:$0x3FB8]  }
0x3d: {  	_ =	shalt  }
0x3e: {  	_ =	shalt  }
0x3f: {  	_ =	shalt  }
0x40: {  	_ =	shalt  }
0x41: {  	_ =	shalt  }
0x42: {  	_ =	shalt  }
0x43: {  	_ =	shalt  }
0x44: {  	_ =	shalt  }
0x45: {  	_ =	shalt  }
0x46: {  	_ =	shalt  }
0x47: {  	_ =	shalt  }
0x48: {  	_ =	shalt  }
0x49: {  	_ =	shalt  }
0x4a: {  	_ =	shalt  }
0x4b: {  	_ =	shalt  }
0x4c: {  	_ =	shalt  }
0x4d: {  	_ =	shalt  }
0x4e: {  	_ =	shalt  }
0x4f: {  	_ =	shalt  }
0x50: {  	_ =	shalt  }
0x51: {  	_ =	shalt  }
0x52: {  	_ =	shalt  }
0x53: {  	_ =	shalt  }
0x54: {  	_ =	shalt  }
0x55: {  	_ =	shalt  }
0x56: {  	_ =	shalt  }
0x57: {  	_ =	shalt  }
0x58: {  	_ =	shalt  }
0x59: {  	_ =	shalt  }
0x5a: {  	_ =	shalt  }
0x5b: {  	_ =	shalt  }
0x5c: {  	_ =	shalt  }
0x5d: {  	_ =	shalt  }
0x5e: {  	_ =	shalt  }
0x5f: {  	_ =	shalt  }
0x60: {  	_ =	shalt  }
0x61: {  	_ =	shalt  }
0x62: {  	_ =	shalt  }
0x63: {  	_ =	shalt  }
0x64: {  	_ =	shalt  }
0x65: {  	_ =	shalt  }
0x66: {  	_ =	shalt  }
0x67: {  	_ =	shalt  }
0x68: {  	_ =	shalt  }
0x69: {  	_ =	shalt  }
0x6a: {  	_ =	shalt  }
0x6b: {  	_ =	shalt  }
0x6c: {  	_ =	shalt  }
0x6d: {  	_ =	shalt  }
0x6e: {  	_ =	shalt  }
0x6f: {  	_ =	shalt  }
0x70: {  	_ =	shalt  }
0x71: {  	_ =	shalt  }
0x72: {  	_ =	shalt  }
0x73: {  	_ =	shalt  }
0x74: {  	_ =	shalt  }
0x75: {  	_ =	shalt  }
0x76: {  	_ =	shalt  }
0x77: {  	_ =	shalt  }
0x78: {  	_ =	shalt  }
0x79: {  	_ =	shalt  }
0x7a: {  	_ =	shalt  }
0x7b: {  	_ =	shalt  }
0x7c: {  	_ =	shalt  }
0x7d: {  	_ =	shalt  }
0x7e: {  	_ =	shalt  }
0x7f: {  	_ =	shalt  }
0x80: {  	_ =	shalt  }
0x81: {  	_ =	shalt  }
0x82: {  	_ =	shalt  }
0x83: {  	_ =	shalt  }
0x84: {  	_ =	shalt  }
0x85: {  	_ =	shalt  }
0x86: {  	_ =	shalt  }
0x87: {  	_ =	shalt  }
.Lfunc_end0:
.L_simem_size_0:
called_computation_lowered:
.L_overlay_start_0:
0x88: {  	s2 =	sld [smem:$0x3FD9]  }
0x89: {  	s3 =	sld [smem:$0x3FFE];
	_ =	sdelay $0x1  }
0x8a: {  	s1 =	srdreg.scid  }
0x8b: {  	s0 =	sand.u32 $0x1, s1  }
0x8c: {  	s17 =	sshll.u32 s0, $0xA;
	s2 =	sadd.s32 s3, s2  }
0x8d: {  	s2 =	sadd.s32 s2, s17  }
0x8e: {  	[smem:$0x3FC4] =	sst s2  }
0x8f: {  	_ = 	snop  }
0x90: {  	s2 =	sld [smem:$0x3FC9]  }
0x91: {  	s18 =	sld [smem:$0x3FD0];
	(tm) =	ssettm $0x1  }
0x92: {  	s4 =	sld [smem:$0x3FFB];
	_ =	sdelay $0x3  }
0x93: {  	_ =	strace s4  }
0x94: {  	s4 =	sld [smem:$0x3FFC];
	_ =	sdelay $0x3  }
0x95: {  	_ =	strace s4  }
0x96: {  	s4 =	sld [smem:$0x3FFD];
	_ =	sdelay $0x3  }
0x97: {  	_ =	strace s4  }
0x98: {  	_ =	strace $0x8FFFFFFF  }
0x99: {  	s19 =	sld [smem:$0x3FDB];
	_ =	sdelay $0x1  }
0x9a: {  	s5 =	simm.s32 $_scs_section_size  }
0x9b: {  	s6 =	simm.s32 $_size__tile_overlayer_lowered;
	s7 =	simm.s32 $_tile_overlayer_lowered  }
0x9c: {  	s22 =	simm.s32 $0x1BFF;
	s21 =	sshll.u32 s7, $0x1;
	s4 =	sadd.s32 s5, s19  }
0x9d: {  	s8 =	simm.s32 $0x0;
	s20 =	sshll.u32 s6, $0x1;
	s6 =	sadd.s32 s21, s4  }
0x9e: {  	[timem:s8], [sflag:s22] =	dma.local [hbm:s6], s20  }
0x9f: {  	_ =	swait.ge [sflag:s22], s20  }
0xa0: {  	s5 =	ssub.s32 $0x0, s20;
	[sflag:s22] =	ssyncset.done $0x0  }
0xa1: {  	[sflag:s22] =	ssyncadd.s32 s5;
	_ =	sdelay $0x1  }
0xa2: {  	s23 =	simm.s32 $0x1B8B  }
0xa3: {  	_ =	swait.ge [sflag:s23], $0x1  }
0xa4: {  	[sflag:s23] =	ssyncset.done $0x0  }
0xa5: {  	s25 =	simm.s32 $0x1B8E;
	s24 =	sld [smem:$0x3FFE];
	[sflag:s23] =	ssyncadd.s32 $0xFFFFFFFF  }
0xa6: {  	s26 =	simm.s32 $execute0_lowered;
	[smem:$0x3FD2] =	sst s25  }
0xa7: {  	s6 =	sshll.u32 s26, $0x1;
	_ =	strace $0x80000046;
	[dreg:$0x1] =	wrdreg $0xFFFFFFFF  }
0xa8: {  	s28 =	simm.s32 $_size_execute0_lowered;
	s4 =	sadd.s32 s4, s6;
	[dreg:$0x0] =	wrdreg $0x0  }
0xa9: {  	s6 =	sshll.u32 s28, $0x1;
	[dreg:$0x2] =	wrdreg s4  }
0xaa: {  	[dreg:$0x3] =	wrdreg s6  }
0xab: {  	[dreg:$0x4] =	wrdreg $0xC0  }
0xac: {  	_ =	task [dreg:s8], $0x5FFFF  }
0xad: {  	[dreg:$0x1] =	wrdreg $0xFFFFFFFF  }
0xae: {  	[dreg:$0x0] =	wrdreg $0x60  }
0xaf: {  	[dreg:$0x2] =	wrdreg s2  }
0xb0: {  	[dreg:$0x3] =	wrdreg s18  }
0xb1: {  	[dreg:$0x4] =	wrdreg s24  }
0xb2: {  	[dreg:$0x5] =	wrdreg $0xC0000  }
0xb3: {  	[dreg:$0x6] =	wrdreg $0x9  }
0xb4: {  	_ =	task.clear_ibuf [dreg:s8], $0x7FFFF;
	_ =	strace $0x90000046  }
0xb5: {  	s29 =	simm.s32 $0x9;
	_ =	strace $0x80000048  }
0xb6: {  	_ =	swait.ge [sflag:s29], $0x1  }
0xb7: {  	[sflag:s29] =	ssyncadd.s32 $0xFFFFFFFF  }
0xb8: {  	_ =	strace $0x90000048  }
0xb9: {  	_ =	sfence  }
0xba: {  	s30 =	sld [smem:$0x0];
	_ =	sdelay $0x2  }
0xbb: {  	s31 =	sshll.u32 s1, $0xD;
	s1 =	sshrl.u32 s1, $0x2  }
0xbc: {  	s3 =	sand.u32 $0x4000, s31;
	s1 =	sadd.s32 s1, s30  }
0xbd: {  	s0 =	sor.u32 s3, s0;
	s1 =	sshll.u32 s1, $0x11  }
0xbe: {  	s0 =	sor.u32 s1, s0  }
0xbf: {  	s0 =	sadd.s32 $0x8F2B, s0  }
0xc0: {  	[sflag:s0] =	ssyncadd.remote.s32 $0x1  }
0xc1: {  	_ =	sfence.sel $0xFFFF  }
0xc2: {  	[dreg:$0x0] =	wrdreg $0xFFFFFFFF;
	(pc) =	sbr.abs _section_cstart, $3  }
0xc3: {  	[dreg:$0x1] =	wrdreg $0xFFFFFFFF  }
0xc4: {  	_ =	task.clear_ibuf [dreg:s8], $0x2FFFF;
	_ =	strace $0x9FFFFFFF  }
0xc5: {  	(tm) =	ssettm $0x7FFFFFFF  }
tec
execute0_lowered:
.L_overlay_start_1:
0x0: {  	(tag) =	ssettag $0x1  }
0x1: {  	s1 =	rddreg [dreg:$0x0]  }
0x2: {  	s0 =	rddreg [dreg:$0x1]  }
0x3: {  	s3 =	rddreg [dreg:$0x2]  }
0x4: {  	s2 =	rddreg [dreg:$0x3];
	s4 =	srdreg.scid  }
0x5: {  	s14 =	stileid.u32;
	s15 =	simm.s32 $0x1000;
	s16 =	simm.s32 $0x50  }
0x6: {  	s17 =	simm.s32 $0x2000;
	s18 =	simm.s32 $0x80;
	s19 =	simm.s32 $0x4800  }
0x7: {  	s28 =	simm.s32 $0x2;
	s29 =	simm.s32 $0x3;
	s30 =	simm.s32 $0x4  }
0x8: {  	s31 =	simm.s32 $0x1E00;
	s5 =	sand.u32 $0x1, s4;
	s7 =	smul.u32 $0x2780, s14  }
0x9: {  	s4 =	simm.s32 $0x0;
	s11 =	smul.u32 $0x4F000, s14;
	s6 =	sshll.u32 s5, $0x4  }
0xa: {  	[smem:$0x7FF] =	sst s4;
	s9 =	smul.u32 $0x27800, s5;
	s5 =	ssub.s32 $0x2, s5  }
0xb: {  	s6 =	sor.u32 s14, s6;
	_ =	strace $0x80000047;
	s12 =	sadd.s32 s7, s3  }
0xc: {  	s20 =	sshrl.u32 s5, $0x1;
	s11 =	sshrl.u32 s11, $0x2;
	s8 =	sshll.u32 s6, $0xB  }
0xd: {  	s6 =	sshll.u32 s6, $0x9;
	s13 =	ssub.s32 s5, s20;
	s11 =	sadd.s32 s11, s2  }
0xe: {  	s5 =	sshll.u32 s14, $0x6;
	s21 =	sadd.s32 $0x18A00, s12;
	s14 =	simm.s32 $0x6  }
0xf: {  	s20 =	simm.s32 $0x100;
	s10 =	sadd.s32 s8, s3;
	s6 =	sadd.s32 s6, s3  }
0x10: {  	s3 =	sadd.s32 s9, s3;
	[dreg:$0x5] =	wrdreg s21;
	s22 =	sor.u32 $0x1C05, s5  }
0x11: {  	s8 =	sadd.s32 s0, s8;
	s26 =	smax.u32 s13, $0x1;
	s13 =	sshrl.u32 s11, $0x3  }
0x12: {  	s21 =	simm.s32 $0x7000;
	s0 =	simm.s32 $0x1E80;
	[dreg:$0x6] =	wrdreg s22  }
0x13: {  	s9 =	sadd.s32 $0xA00, s10;
	s23 =	sadd.s32 $0x14A00, s6;
	s24 =	sadd.s32 $0x10A00, s6  }
0x14: {  	s25 =	sadd.s32 $0x40200, s3;
	[dreg:$0x9] =	wrdreg s26;
	s22 =	simm.s32 $0x180  }
0x15: {  	s26 =	simm.s32 $0x1;
	s3 =	simm.s32 $0x1F00;
	[dreg:$0x7] =	wrdreg s23  }
0x16: {  	s6 =	simm.s32 $0x1F80;
	[dreg:$0x8] =	wrdreg s24;
	s23 =	simm.s32 $0x9800  }
0x17: {  	s24 =	sadd.s32 s7, s25;
	s25 =	simm.s32 $0x5;
	s7 =	simm.s32 $0x0  }
.LBB2_1:
0x18: {  	s10 =	rddreg [dreg:$0x5]  }
0x19: {  	s11 =	rddreg [dreg:$0x6]  }
0x1a: {  	[spmem:s13], [sflag:s11] =	dma.local [hbm:s10], $0x2780  }
0x1b: {  	[tilespmem:s4], [sflag:$0x6] =	stream.linear.gather [hbm4b:s8+s4], $0x1000, $0x38;
	[tilespmem:$0x1FC00] =	vst v63  }
0x1c: {  	_ =	swait.ge [sflag:s14], $0x1000  }
0x1d: {  	[sflag:s14] =	ssyncset.done $0x0  }
0x1e: {  	[sflag:s14] =	ssyncadd.s32 $0xFFFFF000  }
0x1f: {  	[tilespmem:s15], [sflag:$0x6] =	stream.linear.gather [hbm4b:s9+s4], $0x1000, $0x38;
	[tilespmem:$0x1FC00] =	vst v63  }
0x20: {  	_ =	swait.ge [sflag:s14], $0x1000  }
0x21: {  	[sflag:s14] =	ssyncset.done $0x0  }
0x22: {  	[sflag:s14] =	ssyncadd.s32 $0xFFFFF000  }
0x23: {  	[tilespmem:s17], [sflag:$0x1] =	stream.indirect.gather [hbm4b:s1+s16], $0x80, s4, s16, $0xb8;
	[tilespmem:$0x1FC00] =	vst v63  }
0x24: {  	_ = 	snop  }
0x25: {  	[tilespmem:s19], [sflag:$0x2] =	stream.indirect.gather [hbm4b:s1+s16], $0x80, s18, s16, $0xb8;
	[tilespmem:$0x1FC00] =	vst v63  }
0x26: {  	_ = 	snop  }
0x27: {  	[tilespmem:s21], [sflag:$0x3] =	stream.indirect.gather [hbm4b:s1+s16], $0x80, s20, s16, $0xb8;
	[tilespmem:$0x1FC00] =	vst v63  }
0x28: {  	_ = 	snop  }
0x29: {  	[tilespmem:s23], [sflag:$0x4] =	stream.indirect.gather [hbm4b:s1+s16], $0x80, s22, s16, $0xb8;
	[tilespmem:$0x1FC00] =	vst v63  }
0x2a: {  	_ =	swait.ge [sflag:s25], $0x2780  }
0x2b: {  	[sflag:s25] =	ssyncset.done $0x0  }
0x2c: {  	[sflag:s25] =	ssyncadd.s32 $0xFFFFD880  }
0x2d: {  	[bflag:$0x0] =	sbarrier.arrive $0xFFFF  }
0x2e: {  	_ =	swait.ge [sflag:s26], $0x2800  }
0x2f: {  	[sflag:s26] =	ssyncset.done $0x0  }
0x30: {  	s12 =	simm.s32 $0x1000;
	[sflag:s26] =	ssyncadd.s32 $0xFFFFD800  }
0x31: {  	[spmem:s2] =	stream.indirect.scatter.add.f32 [tilespmem:s17], [sflag:$0x6], $0x80, s12, s16, $0xb8;
	[tilespmem:$0x1FC00] =	vst v63  }
0x32: {  	_ =	swait.ge [sflag:s14], $0x2800  }
0x33: {  	[sflag:s14] =	ssyncset.done $0x0  }
0x34: {  	s11 =	simm.s32 $0x200;
	[sflag:s14] =	ssyncadd.s32 $0xFFFFD800  }
0x35: {  	[tilespmem:s17], [sflag:$0x1] =	stream.indirect.gather [hbm4b:s1+s16], $0x80, s11, s16, $0xb8;
	[tilespmem:$0x1FC00] =	vst v63  }
0x36: {  	_ =	swait.ge [sflag:s28], $0x2800  }
0x37: {  	[sflag:s28] =	ssyncset.done $0x0  }
0x38: {  	s12 =	simm.s32 $0x1080;
	[sflag:s28] =	ssyncadd.s32 $0xFFFFD800  }
0x39: {  	[spmem:s2] =	stream.indirect.scatter.add.f32 [tilespmem:s19], [sflag:$0x6], $0x80, s12, s16, $0xb8;
	[tilespmem:$0x1FC00] =	vst v63  }
0x3a: {  	_ =	swait.ge [sflag:s14], $0x2800  }
0x3b: {  	[sflag:s14] =	ssyncset.done $0x0  }
0x3c: {  	s11 =	simm.s32 $0x280;
	[sflag:s14] =	ssyncadd.s32 $0xFFFFD800  }
0x3d: {  	[tilespmem:s19], [sflag:$0x2] =	stream.indirect.gather [hbm4b:s1+s16], $0x80, s11, s16, $0xb8;
	[tilespmem:$0x1FC00] =	vst v63  }
0x3e: {  	_ =	swait.ge [sflag:s29], $0x2800  }
0x3f: {  	[sflag:s29] =	ssyncset.done $0x0  }
0x40: {  	s12 =	simm.s32 $0x1100;
	[sflag:s29] =	ssyncadd.s32 $0xFFFFD800  }
0x41: {  	[spmem:s2] =	stream.indirect.scatter.add.f32 [tilespmem:s21], [sflag:$0x6], $0x80, s12, s16, $0xb8;
	[tilespmem:$0x1FC00] =	vst v63  }
0x42: {  	_ =	swait.ge [sflag:s14], $0x2800  }
0x43: {  	[sflag:s14] =	ssyncset.done $0x0  }
0x44: {  	s11 =	simm.s32 $0x300;
	[sflag:s14] =	ssyncadd.s32 $0xFFFFD800  }
0x45: {  	[tilespmem:s21], [sflag:$0x3] =	stream.indirect.gather [hbm4b:s1+s16], $0x80, s11, s16, $0xb8;
	[tilespmem:$0x1FC00] =	vst v63  }
0x46: {  	_ =	swait.ge [sflag:s30], $0x2800  }
0x47: {  	[sflag:s30] =	ssyncset.done $0x0  }
0x48: {  	s12 =	simm.s32 $0x1180;
	[sflag:s30] =	ssyncadd.s32 $0xFFFFD800  }
0x49: {  	[spmem:s2] =	stream.indirect.scatter.add.f32 [tilespmem:s23], [sflag:$0x6], $0x80, s12, s16, $0xb8;
	[tilespmem:$0x1FC00] =	vst v63  }
0x4a: {  	_ =	swait.ge [sflag:s14], $0x2800  }
0x4b: {  	[sflag:s14] =	ssyncset.done $0x0  }
0x4c: {  	s10 =	simm.s32 $0x800;
	s11 =	simm.s32 $0x380;
	[sflag:s14] =	ssyncadd.s32 $0xFFFFD800  }
.LBB2_2:
0x4d: {  	[tilespmem:s23], [sflag:$0x4] =	stream.indirect.gather [hbm4b:s1+s16], $0x80, s11, s16, $0xb8;
	[tilespmem:$0x1FC00] =	vst v63  }
0x4e: {  	s11 =	smov.u32 s10  }
0x4f: {  	p0 =	sne.s32 s10, $0x3000;
	s10 =	sadd.s32 $0x800, s10;
	_ =	swait.ge [sflag:s26], $0x2800  }
0x50: {  	s11 =	sshra.s32 s11, $0x2;
	[sflag:s26] =	ssyncset.done $0x0  }
0x51: {  	s12 =	sadd.s32 $0x1000, s11;
	[sflag:s26] =	ssyncadd.s32 $0xFFFFD800  }
0x52: {  	[spmem:s2] =	stream.indirect.scatter.add.f32 [tilespmem:s17], [sflag:$0x6], $0x80, s12, s16, $0xb8;
	[tilespmem:$0x1FC00] =	vst v63  }
0x53: {  	_ =	swait.ge [sflag:s14], $0x2800  }
0x54: {  	[sflag:s14] =	ssyncset.done $0x0  }
0x55: {  	s12 =	sadd.s32 $0x200, s11;
	[sflag:s14] =	ssyncadd.s32 $0xFFFFD800  }
0x56: {  	[tilespmem:s17], [sflag:$0x1] =	stream.indirect.gather [hbm4b:s1+s16], $0x80, s12, s16, $0xb8;
	[tilespmem:$0x1FC00] =	vst v63  }
0x57: {  	_ =	swait.ge [sflag:s28], $0x2800  }
0x58: {  	[sflag:s28] =	ssyncset.done $0x0  }
0x59: {  	s12 =	sadd.s32 $0x1080, s11;
	[sflag:s28] =	ssyncadd.s32 $0xFFFFD800  }
0x5a: {  	[spmem:s2] =	stream.indirect.scatter.add.f32 [tilespmem:s19], [sflag:$0x6], $0x80, s12, s16, $0xb8;
	[tilespmem:$0x1FC00] =	vst v63  }
0x5b: {  	_ =	swait.ge [sflag:s14], $0x2800  }
0x5c: {  	[sflag:s14] =	ssyncset.done $0x0  }
0x5d: {  	s12 =	sadd.s32 $0x280, s11;
	[sflag:s14] =	ssyncadd.s32 $0xFFFFD800  }
0x5e: {  	[tilespmem:s19], [sflag:$0x2] =	stream.indirect.gather [hbm4b:s1+s16], $0x80, s12, s16, $0xb8;
	[tilespmem:$0x1FC00] =	vst v63  }
0x5f: {  	_ =	swait.ge [sflag:s29], $0x2800  }
0x60: {  	[sflag:s29] =	ssyncset.done $0x0  }
0x61: {  	s12 =	sadd.s32 $0x1100, s11;
	[sflag:s29] =	ssyncadd.s32 $0xFFFFD800  }
0x62: {  	[spmem:s2] =	stream.indirect.scatter.add.f32 [tilespmem:s21], [sflag:$0x6], $0x80, s12, s16, $0xb8;
	[tilespmem:$0x1FC00] =	vst v63  }
0x63: {  	_ =	swait.ge [sflag:s14], $0x2800  }
0x64: {  	[sflag:s14] =	ssyncset.done $0x0  }
0x65: {  	s12 =	sadd.s32 $0x300, s11;
	[sflag:s14] =	ssyncadd.s32 $0xFFFFD800  }
0x66: {  	[tilespmem:s21], [sflag:$0x3] =	stream.indirect.gather [hbm4b:s1+s16], $0x80, s12, s16, $0xb8;
	[tilespmem:$0x1FC00] =	vst v63  }
0x67: {  	_ =	swait.ge [sflag:s30], $0x2800  }
0x68: {  	[sflag:s30] =	ssyncset.done $0x0  }
.Ltmp0:
0x69: {  	s12 =	sadd.s32 $0x1180, s11;
	[sflag:s30] =	ssyncadd.s32 $0xFFFFD800;
	(pc) =	sbr.rel @p0 .LBB2_2-.Ltmp0, $4  }
0x6a: {  	[spmem:s2] =	stream.indirect.scatter.add.f32 [tilespmem:s23], [sflag:$0x6], $0x80, s12, s16, $0xb8;
	[tilespmem:$0x1FC00] =	vst v63  }
0x6b: {  	_ =	swait.ge [sflag:s14], $0x2800  }
0x6c: {  	[sflag:s14] =	ssyncset.done $0x0  }
0x6d: {  	s11 =	sadd.s32 $0x380, s11;
	[sflag:s14] =	ssyncadd.s32 $0xFFFFD800  }
0x6e: {  	[tilespmem:s23], [sflag:$0x4] =	stream.indirect.gather [hbm4b:s1+s16], $0x80, s11, s16, $0xb8;
	[tilespmem:$0x1FC00] =	vst v63  }
0x6f: {  	_ =	swait.ge [sflag:s26], $0x2800  }
0x70: {  	[sflag:s26] =	ssyncset.done $0x0  }
0x71: {  	[sflag:s26] =	ssyncadd.s32 $0xFFFFD800  }
0x72: {  	[spmem:s2] =	stream.indirect.scatter.add.f32 [tilespmem:s17], [sflag:$0x6], $0x80, s31, s16, $0xb8;
	[tilespmem:$0x1FC00] =	vst v63  }
0x73: {  	_ =	swait.ge [sflag:s14], $0x2800  }
0x74: {  	[sflag:s14] =	ssyncset.done $0x0  }
0x75: {  	[sflag:s14] =	ssyncadd.s32 $0xFFFFD800  }
0x76: {  	_ =	swait.ge [sflag:s28], $0x2800  }
0x77: {  	[sflag:s28] =	ssyncset.done $0x0  }
0x78: {  	[sflag:s28] =	ssyncadd.s32 $0xFFFFD800  }
0x79: {  	[spmem:s2] =	stream.indirect.scatter.add.f32 [tilespmem:s19], [sflag:$0x6], $0x80, s0, s16, $0xb8;
	[tilespmem:$0x1FC00] =	vst v63  }
0x7a: {  	_ =	swait.ge [sflag:s14], $0x2800  }
0x7b: {  	[sflag:s14] =	ssyncset.done $0x0  }
0x7c: {  	[sflag:s14] =	ssyncadd.s32 $0xFFFFD800  }
0x7d: {  	_ =	swait.ge [sflag:s29], $0x2800  }
0x7e: {  	[sflag:s29] =	ssyncset.done $0x0  }
0x7f: {  	[sflag:s29] =	ssyncadd.s32 $0xFFFFD800  }
0x80: {  	[spmem:s2] =	stream.indirect.scatter.add.f32 [tilespmem:s21], [sflag:$0x6], $0x80, s3, s16, $0xb8;
	[tilespmem:$0x1FC00] =	vst v63  }
0x81: {  	_ =	swait.ge [sflag:s14], $0x2800  }
0x82: {  	[sflag:s14] =	ssyncset.done $0x0  }
0x83: {  	[sflag:s14] =	ssyncadd.s32 $0xFFFFD800  }
0x84: {  	_ =	swait.ge [sflag:s30], $0x2800  }
0x85: {  	[sflag:s30] =	ssyncset.done $0x0  }
0x86: {  	[sflag:s30] =	ssyncadd.s32 $0xFFFFD800  }
0x87: {  	[spmem:s2] =	stream.indirect.scatter.add.f32 [tilespmem:s23], [sflag:$0x6], $0x80, s6, s16, $0xb8;
	[tilespmem:$0x1FC00] =	vst v63  }
0x88: {  	_ =	swait.ge [sflag:s14], $0x2800  }
0x89: {  	[sflag:s14] =	ssyncset.done $0x0  }
0x8a: {  	s10 =	sadd.s32 $0x200, s8;
	s11 =	simm.s32 $0x0;
	[sflag:s14] =	ssyncadd.s32 $0xFFFFD800  }
0x8b: {  	[tilespmem:s11], [sflag:$0x6] =	stream.linear.gather [hbm4b:s10+s11], $0x1000, $0x38;
	[tilespmem:$0x1FC00] =	vst v63  }
0x8c: {  	_ =	swait.ge [sflag:s14], $0x1000  }
0x8d: {  	[sflag:s14] =	ssyncset.done $0x0  }
0x8e: {  	s12 =	sadd.s32 $0x200, s9;
	[sflag:s14] =	ssyncadd.s32 $0xFFFFF000  }
0x8f: {  	[tilespmem:s15], [sflag:$0x6] =	stream.linear.gather [hbm4b:s12+s11], $0x1000, $0x38;
	[tilespmem:$0x1FC00] =	vst v63  }
0x90: {  	_ =	swait.ge [sflag:s14], $0x1000  }
0x91: {  	[sflag:s14] =	ssyncset.done $0x0  }
0x92: {  	[sflag:s14] =	ssyncadd.s32 $0xFFFFF000  }
0x93: {  	[tilespmem:s17], [sflag:$0x1] =	stream.indirect.gather [hbm4b:s1+s16], $0x80, s11, s16, $0xb8;
	[tilespmem:$0x1FC00] =	vst v63  }
0x94: {  	_ = 	snop  }
0x95: {  	[tilespmem:s19], [sflag:$0x2] =	stream.indirect.gather [hbm4b:s1+s16], $0x80, s18, s16, $0xb8;
	[tilespmem:$0x1FC00] =	vst v63  }
0x96: {  	_ = 	snop  }
0x97: {  	[tilespmem:s21], [sflag:$0x3] =	stream.indirect.gather [hbm4b:s1+s16], $0x80, s20, s16, $0xb8;
	[tilespmem:$0x1FC00] =	vst v63  }
0x98: {  	_ = 	snop  }
0x99: {  	[tilespmem:s23], [sflag:$0x4] =	stream.indirect.gather [hbm4b:s1+s16], $0x80, s22, s16, $0xb8;
	[tilespmem:$0x1FC00] =	vst v63  }
0x9a: {  	_ =	swait.ge [sflag:s26], $0x2800  }
0x9b: {  	[sflag:s26] =	ssyncset.done $0x0  }
0x9c: {  	s12 =	simm.s32 $0x1000;
	[sflag:s26] =	ssyncadd.s32 $0xFFFFD800  }
0x9d: {  	[spmem:s2] =	stream.indirect.scatter.add.f32 [tilespmem:s17], [sflag:$0x6], $0x80, s12, s16, $0xb8;
	[tilespmem:$0x1FC00] =	vst v63  }
0x9e: {  	_ =	swait.ge [sflag:s14], $0x2800  }
0x9f: {  	[sflag:s14] =	ssyncset.done $0x0  }
0xa0: {  	s11 =	simm.s32 $0x200;
	[sflag:s14] =	ssyncadd.s32 $0xFFFFD800  }
0xa1: {  	[tilespmem:s17], [sflag:$0x1] =	stream.indirect.gather [hbm4b:s1+s16], $0x80, s11, s16, $0xb8;
	[tilespmem:$0x1FC00] =	vst v63  }
0xa2: {  	_ =	swait.ge [sflag:s28], $0x2800  }
0xa3: {  	[sflag:s28] =	ssyncset.done $0x0  }
0xa4: {  	s12 =	simm.s32 $0x1080;
	[sflag:s28] =	ssyncadd.s32 $0xFFFFD800  }
0xa5: {  	[spmem:s2] =	stream.indirect.scatter.add.f32 [tilespmem:s19], [sflag:$0x6], $0x80, s12, s16, $0xb8;
	[tilespmem:$0x1FC00] =	vst v63  }
0xa6: {  	_ =	swait.ge [sflag:s14], $0x2800  }
0xa7: {  	[sflag:s14] =	ssyncset.done $0x0  }
0xa8: {  	s11 =	simm.s32 $0x280;
	[sflag:s14] =	ssyncadd.s32 $0xFFFFD800  }
0xa9: {  	[tilespmem:s19], [sflag:$0x2] =	stream.indirect.gather [hbm4b:s1+s16], $0x80, s11, s16, $0xb8;
	[tilespmem:$0x1FC00] =	vst v63  }
0xaa: {  	_ =	swait.ge [sflag:s29], $0x2800  }
0xab: {  	[sflag:s29] =	ssyncset.done $0x0  }
0xac: {  	s12 =	simm.s32 $0x1100;
	[sflag:s29] =	ssyncadd.s32 $0xFFFFD800  }
0xad: {  	[spmem:s2] =	stream.indirect.scatter.add.f32 [tilespmem:s21], [sflag:$0x6], $0x80, s12, s16, $0xb8;
	[tilespmem:$0x1FC00] =	vst v63  }
0xae: {  	_ =	swait.ge [sflag:s14], $0x2800  }
0xaf: {  	[sflag:s14] =	ssyncset.done $0x0  }
0xb0: {  	s11 =	simm.s32 $0x300;
	[sflag:s14] =	ssyncadd.s32 $0xFFFFD800  }
0xb1: {  	[tilespmem:s21], [sflag:$0x3] =	stream.indirect.gather [hbm4b:s1+s16], $0x80, s11, s16, $0xb8;
	[tilespmem:$0x1FC00] =	vst v63  }
0xb2: {  	_ =	swait.ge [sflag:s30], $0x2800  }
0xb3: {  	[sflag:s30] =	ssyncset.done $0x0  }
0xb4: {  	s12 =	simm.s32 $0x1180;
	[sflag:s30] =	ssyncadd.s32 $0xFFFFD800  }
0xb5: {  	[spmem:s2] =	stream.indirect.scatter.add.f32 [tilespmem:s23], [sflag:$0x6], $0x80, s12, s16, $0xb8;
	[tilespmem:$0x1FC00] =	vst v63  }
0xb6: {  	_ =	swait.ge [sflag:s14], $0x2800  }
0xb7: {  	[sflag:s14] =	ssyncset.done $0x0  }
0xb8: {  	s10 =	simm.s32 $0x800;
	s11 =	simm.s32 $0x380;
	[sflag:s14] =	ssyncadd.s32 $0xFFFFD800  }
.LBB2_4:
0xb9: {  	[tilespmem:s23], [sflag:$0x4] =	stream.indirect.gather [hbm4b:s1+s16], $0x80, s11, s16, $0xb8;
	[tilespmem:$0x1FC00] =	vst v63  }
0xba: {  	s11 =	smov.u32 s10  }
0xbb: {  	p0 =	sne.s32 s10, $0x3000;
	s10 =	sadd.s32 $0x800, s10;
	_ =	swait.ge [sflag:s26], $0x2800  }
0xbc: {  	s11 =	sshra.s32 s11, $0x2;
	[sflag:s26] =	ssyncset.done $0x0  }
0xbd: {  	s12 =	sadd.s32 $0x1000, s11;
	[sflag:s26] =	ssyncadd.s32 $0xFFFFD800  }
0xbe: {  	[spmem:s2] =	stream.indirect.scatter.add.f32 [tilespmem:s17], [sflag:$0x6], $0x80, s12, s16, $0xb8;
	[tilespmem:$0x1FC00] =	vst v63  }
0xbf: {  	_ =	swait.ge [sflag:s14], $0x2800  }
0xc0: {  	[sflag:s14] =	ssyncset.done $0x0  }
0xc1: {  	s12 =	sadd.s32 $0x200, s11;
	[sflag:s14] =	ssyncadd.s32 $0xFFFFD800  }
0xc2: {  	[tilespmem:s17], [sflag:$0x1] =	stream.indirect.gather [hbm4b:s1+s16], $0x80, s12, s16, $0xb8;
	[tilespmem:$0x1FC00] =	vst v63  }
0xc3: {  	_ =	swait.ge [sflag:s28], $0x2800  }
0xc4: {  	[sflag:s28] =	ssyncset.done $0x0  }
0xc5: {  	s12 =	sadd.s32 $0x1080, s11;
	[sflag:s28] =	ssyncadd.s32 $0xFFFFD800  }
0xc6: {  	[spmem:s2] =	stream.indirect.scatter.add.f32 [tilespmem:s19], [sflag:$0x6], $0x80, s12, s16, $0xb8;
	[tilespmem:$0x1FC00] =	vst v63  }
0xc7: {  	_ =	swait.ge [sflag:s14], $0x2800  }
0xc8: {  	[sflag:s14] =	ssyncset.done $0x0  }
0xc9: {  	s12 =	sadd.s32 $0x280, s11;
	[sflag:s14] =	ssyncadd.s32 $0xFFFFD800  }
0xca: {  	[tilespmem:s19], [sflag:$0x2] =	stream.indirect.gather [hbm4b:s1+s16], $0x80, s12, s16, $0xb8;
	[tilespmem:$0x1FC00] =	vst v63  }
0xcb: {  	_ =	swait.ge [sflag:s29], $0x2800  }
0xcc: {  	[sflag:s29] =	ssyncset.done $0x0  }
0xcd: {  	s12 =	sadd.s32 $0x1100, s11;
	[sflag:s29] =	ssyncadd.s32 $0xFFFFD800  }
0xce: {  	[spmem:s2] =	stream.indirect.scatter.add.f32 [tilespmem:s21], [sflag:$0x6], $0x80, s12, s16, $0xb8;
	[tilespmem:$0x1FC00] =	vst v63  }
0xcf: {  	_ =	swait.ge [sflag:s14], $0x2800  }
0xd0: {  	[sflag:s14] =	ssyncset.done $0x0  }
0xd1: {  	s12 =	sadd.s32 $0x300, s11;
	[sflag:s14] =	ssyncadd.s32 $0xFFFFD800  }
0xd2: {  	[tilespmem:s21], [sflag:$0x3] =	stream.indirect.gather [hbm4b:s1+s16], $0x80, s12, s16, $0xb8;
	[tilespmem:$0x1FC00] =	vst v63  }
0xd3: {  	_ =	swait.ge [sflag:s30], $0x2800  }
0xd4: {  	[sflag:s30] =	ssyncset.done $0x0  }
.Ltmp1:
0xd5: {  	s12 =	sadd.s32 $0x1180, s11;
	[sflag:s30] =	ssyncadd.s32 $0xFFFFD800;
	(pc) =	sbr.rel @p0 .LBB2_4-.Ltmp1, $4  }
0xd6: {  	[spmem:s2] =	stream.indirect.scatter.add.f32 [tilespmem:s23], [sflag:$0x6], $0x80, s12, s16, $0xb8;
	[tilespmem:$0x1FC00] =	vst v63  }
0xd7: {  	_ =	swait.ge [sflag:s14], $0x2800  }
0xd8: {  	[sflag:s14] =	ssyncset.done $0x0  }
0xd9: {  	s11 =	sadd.s32 $0x380, s11;
	[sflag:s14] =	ssyncadd.s32 $0xFFFFD800  }
0xda: {  	[tilespmem:s23], [sflag:$0x4] =	stream.indirect.gather [hbm4b:s1+s16], $0x80, s11, s16, $0xb8;
	[tilespmem:$0x1FC00] =	vst v63  }
0xdb: {  	_ =	swait.ge [sflag:s26], $0x2800  }
0xdc: {  	[sflag:s26] =	ssyncset.done $0x0  }
0xdd: {  	[sflag:s26] =	ssyncadd.s32 $0xFFFFD800  }
0xde: {  	[spmem:s2] =	stream.indirect.scatter.add.f32 [tilespmem:s17], [sflag:$0x6], $0x80, s31, s16, $0xb8;
	[tilespmem:$0x1FC00] =	vst v63  }
0xdf: {  	_ =	swait.ge [sflag:s14], $0x2800  }
0xe0: {  	[sflag:s14] =	ssyncset.done $0x0  }
0xe1: {  	[sflag:s14] =	ssyncadd.s32 $0xFFFFD800  }
0xe2: {  	_ =	swait.ge [sflag:s28], $0x2800  }
0xe3: {  	[sflag:s28] =	ssyncset.done $0x0  }
0xe4: {  	[sflag:s28] =	ssyncadd.s32 $0xFFFFD800  }
0xe5: {  	[spmem:s2] =	stream.indirect.scatter.add.f32 [tilespmem:s19], [sflag:$0x6], $0x80, s0, s16, $0xb8;
	[tilespmem:$0x1FC00] =	vst v63  }
0xe6: {  	_ =	swait.ge [sflag:s14], $0x2800  }
0xe7: {  	[sflag:s14] =	ssyncset.done $0x0  }
0xe8: {  	[sflag:s14] =	ssyncadd.s32 $0xFFFFD800  }
0xe9: {  	_ =	swait.ge [sflag:s29], $0x2800  }
0xea: {  	[sflag:s29] =	ssyncset.done $0x0  }
0xeb: {  	[sflag:s29] =	ssyncadd.s32 $0xFFFFD800  }
0xec: {  	[spmem:s2] =	stream.indirect.scatter.add.f32 [tilespmem:s21], [sflag:$0x6], $0x80, s3, s16, $0xb8;
	[tilespmem:$0x1FC00] =	vst v63  }
0xed: {  	_ =	swait.ge [sflag:s14], $0x2800  }
0xee: {  	[sflag:s14] =	ssyncset.done $0x0  }
0xef: {  	[sflag:s14] =	ssyncadd.s32 $0xFFFFD800  }
0xf0: {  	_ =	swait.ge [sflag:s30], $0x2800  }
0xf1: {  	[sflag:s30] =	ssyncset.done $0x0  }
0xf2: {  	[sflag:s30] =	ssyncadd.s32 $0xFFFFD800  }
0xf3: {  	[spmem:s2] =	stream.indirect.scatter.add.f32 [tilespmem:s23], [sflag:$0x6], $0x80, s6, s16, $0xb8;
	[tilespmem:$0x1FC00] =	vst v63  }
0xf4: {  	_ =	swait.ge [sflag:s14], $0x2800  }
0xf5: {  	[sflag:s14] =	ssyncset.done $0x0  }
0xf6: {  	s10 =	sadd.s32 $0x400, s8;
	s11 =	simm.s32 $0x0;
	[sflag:s14] =	ssyncadd.s32 $0xFFFFD800  }
0xf7: {  	[tilespmem:s11], [sflag:$0x6] =	stream.linear.gather [hbm4b:s10+s11], $0x1000, $0x38;
	[tilespmem:$0x1FC00] =	vst v63  }
0xf8: {  	_ =	swait.ge [sflag:s14], $0x1000  }
0xf9: {  	[sflag:s14] =	ssyncset.done $0x0  }
0xfa: {  	s12 =	sadd.s32 $0x400, s9;
	[sflag:s14] =	ssyncadd.s32 $0xFFFFF000  }
0xfb: {  	[tilespmem:s15], [sflag:$0x6] =	stream.linear.gather [hbm4b:s12+s11], $0x1000, $0x38;
	[tilespmem:$0x1FC00] =	vst v63  }
0xfc: {  	_ =	swait.ge [sflag:s14], $0x1000  }
0xfd: {  	[sflag:s14] =	ssyncset.done $0x0  }
0xfe: {  	[sflag:s14] =	ssyncadd.s32 $0xFFFFF000  }
0xff: {  	[tilespmem:s17], [sflag:$0x1] =	stream.indirect.gather [hbm4b:s1+s16], $0x80, s11, s16, $0xb8;
	[tilespmem:$0x1FC00] =	vst v63  }
0x100: {  	_ = 	snop  }
0x101: {  	[tilespmem:s19], [sflag:$0x2] =	stream.indirect.gather [hbm4b:s1+s16], $0x80, s18, s16, $0xb8;
	[tilespmem:$0x1FC00] =	vst v63  }
0x102: {  	_ = 	snop  }
0x103: {  	[tilespmem:s21], [sflag:$0x3] =	stream.indirect.gather [hbm4b:s1+s16], $0x80, s20, s16, $0xb8;
	[tilespmem:$0x1FC00] =	vst v63  }
0x104: {  	_ = 	snop  }
0x105: {  	[tilespmem:s23], [sflag:$0x4] =	stream.indirect.gather [hbm4b:s1+s16], $0x80, s22, s16, $0xb8;
	[tilespmem:$0x1FC00] =	vst v63  }
0x106: {  	_ =	swait.ge [sflag:s26], $0x2800  }
0x107: {  	[sflag:s26] =	ssyncset.done $0x0  }
0x108: {  	s12 =	simm.s32 $0x1000;
	[sflag:s26] =	ssyncadd.s32 $0xFFFFD800  }
0x109: {  	[spmem:s2] =	stream.indirect.scatter.add.f32 [tilespmem:s17], [sflag:$0x6], $0x80, s12, s16, $0xb8;
	[tilespmem:$0x1FC00] =	vst v63  }
0x10a: {  	_ =	swait.ge [sflag:s14], $0x2800  }
0x10b: {  	[sflag:s14] =	ssyncset.done $0x0  }
0x10c: {  	s11 =	simm.s32 $0x200;
	[sflag:s14] =	ssyncadd.s32 $0xFFFFD800  }
0x10d: {  	[tilespmem:s17], [sflag:$0x1] =	stream.indirect.gather [hbm4b:s1+s16], $0x80, s11, s16, $0xb8;
	[tilespmem:$0x1FC00] =	vst v63  }
0x10e: {  	_ =	swait.ge [sflag:s28], $0x2800  }
0x10f: {  	[sflag:s28] =	ssyncset.done $0x0  }
0x110: {  	s12 =	simm.s32 $0x1080;
	[sflag:s28] =	ssyncadd.s32 $0xFFFFD800  }
0x111: {  	[spmem:s2] =	stream.indirect.scatter.add.f32 [tilespmem:s19], [sflag:$0x6], $0x80, s12, s16, $0xb8;
	[tilespmem:$0x1FC00] =	vst v63  }
0x112: {  	_ =	swait.ge [sflag:s14], $0x2800  }
0x113: {  	[sflag:s14] =	ssyncset.done $0x0  }
0x114: {  	s11 =	simm.s32 $0x280;
	[sflag:s14] =	ssyncadd.s32 $0xFFFFD800  }
0x115: {  	[tilespmem:s19], [sflag:$0x2] =	stream.indirect.gather [hbm4b:s1+s16], $0x80, s11, s16, $0xb8;
	[tilespmem:$0x1FC00] =	vst v63  }
0x116: {  	_ =	swait.ge [sflag:s29], $0x2800  }
0x117: {  	[sflag:s29] =	ssyncset.done $0x0  }
0x118: {  	s12 =	simm.s32 $0x1100;
	[sflag:s29] =	ssyncadd.s32 $0xFFFFD800  }
0x119: {  	[spmem:s2] =	stream.indirect.scatter.add.f32 [tilespmem:s21], [sflag:$0x6], $0x80, s12, s16, $0xb8;
	[tilespmem:$0x1FC00] =	vst v63  }
0x11a: {  	_ =	swait.ge [sflag:s14], $0x2800  }
0x11b: {  	[sflag:s14] =	ssyncset.done $0x0  }
0x11c: {  	s11 =	simm.s32 $0x300;
	[sflag:s14] =	ssyncadd.s32 $0xFFFFD800  }
0x11d: {  	[tilespmem:s21], [sflag:$0x3] =	stream.indirect.gather [hbm4b:s1+s16], $0x80, s11, s16, $0xb8;
	[tilespmem:$0x1FC00] =	vst v63  }
0x11e: {  	_ =	swait.ge [sflag:s30], $0x2800  }
0x11f: {  	[sflag:s30] =	ssyncset.done $0x0  }
0x120: {  	s12 =	simm.s32 $0x1180;
	[sflag:s30] =	ssyncadd.s32 $0xFFFFD800  }
0x121: {  	[spmem:s2] =	stream.indirect.scatter.add.f32 [tilespmem:s23], [sflag:$0x6], $0x80, s12, s16, $0xb8;
	[tilespmem:$0x1FC00] =	vst v63  }
0x122: {  	_ =	swait.ge [sflag:s14], $0x2800  }
0x123: {  	[sflag:s14] =	ssyncset.done $0x0  }
0x124: {  	s10 =	simm.s32 $0x800;
	s11 =	simm.s32 $0x380;
	[sflag:s14] =	ssyncadd.s32 $0xFFFFD800  }
.LBB2_6:
0x125: {  	[tilespmem:s23], [sflag:$0x4] =	stream.indirect.gather [hbm4b:s1+s16], $0x80, s11, s16, $0xb8;
	[tilespmem:$0x1FC00] =	vst v63  }
0x126: {  	s11 =	smov.u32 s10  }
0x127: {  	p0 =	sne.s32 s10, $0x3000;
	s10 =	sadd.s32 $0x800, s10;
	_ =	swait.ge [sflag:s26], $0x2800  }
0x128: {  	s11 =	sshra.s32 s11, $0x2;
	[sflag:s26] =	ssyncset.done $0x0  }
0x129: {  	s12 =	sadd.s32 $0x1000, s11;
	[sflag:s26] =	ssyncadd.s32 $0xFFFFD800  }
0x12a: {  	[spmem:s2] =	stream.indirect.scatter.add.f32 [tilespmem:s17], [sflag:$0x6], $0x80, s12, s16, $0xb8;
	[tilespmem:$0x1FC00] =	vst v63  }
0x12b: {  	_ =	swait.ge [sflag:s14], $0x2800  }
0x12c: {  	[sflag:s14] =	ssyncset.done $0x0  }
0x12d: {  	s12 =	sadd.s32 $0x200, s11;
	[sflag:s14] =	ssyncadd.s32 $0xFFFFD800  }
0x12e: {  	[tilespmem:s17], [sflag:$0x1] =	stream.indirect.gather [hbm4b:s1+s16], $0x80, s12, s16, $0xb8;
	[tilespmem:$0x1FC00] =	vst v63  }
0x12f: {  	_ =	swait.ge [sflag:s28], $0x2800  }
0x130: {  	[sflag:s28] =	ssyncset.done $0x0  }
0x131: {  	s12 =	sadd.s32 $0x1080, s11;
	[sflag:s28] =	ssyncadd.s32 $0xFFFFD800  }
0x132: {  	[spmem:s2] =	stream.indirect.scatter.add.f32 [tilespmem:s19], [sflag:$0x6], $0x80, s12, s16, $0xb8;
	[tilespmem:$0x1FC00] =	vst v63  }
0x133: {  	_ =	swait.ge [sflag:s14], $0x2800  }
0x134: {  	[sflag:s14] =	ssyncset.done $0x0  }
0x135: {  	s12 =	sadd.s32 $0x280, s11;
	[sflag:s14] =	ssyncadd.s32 $0xFFFFD800  }
0x136: {  	[tilespmem:s19], [sflag:$0x2] =	stream.indirect.gather [hbm4b:s1+s16], $0x80, s12, s16, $0xb8;
	[tilespmem:$0x1FC00] =	vst v63  }
0x137: {  	_ =	swait.ge [sflag:s29], $0x2800  }
0x138: {  	[sflag:s29] =	ssyncset.done $0x0  }
0x139: {  	s12 =	sadd.s32 $0x1100, s11;
	[sflag:s29] =	ssyncadd.s32 $0xFFFFD800  }
0x13a: {  	[spmem:s2] =	stream.indirect.scatter.add.f32 [tilespmem:s21], [sflag:$0x6], $0x80, s12, s16, $0xb8;
	[tilespmem:$0x1FC00] =	vst v63  }
0x13b: {  	_ =	swait.ge [sflag:s14], $0x2800  }
0x13c: {  	[sflag:s14] =	ssyncset.done $0x0  }
0x13d: {  	s12 =	sadd.s32 $0x300, s11;
	[sflag:s14] =	ssyncadd.s32 $0xFFFFD800  }
0x13e: {  	[tilespmem:s21], [sflag:$0x3] =	stream.indirect.gather [hbm4b:s1+s16], $0x80, s12, s16, $0xb8;
	[tilespmem:$0x1FC00] =	vst v63  }
0x13f: {  	_ =	swait.ge [sflag:s30], $0x2800  }
0x140: {  	[sflag:s30] =	ssyncset.done $0x0  }
.Ltmp2:
0x141: {  	s12 =	sadd.s32 $0x1180, s11;
	[sflag:s30] =	ssyncadd.s32 $0xFFFFD800;
	(pc) =	sbr.rel @p0 .LBB2_6-.Ltmp2, $4  }
0x142: {  	[spmem:s2] =	stream.indirect.scatter.add.f32 [tilespmem:s23], [sflag:$0x6], $0x80, s12, s16, $0xb8;
	[tilespmem:$0x1FC00] =	vst v63  }
0x143: {  	_ =	swait.ge [sflag:s14], $0x2800  }
0x144: {  	[sflag:s14] =	ssyncset.done $0x0  }
0x145: {  	s11 =	sadd.s32 $0x380, s11;
	[sflag:s14] =	ssyncadd.s32 $0xFFFFD800  }
0x146: {  	[tilespmem:s23], [sflag:$0x4] =	stream.indirect.gather [hbm4b:s1+s16], $0x80, s11, s16, $0xb8;
	[tilespmem:$0x1FC00] =	vst v63  }
0x147: {  	_ =	swait.ge [sflag:s26], $0x2800  }
0x148: {  	[sflag:s26] =	ssyncset.done $0x0  }
0x149: {  	[sflag:s26] =	ssyncadd.s32 $0xFFFFD800  }
0x14a: {  	[spmem:s2] =	stream.indirect.scatter.add.f32 [tilespmem:s17], [sflag:$0x6], $0x80, s31, s16, $0xb8;
	[tilespmem:$0x1FC00] =	vst v63  }
0x14b: {  	_ =	swait.ge [sflag:s14], $0x2800  }
0x14c: {  	[sflag:s14] =	ssyncset.done $0x0  }
0x14d: {  	[sflag:s14] =	ssyncadd.s32 $0xFFFFD800  }
0x14e: {  	_ =	swait.ge [sflag:s28], $0x2800  }
0x14f: {  	[sflag:s28] =	ssyncset.done $0x0  }
0x150: {  	[sflag:s28] =	ssyncadd.s32 $0xFFFFD800  }
0x151: {  	[spmem:s2] =	stream.indirect.scatter.add.f32 [tilespmem:s19], [sflag:$0x6], $0x80, s0, s16, $0xb8;
	[tilespmem:$0x1FC00] =	vst v63  }
0x152: {  	_ =	swait.ge [sflag:s14], $0x2800  }
0x153: {  	[sflag:s14] =	ssyncset.done $0x0  }
0x154: {  	[sflag:s14] =	ssyncadd.s32 $0xFFFFD800  }
0x155: {  	_ =	swait.ge [sflag:s29], $0x2800  }
0x156: {  	[sflag:s29] =	ssyncset.done $0x0  }
0x157: {  	[sflag:s29] =	ssyncadd.s32 $0xFFFFD800  }
0x158: {  	[spmem:s2] =	stream.indirect.scatter.add.f32 [tilespmem:s21], [sflag:$0x6], $0x80, s3, s16, $0xb8;
	[tilespmem:$0x1FC00] =	vst v63  }
0x159: {  	_ =	swait.ge [sflag:s14], $0x2800  }
0x15a: {  	[sflag:s14] =	ssyncset.done $0x0  }
0x15b: {  	[sflag:s14] =	ssyncadd.s32 $0xFFFFD800  }
0x15c: {  	_ =	swait.ge [sflag:s30], $0x2800  }
0x15d: {  	[sflag:s30] =	ssyncset.done $0x0  }
0x15e: {  	[sflag:s30] =	ssyncadd.s32 $0xFFFFD800  }
0x15f: {  	[spmem:s2] =	stream.indirect.scatter.add.f32 [tilespmem:s23], [sflag:$0x6], $0x80, s6, s16, $0xb8;
	[tilespmem:$0x1FC00] =	vst v63  }
0x160: {  	_ =	swait.ge [sflag:s14], $0x2800  }
0x161: {  	[sflag:s14] =	ssyncset.done $0x0  }
0x162: {  	s10 =	simm.s32 $0x0;
	s12 =	rddreg [dreg:$0x7];
	[sflag:s14] =	ssyncadd.s32 $0xFFFFD800  }
0x163: {  	[tilespmem:s10], [sflag:$0x6] =	stream.linear.gather [hbm4b:s12+s10], $0x1000, $0x38;
	[tilespmem:$0x1FC00] =	vst v63  }
0x164: {  	_ =	swait.ge [sflag:s14], $0x1000  }
0x165: {  	[sflag:s14] =	ssyncset.done $0x0  }
0x166: {  	s12 =	rddreg [dreg:$0x8];
	[sflag:s14] =	ssyncadd.s32 $0xFFFFF000  }
0x167: {  	[tilespmem:s15], [sflag:$0x6] =	stream.linear.gather [hbm4b:s12+s10], $0x1000, $0x38;
	[tilespmem:$0x1FC00] =	vst v63  }
0x168: {  	_ =	swait.ge [sflag:s14], $0x1000  }
0x169: {  	[sflag:s14] =	ssyncset.done $0x0  }
0x16a: {  	[sflag:s14] =	ssyncadd.s32 $0xFFFFF000  }
0x16b: {  	[tilespmem:s17], [sflag:$0x1] =	stream.indirect.gather [hbm4b:s1+s16], $0x80, s10, s16, $0xb8;
	[tilespmem:$0x1FC00] =	vst v63  }
0x16c: {  	_ = 	snop  }
0x16d: {  	[tilespmem:s19], [sflag:$0x2] =	stream.indirect.gather [hbm4b:s1+s16], $0x80, s18, s16, $0xb8;
	[tilespmem:$0x1FC00] =	vst v63  }
0x16e: {  	_ = 	snop  }
0x16f: {  	[tilespmem:s21], [sflag:$0x3] =	stream.indirect.gather [hbm4b:s1+s16], $0x80, s20, s16, $0xb8;
	[tilespmem:$0x1FC00] =	vst v63  }
0x170: {  	_ = 	snop  }
0x171: {  	[tilespmem:s23], [sflag:$0x4] =	stream.indirect.gather [hbm4b:s1+s16], $0x80, s22, s16, $0xb8;
	[tilespmem:$0x1FC00] =	vst v63  }
0x172: {  	_ =	swait.ge [sflag:s26], $0x2800  }
0x173: {  	[sflag:s26] =	ssyncset.done $0x0  }
0x174: {  	s12 =	simm.s32 $0x1000;
	[sflag:s26] =	ssyncadd.s32 $0xFFFFD800  }
0x175: {  	[spmem:s2] =	stream.indirect.scatter.add.f32 [tilespmem:s17], [sflag:$0x6], $0x80, s12, s16, $0xb8;
	[tilespmem:$0x1FC00] =	vst v63  }
0x176: {  	_ =	swait.ge [sflag:s14], $0x2800  }
0x177: {  	[sflag:s14] =	ssyncset.done $0x0  }
0x178: {  	s11 =	simm.s32 $0x200;
	[sflag:s14] =	ssyncadd.s32 $0xFFFFD800  }
0x179: {  	[tilespmem:s17], [sflag:$0x1] =	stream.indirect.gather [hbm4b:s1+s16], $0x80, s11, s16, $0xb8;
	[tilespmem:$0x1FC00] =	vst v63  }
0x17a: {  	_ =	swait.ge [sflag:s28], $0x2800  }
0x17b: {  	[sflag:s28] =	ssyncset.done $0x0  }
0x17c: {  	s12 =	simm.s32 $0x1080;
	[sflag:s28] =	ssyncadd.s32 $0xFFFFD800  }
0x17d: {  	[spmem:s2] =	stream.indirect.scatter.add.f32 [tilespmem:s19], [sflag:$0x6], $0x80, s12, s16, $0xb8;
	[tilespmem:$0x1FC00] =	vst v63  }
0x17e: {  	_ =	swait.ge [sflag:s14], $0x2800  }
0x17f: {  	[sflag:s14] =	ssyncset.done $0x0  }
0x180: {  	s11 =	simm.s32 $0x280;
	[sflag:s14] =	ssyncadd.s32 $0xFFFFD800  }
0x181: {  	[tilespmem:s19], [sflag:$0x2] =	stream.indirect.gather [hbm4b:s1+s16], $0x80, s11, s16, $0xb8;
	[tilespmem:$0x1FC00] =	vst v63  }
0x182: {  	_ =	swait.ge [sflag:s29], $0x2800  }
0x183: {  	[sflag:s29] =	ssyncset.done $0x0  }
0x184: {  	s12 =	simm.s32 $0x1100;
	[sflag:s29] =	ssyncadd.s32 $0xFFFFD800  }
0x185: {  	[spmem:s2] =	stream.indirect.scatter.add.f32 [tilespmem:s21], [sflag:$0x6], $0x80, s12, s16, $0xb8;
	[tilespmem:$0x1FC00] =	vst v63  }
0x186: {  	_ =	swait.ge [sflag:s14], $0x2800  }
0x187: {  	[sflag:s14] =	ssyncset.done $0x0  }
0x188: {  	s11 =	simm.s32 $0x300;
	[sflag:s14] =	ssyncadd.s32 $0xFFFFD800  }
0x189: {  	[tilespmem:s21], [sflag:$0x3] =	stream.indirect.gather [hbm4b:s1+s16], $0x80, s11, s16, $0xb8;
	[tilespmem:$0x1FC00] =	vst v63  }
0x18a: {  	_ =	swait.ge [sflag:s30], $0x2800  }
0x18b: {  	[sflag:s30] =	ssyncset.done $0x0  }
0x18c: {  	s12 =	simm.s32 $0x1180;
	[sflag:s30] =	ssyncadd.s32 $0xFFFFD800  }
0x18d: {  	[spmem:s2] =	stream.indirect.scatter.add.f32 [tilespmem:s23], [sflag:$0x6], $0x80, s12, s16, $0xb8;
	[tilespmem:$0x1FC00] =	vst v63  }
0x18e: {  	_ =	swait.ge [sflag:s14], $0x2800  }
0x18f: {  	[sflag:s14] =	ssyncset.done $0x0  }
0x190: {  	s10 =	simm.s32 $0x800;
	s11 =	simm.s32 $0x380;
	[sflag:s14] =	ssyncadd.s32 $0xFFFFD800  }
.LBB2_8:
0x191: {  	[tilespmem:s23], [sflag:$0x4] =	stream.indirect.gather [hbm4b:s1+s16], $0x80, s11, s16, $0xb8;
	[tilespmem:$0x1FC00] =	vst v63  }
0x192: {  	s11 =	smov.u32 s10  }
0x193: {  	p0 =	sne.s32 s10, $0x3000;
	s10 =	sadd.s32 $0x800, s10;
	_ =	swait.ge [sflag:s26], $0x2800  }
0x194: {  	s11 =	sshra.s32 s11, $0x2;
	[sflag:s26] =	ssyncset.done $0x0  }
0x195: {  	s12 =	sadd.s32 $0x1000, s11;
	[sflag:s26] =	ssyncadd.s32 $0xFFFFD800  }
0x196: {  	[spmem:s2] =	stream.indirect.scatter.add.f32 [tilespmem:s17], [sflag:$0x6], $0x80, s12, s16, $0xb8;
	[tilespmem:$0x1FC00] =	vst v63  }
0x197: {  	_ =	swait.ge [sflag:s14], $0x2800  }
0x198: {  	[sflag:s14] =	ssyncset.done $0x0  }
0x199: {  	s12 =	sadd.s32 $0x200, s11;
	[sflag:s14] =	ssyncadd.s32 $0xFFFFD800  }
0x19a: {  	[tilespmem:s17], [sflag:$0x1] =	stream.indirect.gather [hbm4b:s1+s16], $0x80, s12, s16, $0xb8;
	[tilespmem:$0x1FC00] =	vst v63  }
0x19b: {  	_ =	swait.ge [sflag:s28], $0x2800  }
0x19c: {  	[sflag:s28] =	ssyncset.done $0x0  }
0x19d: {  	s12 =	sadd.s32 $0x1080, s11;
	[sflag:s28] =	ssyncadd.s32 $0xFFFFD800  }
0x19e: {  	[spmem:s2] =	stream.indirect.scatter.add.f32 [tilespmem:s19], [sflag:$0x6], $0x80, s12, s16, $0xb8;
	[tilespmem:$0x1FC00] =	vst v63  }
0x19f: {  	_ =	swait.ge [sflag:s14], $0x2800  }
0x1a0: {  	[sflag:s14] =	ssyncset.done $0x0  }
0x1a1: {  	s12 =	sadd.s32 $0x280, s11;
	[sflag:s14] =	ssyncadd.s32 $0xFFFFD800  }
0x1a2: {  	[tilespmem:s19], [sflag:$0x2] =	stream.indirect.gather [hbm4b:s1+s16], $0x80, s12, s16, $0xb8;
	[tilespmem:$0x1FC00] =	vst v63  }
0x1a3: {  	_ =	swait.ge [sflag:s29], $0x2800  }
0x1a4: {  	[sflag:s29] =	ssyncset.done $0x0  }
0x1a5: {  	s12 =	sadd.s32 $0x1100, s11;
	[sflag:s29] =	ssyncadd.s32 $0xFFFFD800  }
0x1a6: {  	[spmem:s2] =	stream.indirect.scatter.add.f32 [tilespmem:s21], [sflag:$0x6], $0x80, s12, s16, $0xb8;
	[tilespmem:$0x1FC00] =	vst v63  }
0x1a7: {  	_ =	swait.ge [sflag:s14], $0x2800  }
0x1a8: {  	[sflag:s14] =	ssyncset.done $0x0  }
0x1a9: {  	s12 =	sadd.s32 $0x300, s11;
	[sflag:s14] =	ssyncadd.s32 $0xFFFFD800  }
0x1aa: {  	[tilespmem:s21], [sflag:$0x3] =	stream.indirect.gather [hbm4b:s1+s16], $0x80, s12, s16, $0xb8;
	[tilespmem:$0x1FC00] =	vst v63  }
0x1ab: {  	_ =	swait.ge [sflag:s30], $0x2800  }
0x1ac: {  	[sflag:s30] =	ssyncset.done $0x0  }
.Ltmp3:
0x1ad: {  	s12 =	sadd.s32 $0x1180, s11;
	[sflag:s30] =	ssyncadd.s32 $0xFFFFD800;
	(pc) =	sbr.rel @p0 .LBB2_8-.Ltmp3, $4  }
0x1ae: {  	[spmem:s2] =	stream.indirect.scatter.add.f32 [tilespmem:s23], [sflag:$0x6], $0x80, s12, s16, $0xb8;
	[tilespmem:$0x1FC00] =	vst v63  }
0x1af: {  	_ =	swait.ge [sflag:s14], $0x2800  }
0x1b0: {  	[sflag:s14] =	ssyncset.done $0x0  }
0x1b1: {  	s11 =	sadd.s32 $0x380, s11;
	[sflag:s14] =	ssyncadd.s32 $0xFFFFD800  }
0x1b2: {  	[tilespmem:s23], [sflag:$0x4] =	stream.indirect.gather [hbm4b:s1+s16], $0x80, s11, s16, $0xb8;
	[tilespmem:$0x1FC00] =	vst v63  }
0x1b3: {  	_ =	swait.ge [sflag:s26], $0x2800  }
0x1b4: {  	[sflag:s26] =	ssyncset.done $0x0  }
0x1b5: {  	[sflag:s26] =	ssyncadd.s32 $0xFFFFD800  }
0x1b6: {  	[spmem:s2] =	stream.indirect.scatter.add.f32 [tilespmem:s17], [sflag:$0x6], $0x80, s31, s16, $0xb8;
	[tilespmem:$0x1FC00] =	vst v63  }
0x1b7: {  	_ =	swait.ge [sflag:s14], $0x2800  }
0x1b8: {  	[sflag:s14] =	ssyncset.done $0x0  }
0x1b9: {  	[sflag:s14] =	ssyncadd.s32 $0xFFFFD800  }
0x1ba: {  	_ =	swait.ge [sflag:s28], $0x2800  }
0x1bb: {  	[sflag:s28] =	ssyncset.done $0x0  }
0x1bc: {  	[sflag:s28] =	ssyncadd.s32 $0xFFFFD800  }
0x1bd: {  	[spmem:s2] =	stream.indirect.scatter.add.f32 [tilespmem:s19], [sflag:$0x6], $0x80, s0, s16, $0xb8;
	[tilespmem:$0x1FC00] =	vst v63  }
0x1be: {  	_ =	swait.ge [sflag:s14], $0x2800  }
0x1bf: {  	[sflag:s14] =	ssyncset.done $0x0  }
0x1c0: {  	[sflag:s14] =	ssyncadd.s32 $0xFFFFD800  }
0x1c1: {  	_ =	swait.ge [sflag:s29], $0x2800  }
0x1c2: {  	[sflag:s29] =	ssyncset.done $0x0  }
0x1c3: {  	[sflag:s29] =	ssyncadd.s32 $0xFFFFD800  }
0x1c4: {  	[spmem:s2] =	stream.indirect.scatter.add.f32 [tilespmem:s21], [sflag:$0x6], $0x80, s3, s16, $0xb8;
	[tilespmem:$0x1FC00] =	vst v63  }
0x1c5: {  	_ =	swait.ge [sflag:s14], $0x2800  }
0x1c6: {  	[sflag:s14] =	ssyncset.done $0x0  }
0x1c7: {  	[sflag:s14] =	ssyncadd.s32 $0xFFFFD800  }
0x1c8: {  	_ =	swait.ge [sflag:s30], $0x2800  }
0x1c9: {  	[sflag:s30] =	ssyncset.done $0x0  }
0x1ca: {  	[sflag:s30] =	ssyncadd.s32 $0xFFFFD800  }
0x1cb: {  	[spmem:s2] =	stream.indirect.scatter.add.f32 [tilespmem:s23], [sflag:$0x6], $0x80, s6, s16, $0xb8;
	[tilespmem:$0x1FC00] =	vst v63  }
0x1cc: {  	_ =	swait.ge [sflag:s14], $0x2800  }
0x1cd: {  	[sflag:s14] =	ssyncset.done $0x0  }
0x1ce: {  	[sflag:s14] =	ssyncadd.s32 $0xFFFFD800  }
0x1cf: {  	s10 =	sor.u32 $0x1C06, s5;
	[bflag:$0x0] =	sbarrier.arrive $0xFFFF  }
0x1d0: {  	[hbm:s24], [sflag:s10] =	dma.local [spmem:s13], $0x2780  }
0x1d1: {  	_ =	swait.ge [sflag:s14], $0x2780  }
0x1d2: {  	s7 =	sadd.s32 $0x1, s7;
	s12 =	rddreg [dreg:$0x9]  }
0x1d3: {  	p0 =	sne.s32 s7, s12  }
.Ltmp4:
0x1d4: {  	_ = 	snop;
	(pc) =	sbr.rel @p0 .LBB2_1-.Ltmp4, $3  }
0x1d5: {  	_ =	sdelay $0x1  }
0x1d6: {  	[sflag:s14] =	ssyncset.done $0x0  }
0x1d7: {  	[sflag:s14] =	ssyncadd.s32 $0xFFFFD880  }
0x1d8: {  	_ =	sfence.sel $0x180000  }
0x1d9: {  	[bflag:$0x0] =	sbarrier.arrive $0xFFFF  }
0x1da: {  	_ =	strace $0x90000047  }
0x1db: {  	s0 =	stileid.u32;
	[bflag:$0x2] =	sbarrier.arrive $0xFFFF  }
0x1dc: {  	p0 =	sne.s32 s0, $0x0;
	s0 =	rddreg [dreg:$0x4]  }
0x1dd: {  	s0 =	sadd.s32 @!p0 $0x100000, s0  }
0x1de: {  	[sflag:s0] =	ssyncadd.tile.s32 @!p0 $0x1;
	_ =	shalt  }
.Lfunc_end2:
_tile_overlayer_lowered:
.L_overlay_start_2:
0x1df: {  	(tag) =	ssettag $0x2  }
0x1e0: {  	s0 =	rddreg [dreg:$0x0];
	s2 =	stileid.u32  }
0x1e1: {  	s1 =	rddreg [dreg:$0x1];
	p0 =	sne.s32 s2, $0x0  }
0x1e2: {  	s3 =	rddreg [dreg:$0x2];
	[bflag:$0x3] =	sbarrier.arrive $0xFFFF;
	s2 =	simm.s32 @!p0 $0x1C06  }
0x1e3: {  	[timem:s3], [sflag:s2] =	dma.local @!p0 [hbm:s0], s1  }
0x1e4: {  	s0 =	simm.s32 @!p0 $0x6  }
0x1e5: {  	_ =	swait.ge @!p0 [sflag:s0], s1  }
0x1e6: {  	s1 =	ssub.s32 @!p0 $0x0, s1;
	[sflag:s0] =	ssyncset.done @!p0 $0x0  }
0x1e7: {  	[sflag:s0] =	ssyncadd.s32 @!p0 s1  }
0x1e8: {  	[bflag:$0x3] =	sbarrier.arrive $0xFFFF  }
0x1e9: {  	_ =	shalt  }

</sc_bundles>
